<compile_context>
chip_gen: v7x
topology: tpu7x:2x2x1
jax: 0.10.2.dev20260603
libtpu: 0.0.44.dev20260713+nightly
codegen_flags: <defaults>
</compile_context>

<pallas_src>
import functools

import jax
import jax.numpy as jnp
from jax import lax
from jax.experimental import pallas as pl
from jax.experimental.pallas import tpu as pltpu
from jax.experimental.pallas import tpu_sc as plsc

_N_NODES = 10000
_N_EDGES = 320000
_D = 128
_N_GRAPHS = 128

_NC = 2
_NS = 16
_NW = _NC * _NS

_CHUNK = 128
_EDGES_PER_TILE = _N_EDGES // _NW
_CPT = 80
_PAD_EDGES = _CPT * _CHUNK - _EDGES_PER_TILE

_ACC_ROWS = _N_NODES + 16
_ROWS_PER_SUB = 624
_ZTAIL = _ACC_ROWS - _NS * _ROWS_PER_SUB
_OTAIL = _N_NODES - _NS * _ROWS_PER_SUB

_BLK = 1000

_sc_mesh = plsc.VectorSubcoreMesh(core_axis_name="c", subcore_axis_name="s")


_HCPT = _CPT // 2


@functools.partial(
    pl.kernel,
    out_type=jax.ShapeDtypeStruct((2 * _N_NODES, _D), jnp.float32),
    mesh=_sc_mesh,
    scratch_types=[
        pltpu.VMEM((_HCPT, _CHUNK), jnp.int32),
        pltpu.VMEM((_HCPT, _CHUNK), jnp.int32),
        pltpu.VMEM((_CHUNK, _D), jnp.float32),
        pltpu.VMEM((_CHUNK, _D), jnp.float32),
        pltpu.VMEM_SHARED((_ACC_ROWS, _D), jnp.float32),
        pltpu.SemaphoreType.DMA,
        pltpu.SemaphoreType.DMA,
    ],
)
def _sc_segment_sum(x_hbm, src_hbm, dst_hbm, zeros_hbm, out_hbm,
                    src_v, dst_v, rows0, rows1, acc_sh, sem0, sem1):
    c = lax.axis_index("c")
    s = lax.axis_index("s")
    wid = c * _NS + s
    row0 = s * _ROWS_PER_SUB

    pltpu.sync_copy(zeros_hbm.at[pl.ds(row0, _ROWS_PER_SUB)],
                    acc_sh.at[pl.ds(row0, _ROWS_PER_SUB)])

    @pl.when(s == 0)
    def _():
        pltpu.sync_copy(zeros_hbm.at[pl.ds(_NS * _ROWS_PER_SUB, _ZTAIL)],
                        acc_sh.at[pl.ds(_NS * _ROWS_PER_SUB, _ZTAIL)])

    plsc.subcore_barrier()

    for base in (0, _HCPT):
        pltpu.sync_copy(src_hbm.at[wid, pl.ds(base, _HCPT)], src_v)
        pltpu.sync_copy(dst_hbm.at[wid, pl.ds(base, _HCPT)], dst_v)
        pltpu.async_copy(x_hbm.at[src_v.at[0]], rows0, sem0)
        pltpu.async_copy(x_hbm.at[src_v.at[1]], rows1, sem1)

        @pl.loop(0, _HCPT - 2, step=2)
        def _(i):
            pltpu.make_async_copy(x_hbm.at[src_v.at[i]], rows0, sem0).wait()
            pltpu.sync_copy(rows0, acc_sh.at[dst_v.at[i]], add=True)
            pltpu.async_copy(x_hbm.at[src_v.at[i + 2]], rows0, sem0)
            pltpu.make_async_copy(x_hbm.at[src_v.at[i + 1]], rows1, sem1).wait()
            pltpu.sync_copy(rows1, acc_sh.at[dst_v.at[i + 1]], add=True)
            pltpu.async_copy(x_hbm.at[src_v.at[i + 3]], rows1, sem1)

        pltpu.make_async_copy(x_hbm.at[src_v.at[_HCPT - 2]], rows0, sem0).wait()
        pltpu.sync_copy(rows0, acc_sh.at[dst_v.at[_HCPT - 2]], add=True)
        pltpu.make_async_copy(x_hbm.at[src_v.at[_HCPT - 1]], rows1, sem1).wait()
        pltpu.sync_copy(rows1, acc_sh.at[dst_v.at[_HCPT - 1]], add=True)

    plsc.subcore_barrier()
    pltpu.sync_copy(acc_sh.at[pl.ds(row0, _ROWS_PER_SUB)],
                    out_hbm.at[pl.ds(c * _N_NODES + row0, _ROWS_PER_SUB)])

    @pl.when(s == 0)
    def _():
        pltpu.sync_copy(acc_sh.at[pl.ds(_NS * _ROWS_PER_SUB, _OTAIL)],
                        out_hbm.at[pl.ds(c * _N_NODES + _NS * _ROWS_PER_SUB, _OTAIL)])


def _gin_update(eps_ref, x_ref, a0_ref, a1_ref, W1_ref, b1_ref, W2_ref, b2_ref):
    h = (1.0 + eps_ref[0, 0]) * x_ref[...] + a0_ref[...] + a1_ref[...]
    h = jnp.maximum(
        jnp.dot(h, W1_ref[...], preferred_element_type=jnp.float32) + b1_ref[...], 0.0)
    h = jnp.maximum(
        jnp.dot(h, W2_ref[...], preferred_element_type=jnp.float32) + b2_ref[...], 0.0)
    return h


def _mlp_body(eps_ref, x_ref, a0_ref, a1_ref, W1_ref, b1_ref, W2_ref, b2_ref, o_ref):
    o_ref[...] = _gin_update(eps_ref, x_ref, a0_ref, a1_ref,
                             W1_ref, b1_ref, W2_ref, b2_ref)


def _mlp(eps, x, agg2, W1, b1, W2, b2):
    grid = _N_NODES // _BLK
    return pl.pallas_call(
        _mlp_body,
        grid=(grid,),
        in_specs=[
            pl.BlockSpec((1, 1), lambda i: (0, 0)),
            pl.BlockSpec((_BLK, _D), lambda i: (i, 0)),
            pl.BlockSpec((_BLK, _D), lambda i: (i, 0)),
            pl.BlockSpec((_BLK, _D), lambda i: (i + grid, 0)),
            pl.BlockSpec((_D, _D), lambda i: (0, 0)),
            pl.BlockSpec((1, _D), lambda i: (0, 0)),
            pl.BlockSpec((_D, _D), lambda i: (0, 0)),
            pl.BlockSpec((1, _D), lambda i: (0, 0)),
        ],
        out_specs=pl.BlockSpec((_BLK, _D), lambda i: (i, 0)),
        out_shape=jax.ShapeDtypeStruct((_N_NODES, _D), jnp.float32),
    )(eps.reshape(1, 1), x, agg2, agg2, W1, b1.reshape(1, _D), W2, b2.reshape(1, _D))


def _mlp_pool_body(eps_ref, batch_ref, x_ref, a0_ref, a1_ref,
                   W1_ref, b1_ref, W2_ref, b2_ref,
                   l1W_ref, l1b_ref, l2W_ref, l2b_ref, o_ref, acc_ref):
    i = pl.program_id(0)

    @pl.when(i == 0)
    def _():
        acc_ref[...] = jnp.zeros_like(acc_ref)

    h = _gin_update(eps_ref, x_ref, a0_ref, a1_ref, W1_ref, b1_ref, W2_ref, b2_ref)
    gids = batch_ref[0, 0, :]
    onehot = (gids[None, :] ==
              lax.broadcasted_iota(jnp.int32, (_N_GRAPHS, _BLK), 0)).astype(jnp.float32)
    acc_ref[...] += jnp.dot(onehot, h, preferred_element_type=jnp.float32)

    @pl.when(i == pl.num_programs(0) - 1)
    def _():
        pooled = acc_ref[...]
        y = jnp.maximum(
            jnp.dot(pooled, l1W_ref[...], preferred_element_type=jnp.float32)
            + l1b_ref[...], 0.0)
        o_ref[...] = jnp.sum(y * l2W_ref[...], axis=1, keepdims=True) + l2b_ref[0, 0]


def _mlp_pool(eps, batch3, x, agg2, W1, b1, W2, b2, l1W, l1b, l2W, l2b):
    grid = _N_NODES // _BLK
    return pl.pallas_call(
        _mlp_pool_body,
        grid=(grid,),
        in_specs=[
            pl.BlockSpec((1, 1), lambda i: (0, 0)),
            pl.BlockSpec((1, 1, _BLK), lambda i: (i, 0, 0)),
            pl.BlockSpec((_BLK, _D), lambda i: (i, 0)),
            pl.BlockSpec((_BLK, _D), lambda i: (i, 0)),
            pl.BlockSpec((_BLK, _D), lambda i: (i + grid, 0)),
            pl.BlockSpec((_D, _D), lambda i: (0, 0)),
            pl.BlockSpec((1, _D), lambda i: (0, 0)),
            pl.BlockSpec((_D, _D), lambda i: (0, 0)),
            pl.BlockSpec((1, _D), lambda i: (0, 0)),
            pl.BlockSpec((_D, _D), lambda i: (0, 0)),
            pl.BlockSpec((1, _D), lambda i: (0, 0)),
            pl.BlockSpec((1, _D), lambda i: (0, 0)),
            pl.BlockSpec((1, 1), lambda i: (0, 0)),
        ],
        out_specs=pl.BlockSpec((_N_GRAPHS, 1), lambda i: (0, 0)),
        out_shape=jax.ShapeDtypeStruct((_N_GRAPHS, 1), jnp.float32),
        scratch_shapes=[pltpu.VMEM((_N_GRAPHS, _D), jnp.float32)],
    )(eps.reshape(1, 1), batch3, x, agg2, agg2,
      W1, b1.reshape(1, _D), W2, b2.reshape(1, _D),
      l1W, l1b.reshape(1, _D), l2W.reshape(1, _D), l2b.reshape(1, 1))


def kernel(x, edge_index, edge_attr, batch,
           eps_0, W1_0, b1_0, W2_0, b2_0,
           eps_1, W1_1, b1_1, W2_1, b2_1,
           eps_2, W1_2, b1_2, W2_2, b2_2,
           lin1_W, lin1_b, lin2_W, lin2_b):
    ei = edge_index.astype(jnp.int32)
    src = ei[0].reshape(_NW, _EDGES_PER_TILE)
    dst = ei[1].reshape(_NW, _EDGES_PER_TILE)
    src_p = jnp.pad(src, ((0, 0), (0, _PAD_EDGES))).reshape(_NW, _CPT, _CHUNK)
    dst_p = jnp.pad(dst, ((0, 0), (0, _PAD_EDGES)),
                    constant_values=_N_NODES).reshape(_NW, _CPT, _CHUNK)
    zeros = jnp.zeros((_ACC_ROWS, _D), jnp.float32)
    batch3 = batch.astype(jnp.int32).reshape(_N_NODES // _BLK, 1, _BLK)

    agg2 = _sc_segment_sum(x, src_p, dst_p, zeros)
    h = _mlp(eps_0, x, agg2, W1_0, b1_0, W2_0, b2_0)
    agg2 = _sc_segment_sum(h, src_p, dst_p, zeros)
    h = _mlp(eps_1, h, agg2, W1_1, b1_1, W2_1, b2_1)
    agg2 = _sc_segment_sum(h, src_p, dst_p, zeros)
    return _mlp_pool(eps_2, batch3, h, agg2, W1_2, b1_2, W2_2, b2_2,
                     lin1_W, lin1_b, lin2_W, lin2_b)

# --- scband reference (transcript-rebuilt; emitter-appended) ---
"""Pipeline reference for scband-ginnet-1726576853642 (READ-ONLY COPY).

The authoritative reference and input builder live on the scoring server;
editing this copy changes nothing except your own understanding.
"""

import jax, jax.numpy as jnp
import numpy as np

N_NODES = 10000
N_EDGES = 320000
D_FEAT = 128
HIDDEN = 128
N_GRAPHS = 128


def setup_inputs(seed: int = 0) -> dict:
    key = jax.random.key(seed)
    ks = jax.random.split(key, 24)
    inp = {}
    inp['x'] = jax.random.normal(ks[0], (N_NODES, D_FEAT), dtype=jnp.float32)
    inp['edge_index'] = jax.random.randint(ks[1], (2, N_EDGES), 0, N_NODES, dtype=jnp.int64)
    inp['edge_attr'] = jax.random.normal(ks[2], (N_EDGES, 16), dtype=jnp.float32)
    inp['batch'] = jnp.sort(jax.random.randint(ks[3], (N_NODES,), 0, N_GRAPHS, dtype=jnp.int64))
    # GIN conv parameters: conv0 maps D_FEAT->HIDDEN, conv1/conv2 map HIDDEN->HIDDEN
    dims_in = [D_FEAT, HIDDEN, HIDDEN]
    ki = 4
    for l in range(3):
        din = dims_in[l]
        inp[f'eps_{l}'] = jnp.zeros((), dtype=jnp.float32)
        inp[f'W1_{l}'] = jax.random.normal(ks[ki], (din, HIDDEN), dtype=jnp.float32) * (1.0 / np.sqrt(din)); ki += 1
        inp[f'b1_{l}'] = jnp.zeros((HIDDEN,), dtype=jnp.float32)
        inp[f'W2_{l}'] = jax.random.normal(ks[ki], (HIDDEN, HIDDEN), dtype=jnp.float32) * (1.0 / np.sqrt(HIDDEN)); ki += 1
        inp[f'b2_{l}'] = jnp.zeros((HIDDEN,), dtype=jnp.float32)
    inp['lin1_W'] = jax.random.normal(ks[ki], (HIDDEN, HIDDEN), dtype=jnp.float32) * (1.0 / np.sqrt(HIDDEN)); ki += 1
    inp['lin1_b'] = jnp.zeros((HIDDEN,), dtype=jnp.float32)
    inp['lin2_W'] = jax.random.normal(ks[ki], (HIDDEN, 1), dtype=jnp.float32) * (1.0 / np.sqrt(HIDDEN)); ki += 1
    inp['lin2_b'] = jnp.zeros((1,), dtype=jnp.float32)
    return inp


def _gin_conv(x, edge_index, eps, W1, b1, W2, b2):
    src = edge_index[0]
    dst = edge_index[1]
    # sum aggregation of neighbor (source) features at destination nodes
    agg = jax.ops.segment_sum(x[src], dst, num_segments=N_NODES)
    h = (1.0 + eps) * x + agg
    h = jax.nn.relu(h @ W1 + b1)
    h = jax.nn.relu(h @ W2 + b2)
    return h


def reference(x, edge_index, edge_attr, batch,
              eps_0, W1_0, b1_0, W2_0, b2_0,
              eps_1, W1_1, b1_1, W2_1, b2_1,
              eps_2, W1_2, b1_2, W2_2, b2_2,
              lin1_W, lin1_b, lin2_W, lin2_b):
    # edge_attr is accepted by the original forward but unused by GINConv
    h = _gin_conv(x, edge_index, eps_0, W1_0, b1_0, W2_0, b2_0)
    h = _gin_conv(h, edge_index, eps_1, W1_1, b1_1, W2_1, b2_1)
    h = _gin_conv(h, edge_index, eps_2, W1_2, b1_2, W2_2, b2_2)
    pooled = jax.ops.segment_sum(h, batch, num_segments=N_GRAPHS)  # global_add_pool
    out = jax.nn.relu(pooled @ lin1_W + lin1_b)
    out = out @ lin2_W + lin2_b
    return out

if __name__ == "__main__":
    import jax
    _d = setup_inputs()
    print(jax.jit(kernel)(*tuple(_d.values())))

</pallas_src>

<mosaic_0001>
#map = affine_map<(d0, d1) -> (0, 0)>
#map1 = affine_map<(d0, d1) -> (0, 0, 0)>
module attributes {stable_mosaic.version = 14 : i64} {
  func.func @_sc_segment_sum(%arg0: i32, %arg1: i32, %arg2: memref<10000x128xf32, #tpu.memory_space<hbm>>, %arg3: memref<32x80x128xi32, #tpu.memory_space<hbm>>, %arg4: memref<32x80x128xi32, #tpu.memory_space<hbm>>, %arg5: memref<10016x128xf32, #tpu.memory_space<hbm>>, %arg6: memref<20000x128xf32, #tpu.memory_space<hbm>>, %arg7: memref<40x128xi32, #tpu.memory_space<vmem>>, %arg8: memref<40x128xi32, #tpu.memory_space<vmem>>, %arg9: memref<128x128xf32, #tpu.memory_space<vmem>>, %arg10: memref<128x128xf32, #tpu.memory_space<vmem>>, %arg11: memref<10016x128xf32, #tpu.memory_space<vmem_shared>>, %arg12: memref<!tpu.dma_semaphore, #tpu.memory_space<semaphore_mem>>, %arg13: memref<!tpu.dma_semaphore, #tpu.memory_space<semaphore_mem>>) attributes {dimension_semantics = [#tpu.dimension_semantics<core_parallel>, #tpu.dimension_semantics<subcore_parallel>], iteration_bounds = array<i64: 2, 16>, scalar_prefetch = 0 : i64, scratch_operands = 7 : i64, tpu.core_type = #tpu.core_type<sc_vector_subcore>, window_params = [{transform_indices = #map}, {transform_indices = #map1}, {transform_indices = #map1}, {transform_indices = #map}, {transform_indices = #map}]} {
    %mul3A = arith.constant 16 : i32
    %mul3A_0 = arith.muli %arg0, %mul3A : i32
    %add3A = arith.addi %mul3A_0, %arg1 : i32
    %mul3A_1 = arith.constant 624 : i32
    %mul3A_2 = arith.muli %arg1, %mul3A_1 : i32
    "tpu.region"() ({
      %run_scoped3A_80 = tpu.sem_alloc : memref<!tpu.dma_semaphore, #tpu.memory_space<semaphore_mem>>
      %dma_start3A_81 = arith.constant 0 : i32
      %dma_start3A_82 = tpu.memref_slice %arg11[%mul3A_2, %dma_start3A_81] : memref<10016x128xf32, #tpu.memory_space<vmem_shared>> -> memref<624x128xf32, #tpu.memory_space<vmem_shared>>
      %dma_start3A_83 = arith.constant 0 : i32
      %dma_start3A_84 = tpu.memref_slice %arg5[%mul3A_2, %dma_start3A_83] : memref<10016x128xf32, #tpu.memory_space<hbm>> -> memref<624x128xf32, #tpu.memory_space<hbm>>
      tpu.enqueue_dma source(%dma_start3A_84 : memref<624x128xf32, #tpu.memory_space<hbm>>) target(%dma_start3A_82 : memref<624x128xf32, #tpu.memory_space<vmem_shared>>) target_semaphore(%run_scoped3A_80 : memref<!tpu.dma_semaphore, #tpu.memory_space<semaphore_mem>>)
      %dma_wait3A_85 = arith.constant 0 : i32
      %dma_wait3A_86 = tpu.memref_slice %arg11[%mul3A_2, %dma_wait3A_85] : memref<10016x128xf32, #tpu.memory_space<vmem_shared>> -> memref<624x128xf32, #tpu.memory_space<vmem_shared>>
      %dma_wait3A_87 = arith.constant 0 : i32
      %dma_wait3A_88 = tpu.memref_slice %arg5[%mul3A_2, %dma_wait3A_87] : memref<10016x128xf32, #tpu.memory_space<hbm>> -> memref<624x128xf32, #tpu.memory_space<hbm>>
      tpu.wait_dma2 semaphore(%run_scoped3A_80 : memref<!tpu.dma_semaphore, #tpu.memory_space<semaphore_mem>>) src(%dma_wait3A_88 : memref<624x128xf32, #tpu.memory_space<hbm>>) dst(%dma_wait3A_86 : memref<624x128xf32, #tpu.memory_space<vmem_shared>>)
      tpu.yield
    }) : () -> ()
    %eq3A = arith.constant 0 : i32
    %eq3A_3 = arith.cmpi eq, %arg1, %eq3A : i32
    %convert_element_type3A = arith.extui %eq3A_3 : i1 to i32
    %cond3A = arith.constant 0 : i32
    %cond3A_4 = arith.cmpi ne, %convert_element_type3A, %cond3A : i32
    scf.if %cond3A_4 {
      "tpu.region"() ({
        %run_scoped3A_80 = tpu.sem_alloc : memref<!tpu.dma_semaphore, #tpu.memory_space<semaphore_mem>>
        %dma_start3A_81 = arith.constant 9984 : i32
        %dma_start3A_82 = arith.constant 0 : i32
        %dma_start3A_83 = tpu.memref_slice %arg11[%dma_start3A_81, %dma_start3A_82] : memref<10016x128xf32, #tpu.memory_space<vmem_shared>> -> memref<32x128xf32, #tpu.memory_space<vmem_shared>>
        %dma_start3A_84 = arith.constant 9984 : i32
        %dma_start3A_85 = arith.constant 0 : i32
        %dma_start3A_86 = tpu.memref_slice %arg5[%dma_start3A_84, %dma_start3A_85] : memref<10016x128xf32, #tpu.memory_space<hbm>> -> memref<32x128xf32, #tpu.memory_space<hbm>>
        tpu.enqueue_dma source(%dma_start3A_86 : memref<32x128xf32, #tpu.memory_space<hbm>>) target(%dma_start3A_83 : memref<32x128xf32, #tpu.memory_space<vmem_shared>>) target_semaphore(%run_scoped3A_80 : memref<!tpu.dma_semaphore, #tpu.memory_space<semaphore_mem>>)
        %dma_wait3A_87 = arith.constant 9984 : i32
        %dma_wait3A_88 = arith.constant 0 : i32
        %dma_wait3A_89 = tpu.memref_slice %arg11[%dma_wait3A_87, %dma_wait3A_88] : memref<10016x128xf32, #tpu.memory_space<vmem_shared>> -> memref<32x128xf32, #tpu.memory_space<vmem_shared>>
        %dma_wait3A_90 = arith.constant 9984 : i32
        %dma_wait3A_91 = arith.constant 0 : i32
        %dma_wait3A_92 = tpu.memref_slice %arg5[%dma_wait3A_90, %dma_wait3A_91] : memref<10016x128xf32, #tpu.memory_space<hbm>> -> memref<32x128xf32, #tpu.memory_space<hbm>>
        tpu.wait_dma2 semaphore(%run_scoped3A_80 : memref<!tpu.dma_semaphore, #tpu.memory_space<semaphore_mem>>) src(%dma_wait3A_92 : memref<32x128xf32, #tpu.memory_space<hbm>>) dst(%dma_wait3A_89 : memref<32x128xf32, #tpu.memory_space<vmem_shared>>)
        tpu.yield
      }) : () -> ()
    } else {
    }
    %barrier3A = arith.constant 0 : index
    tpu.barrier barrier_id(%barrier3A)
    "tpu.region"() ({
      %run_scoped3A_80 = tpu.sem_alloc : memref<!tpu.dma_semaphore, #tpu.memory_space<semaphore_mem>>
      %dma_start3A_81 = arith.constant 0 : i32
      %dma_start3A_82 = arith.constant 0 : i32
      %dma_start3A_83 = tpu.memref_slice %arg3[%add3A, %dma_start3A_81, %dma_start3A_82] : memref<32x80x128xi32, #tpu.memory_space<hbm>> -> memref<1x40x128xi32, #tpu.memory_space<hbm>>
      %dma_start3A_84 = tpu.memref_squeeze %dma_start3A_83 : memref<1x40x128xi32, #tpu.memory_space<hbm>> -> memref<40x128xi32, #tpu.memory_space<hbm>>
      %dma_start3A_85 = arith.constant 0 : i32
      %dma_start3A_86 = arith.constant 0 : i32
      %dma_start3A_87 = tpu.memref_slice %arg3[%add3A, %dma_start3A_85, %dma_start3A_86] : memref<32x80x128xi32, #tpu.memory_space<hbm>> -> memref<1x40x128xi32, #tpu.memory_space<hbm>>
      %dma_start3A_88 = tpu.memref_squeeze %dma_start3A_87 : memref<1x40x128xi32, #tpu.memory_space<hbm>> -> memref<40x128xi32, #tpu.memory_space<hbm>>
      tpu.enqueue_dma source(%dma_start3A_88 : memref<40x128xi32, #tpu.memory_space<hbm>>) target(%arg7 : memref<40x128xi32, #tpu.memory_space<vmem>>) target_semaphore(%run_scoped3A_80 : memref<!tpu.dma_semaphore, #tpu.memory_space<semaphore_mem>>)
      %dma_wait3A_89 = arith.constant 0 : i32
      %dma_wait3A_90 = arith.constant 0 : i32
      %dma_wait3A_91 = tpu.memref_slice %arg3[%add3A, %dma_wait3A_89, %dma_wait3A_90] : memref<32x80x128xi32, #tpu.memory_space<hbm>> -> memref<1x40x128xi32, #tpu.memory_space<hbm>>
      %dma_wait3A_92 = tpu.memref_squeeze %dma_wait3A_91 : memref<1x40x128xi32, #tpu.memory_space<hbm>> -> memref<40x128xi32, #tpu.memory_space<hbm>>
      %dma_wait3A_93 = arith.constant 0 : i32
      %dma_wait3A_94 = arith.constant 0 : i32
      %dma_wait3A_95 = tpu.memref_slice %arg3[%add3A, %dma_wait3A_93, %dma_wait3A_94] : memref<32x80x128xi32, #tpu.memory_space<hbm>> -> memref<1x40x128xi32, #tpu.memory_space<hbm>>
      %dma_wait3A_96 = tpu.memref_squeeze %dma_wait3A_95 : memref<1x40x128xi32, #tpu.memory_space<hbm>> -> memref<40x128xi32, #tpu.memory_space<hbm>>
      tpu.wait_dma2 semaphore(%run_scoped3A_80 : memref<!tpu.dma_semaphore, #tpu.memory_space<semaphore_mem>>) src(%dma_wait3A_96 : memref<40x128xi32, #tpu.memory_space<hbm>>) dst(%arg7 : memref<40x128xi32, #tpu.memory_space<vmem>>)
      tpu.yield
    }) : () -> ()
    "tpu.region"() ({
      %run_scoped3A_80 = tpu.sem_alloc : memref<!tpu.dma_semaphore, #tpu.memory_space<semaphore_mem>>
      %dma_start3A_81 = arith.constant 0 : i32
      %dma_start3A_82 = arith.constant 0 : i32
      %dma_start3A_83 = tpu.memref_slice %arg4[%add3A, %dma_start3A_81, %dma_start3A_82] : memref<32x80x128xi32, #tpu.memory_space<hbm>> -> memref<1x40x128xi32, #tpu.memory_space<hbm>>
      %dma_start3A_84 = tpu.memref_squeeze %dma_start3A_83 : memref<1x40x128xi32, #tpu.memory_space<hbm>> -> memref<40x128xi32, #tpu.memory_space<hbm>>
      %dma_start3A_85 = arith.constant 0 : i32
      %dma_start3A_86 = arith.constant 0 : i32
      %dma_start3A_87 = tpu.memref_slice %arg4[%add3A, %dma_start3A_85, %dma_start3A_86] : memref<32x80x128xi32, #tpu.memory_space<hbm>> -> memref<1x40x128xi32, #tpu.memory_space<hbm>>
      %dma_start3A_88 = tpu.memref_squeeze %dma_start3A_87 : memref<1x40x128xi32, #tpu.memory_space<hbm>> -> memref<40x128xi32, #tpu.memory_space<hbm>>
      tpu.enqueue_dma source(%dma_start3A_88 : memref<40x128xi32, #tpu.memory_space<hbm>>) target(%arg8 : memref<40x128xi32, #tpu.memory_space<vmem>>) target_semaphore(%run_scoped3A_80 : memref<!tpu.dma_semaphore, #tpu.memory_space<semaphore_mem>>)
      %dma_wait3A_89 = arith.constant 0 : i32
      %dma_wait3A_90 = arith.constant 0 : i32
      %dma_wait3A_91 = tpu.memref_slice %arg4[%add3A, %dma_wait3A_89, %dma_wait3A_90] : memref<32x80x128xi32, #tpu.memory_space<hbm>> -> memref<1x40x128xi32, #tpu.memory_space<hbm>>
      %dma_wait3A_92 = tpu.memref_squeeze %dma_wait3A_91 : memref<1x40x128xi32, #tpu.memory_space<hbm>> -> memref<40x128xi32, #tpu.memory_space<hbm>>
      %dma_wait3A_93 = arith.constant 0 : i32
      %dma_wait3A_94 = arith.constant 0 : i32
      %dma_wait3A_95 = tpu.memref_slice %arg4[%add3A, %dma_wait3A_93, %dma_wait3A_94] : memref<32x80x128xi32, #tpu.memory_space<hbm>> -> memref<1x40x128xi32, #tpu.memory_space<hbm>>
      %dma_wait3A_96 = tpu.memref_squeeze %dma_wait3A_95 : memref<1x40x128xi32, #tpu.memory_space<hbm>> -> memref<40x128xi32, #tpu.memory_space<hbm>>
      tpu.wait_dma2 semaphore(%run_scoped3A_80 : memref<!tpu.dma_semaphore, #tpu.memory_space<semaphore_mem>>) src(%dma_wait3A_96 : memref<40x128xi32, #tpu.memory_space<hbm>>) dst(%arg8 : memref<40x128xi32, #tpu.memory_space<vmem>>)
      tpu.yield
    }) : () -> ()
    %dma_start3A = arith.constant 0 : i32
    %dma_start3A_5 = arith.constant 0 : i32
    %dma_start3A_6 = tpu.memref_slice %arg7[%dma_start3A, %dma_start3A_5] : memref<40x128xi32, #tpu.memory_space<vmem>> -> memref<1x128xi32, #tpu.memory_space<vmem>>
    %dma_start3A_7 = tpu.memref_squeeze %dma_start3A_6 : memref<1x128xi32, #tpu.memory_space<vmem>> -> memref<128xi32, #tpu.memory_space<vmem>>
    %dma_start3A_8 = arith.constant 0 : i32
    %dma_start3A_9 = arith.constant 0 : i32
    %dma_start3A_10 = tpu.memref_slice %arg2[%dma_start3A_8, %dma_start3A_9] : memref<10000x128xf32, #tpu.memory_space<hbm>> -> memref<10000x128xf32, #tpu.memory_space<hbm>>
    tpu.enqueue_indirect_dma source(%dma_start3A_10 : memref<10000x128xf32, #tpu.memory_space<hbm>>) target(%arg9 : memref<128x128xf32, #tpu.memory_space<vmem>>) offsets(%dma_start3A_7 : memref<128xi32, #tpu.memory_space<vmem>>) semaphore(%arg12 : memref<!tpu.dma_semaphore, #tpu.memory_space<semaphore_mem>>)
    %dma_start3A_11 = arith.constant 1 : i32
    %dma_start3A_12 = arith.constant 0 : i32
    %dma_start3A_13 = tpu.memref_slice %arg7[%dma_start3A_11, %dma_start3A_12] : memref<40x128xi32, #tpu.memory_space<vmem>> -> memref<1x128xi32, #tpu.memory_space<vmem>>
    %dma_start3A_14 = tpu.memref_squeeze %dma_start3A_13 : memref<1x128xi32, #tpu.memory_space<vmem>> -> memref<128xi32, #tpu.memory_space<vmem>>
    %dma_start3A_15 = arith.constant 0 : i32
    %dma_start3A_16 = arith.constant 0 : i32
    %dma_start3A_17 = tpu.memref_slice %arg2[%dma_start3A_15, %dma_start3A_16] : memref<10000x128xf32, #tpu.memory_space<hbm>> -> memref<10000x128xf32, #tpu.memory_space<hbm>>
    tpu.enqueue_indirect_dma source(%dma_start3A_17 : memref<10000x128xf32, #tpu.memory_space<hbm>>) target(%arg10 : memref<128x128xf32, #tpu.memory_space<vmem>>) offsets(%dma_start3A_14 : memref<128xi32, #tpu.memory_space<vmem>>) semaphore(%arg13 : memref<!tpu.dma_semaphore, #tpu.memory_space<semaphore_mem>>)
    %scan3A = arith.constant 0 : i32
    %scan3A_18 = arith.constant 19 : i32
    %scan3A_19 = arith.addi %scan3A, %scan3A_18 : i32
    %scan3A_20 = arith.constant 1 : i32
    scf.for %scan3A_80 = %scan3A to %scan3A_19 step %scan3A_20  : i32 {
      %mul3A_81 = arith.constant 2 : i32
      %mul3A_82 = arith.muli %scan3A_80, %mul3A_81 : i32
      %add3A_83 = arith.constant 0 : i32
      %add3A_84 = arith.addi %add3A_83, %mul3A_82 : i32
      %dma_wait3A_85 = arith.constant 0 : i32
      %dma_wait3A_86 = tpu.memref_slice %arg7[%add3A_84, %dma_wait3A_85] : memref<40x128xi32, #tpu.memory_space<vmem>> -> memref<1x128xi32, #tpu.memory_space<vmem>>
      %dma_wait3A_87 = tpu.memref_squeeze %dma_wait3A_86 : memref<1x128xi32, #tpu.memory_space<vmem>> -> memref<128xi32, #tpu.memory_space<vmem>>
      %dma_wait3A_88 = arith.constant 0 : i32
      %dma_wait3A_89 = arith.constant 0 : i32
      %dma_wait3A_90 = tpu.memref_slice %arg2[%dma_wait3A_88, %dma_wait3A_89] : memref<10000x128xf32, #tpu.memory_space<hbm>> -> memref<10000x128xf32, #tpu.memory_space<hbm>>
      tpu.wait_indirect_dma semaphore(%arg12 : memref<!tpu.dma_semaphore, #tpu.memory_space<semaphore_mem>>) src(%dma_wait3A_90 : memref<10000x128xf32, #tpu.memory_space<hbm>>) dst(%arg9 : memref<128x128xf32, #tpu.memory_space<vmem>>)
      "tpu.region"() ({
        %run_scoped3A_117 = tpu.sem_alloc : memref<!tpu.dma_semaphore, #tpu.memory_space<semaphore_mem>>
        %dma_start3A_118 = arith.constant 0 : i32
        %dma_start3A_119 = tpu.memref_slice %arg8[%add3A_84, %dma_start3A_118] : memref<40x128xi32, #tpu.memory_space<vmem>> -> memref<1x128xi32, #tpu.memory_space<vmem>>
        %dma_start3A_120 = tpu.memref_squeeze %dma_start3A_119 : memref<1x128xi32, #tpu.memory_space<vmem>> -> memref<128xi32, #tpu.memory_space<vmem>>
        %dma_start3A_121 = arith.constant 0 : i32
        %dma_start3A_122 = arith.constant 0 : i32
        %dma_start3A_123 = tpu.memref_slice %arg11[%dma_start3A_121, %dma_start3A_122] : memref<10016x128xf32, #tpu.memory_space<vmem_shared>> -> memref<10016x128xf32, #tpu.memory_space<vmem_shared>>
        tpu.enqueue_indirect_dma source(%arg9 : memref<128x128xf32, #tpu.memory_space<vmem>>) target(%dma_start3A_123 : memref<10016x128xf32, #tpu.memory_space<vmem_shared>>) offsets(%dma_start3A_120 : memref<128xi32, #tpu.memory_space<vmem>>) semaphore(%run_scoped3A_117 : memref<!tpu.dma_semaphore, #tpu.memory_space<semaphore_mem>>) {add = true}
        %dma_wait3A_124 = arith.constant 0 : i32
        %dma_wait3A_125 = tpu.memref_slice %arg8[%add3A_84, %dma_wait3A_124] : memref<40x128xi32, #tpu.memory_space<vmem>> -> memref<1x128xi32, #tpu.memory_space<vmem>>
        %dma_wait3A_126 = tpu.memref_squeeze %dma_wait3A_125 : memref<1x128xi32, #tpu.memory_space<vmem>> -> memref<128xi32, #tpu.memory_space<vmem>>
        %dma_wait3A_127 = arith.constant 0 : i32
        %dma_wait3A_128 = arith.constant 0 : i32
        %dma_wait3A_129 = tpu.memref_slice %arg11[%dma_wait3A_127, %dma_wait3A_128] : memref<10016x128xf32, #tpu.memory_space<vmem_shared>> -> memref<10016x128xf32, #tpu.memory_space<vmem_shared>>
        tpu.wait_indirect_dma semaphore(%run_scoped3A_117 : memref<!tpu.dma_semaphore, #tpu.memory_space<semaphore_mem>>) src(%arg9 : memref<128x128xf32, #tpu.memory_space<vmem>>) dst(%dma_wait3A_129 : memref<10016x128xf32, #tpu.memory_space<vmem_shared>>)
        tpu.yield
      }) : () -> ()
      %add3A_91 = arith.constant 2 : i32
      %add3A_92 = arith.addi %add3A_84, %add3A_91 : i32
      %dma_start3A_93 = arith.constant 0 : i32
      %dma_start3A_94 = tpu.memref_slice %arg7[%add3A_92, %dma_start3A_93] : memref<40x128xi32, #tpu.memory_space<vmem>> -> memref<1x128xi32, #tpu.memory_space<vmem>>
      %dma_start3A_95 = tpu.memref_squeeze %dma_start3A_94 : memref<1x128xi32, #tpu.memory_space<vmem>> -> memref<128xi32, #tpu.memory_space<vmem>>
      %dma_start3A_96 = arith.constant 0 : i32
      %dma_start3A_97 = arith.constant 0 : i32
      %dma_start3A_98 = tpu.memref_slice %arg2[%dma_start3A_96, %dma_start3A_97] : memref<10000x128xf32, #tpu.memory_space<hbm>> -> memref<10000x128xf32, #tpu.memory_space<hbm>>
      tpu.enqueue_indirect_dma source(%dma_start3A_98 : memref<10000x128xf32, #tpu.memory_space<hbm>>) target(%arg9 : memref<128x128xf32, #tpu.memory_space<vmem>>) offsets(%dma_start3A_95 : memref<128xi32, #tpu.memory_space<vmem>>) semaphore(%arg12 : memref<!tpu.dma_semaphore, #tpu.memory_space<semaphore_mem>>)
      %add3A_99 = arith.constant 1 : i32
      %add3A_100 = arith.addi %add3A_84, %add3A_99 : i32
      %dma_wait3A_101 = arith.constant 0 : i32
      %dma_wait3A_102 = tpu.memref_slice %arg7[%add3A_100, %dma_wait3A_101] : memref<40x128xi32, #tpu.memory_space<vmem>> -> memref<1x128xi32, #tpu.memory_space<vmem>>
      %dma_wait3A_103 = tpu.memref_squeeze %dma_wait3A_102 : memref<1x128xi32, #tpu.memory_space<vmem>> -> memref<128xi32, #tpu.memory_space<vmem>>
      %dma_wait3A_104 = arith.constant 0 : i32
      %dma_wait3A_105 = arith.constant 0 : i32
      %dma_wait3A_106 = tpu.memref_slice %arg2[%dma_wait3A_104, %dma_wait3A_105] : memref<10000x128xf32, #tpu.memory_space<hbm>> -> memref<10000x128xf32, #tpu.memory_space<hbm>>
      tpu.wait_indirect_dma semaphore(%arg13 : memref<!tpu.dma_semaphore, #tpu.memory_space<semaphore_mem>>) src(%dma_wait3A_106 : memref<10000x128xf32, #tpu.memory_space<hbm>>) dst(%arg10 : memref<128x128xf32, #tpu.memory_space<vmem>>)
      %add3A_107 = arith.constant 1 : i32
      %add3A_108 = arith.addi %add3A_84, %add3A_107 : i32
      "tpu.region"() ({
        %run_scoped3A_117 = tpu.sem_alloc : memref<!tpu.dma_semaphore, #tpu.memory_space<semaphore_mem>>
        %dma_start3A_118 = arith.constant 0 : i32
        %dma_start3A_119 = tpu.memref_slice %arg8[%add3A_108, %dma_start3A_118] : memref<40x128xi32, #tpu.memory_space<vmem>> -> memref<1x128xi32, #tpu.memory_space<vmem>>
        %dma_start3A_120 = tpu.memref_squeeze %dma_start3A_119 : memref<1x128xi32, #tpu.memory_space<vmem>> -> memref<128xi32, #tpu.memory_space<vmem>>
        %dma_start3A_121 = arith.constant 0 : i32
        %dma_start3A_122 = arith.constant 0 : i32
        %dma_start3A_123 = tpu.memref_slice %arg11[%dma_start3A_121, %dma_start3A_122] : memref<10016x128xf32, #tpu.memory_space<vmem_shared>> -> memref<10016x128xf32, #tpu.memory_space<vmem_shared>>
        tpu.enqueue_indirect_dma source(%arg10 : memref<128x128xf32, #tpu.memory_space<vmem>>) target(%dma_start3A_123 : memref<10016x128xf32, #tpu.memory_space<vmem_shared>>) offsets(%dma_start3A_120 : memref<128xi32, #tpu.memory_space<vmem>>) semaphore(%run_scoped3A_117 : memref<!tpu.dma_semaphore, #tpu.memory_space<semaphore_mem>>) {add = true}
        %dma_wait3A_124 = arith.constant 0 : i32
        %dma_wait3A_125 = tpu.memref_slice %arg8[%add3A_108, %dma_wait3A_124] : memref<40x128xi32, #tpu.memory_space<vmem>> -> memref<1x128xi32, #tpu.memory_space<vmem>>
        %dma_wait3A_126 = tpu.memref_squeeze %dma_wait3A_125 : memref<1x128xi32, #tpu.memory_space<vmem>> -> memref<128xi32, #tpu.memory_space<vmem>>
        %dma_wait3A_127 = arith.constant 0 : i32
        %dma_wait3A_128 = arith.constant 0 : i32
        %dma_wait3A_129 = tpu.memref_slice %arg11[%dma_wait3A_127, %dma_wait3A_128] : memref<10016x128xf32, #tpu.memory_space<vmem_shared>> -> memref<10016x128xf32, #tpu.memory_space<vmem_shared>>
        tpu.wait_indirect_dma semaphore(%run_scoped3A_117 : memref<!tpu.dma_semaphore, #tpu.memory_space<semaphore_mem>>) src(%arg10 : memref<128x128xf32, #tpu.memory_space<vmem>>) dst(%dma_wait3A_129 : memref<10016x128xf32, #tpu.memory_space<vmem_shared>>)
        tpu.yield
      }) : () -> ()
      %add3A_109 = arith.constant 3 : i32
      %add3A_110 = arith.addi %add3A_84, %add3A_109 : i32
      %dma_start3A_111 = arith.constant 0 : i32
      %dma_start3A_112 = tpu.memref_slice %arg7[%add3A_110, %dma_start3A_111] : memref<40x128xi32, #tpu.memory_space<vmem>> -> memref<1x128xi32, #tpu.memory_space<vmem>>
      %dma_start3A_113 = tpu.memref_squeeze %dma_start3A_112 : memref<1x128xi32, #tpu.memory_space<vmem>> -> memref<128xi32, #tpu.memory_space<vmem>>
      %dma_start3A_114 = arith.constant 0 : i32
      %dma_start3A_115 = arith.constant 0 : i32
      %dma_start3A_116 = tpu.memref_slice %arg2[%dma_start3A_114, %dma_start3A_115] : memref<10000x128xf32, #tpu.memory_space<hbm>> -> memref<10000x128xf32, #tpu.memory_space<hbm>>
      tpu.enqueue_indirect_dma source(%dma_start3A_116 : memref<10000x128xf32, #tpu.memory_space<hbm>>) target(%arg10 : memref<128x128xf32, #tpu.memory_space<vmem>>) offsets(%dma_start3A_113 : memref<128xi32, #tpu.memory_space<vmem>>) semaphore(%arg13 : memref<!tpu.dma_semaphore, #tpu.memory_space<semaphore_mem>>)
    }
    %scan3A_21 = arith.constant 19 : i32
    %dma_wait3A = arith.constant 38 : i32
    %dma_wait3A_22 = arith.constant 0 : i32
    %dma_wait3A_23 = tpu.memref_slice %arg7[%dma_wait3A, %dma_wait3A_22] : memref<40x128xi32, #tpu.memory_space<vmem>> -> memref<1x128xi32, #tpu.memory_space<vmem>>
    %dma_wait3A_24 = tpu.memref_squeeze %dma_wait3A_23 : memref<1x128xi32, #tpu.memory_space<vmem>> -> memref<128xi32, #tpu.memory_space<vmem>>
    %dma_wait3A_25 = arith.constant 0 : i32
    %dma_wait3A_26 = arith.constant 0 : i32
    %dma_wait3A_27 = tpu.memref_slice %arg2[%dma_wait3A_25, %dma_wait3A_26] : memref<10000x128xf32, #tpu.memory_space<hbm>> -> memref<10000x128xf32, #tpu.memory_space<hbm>>
    tpu.wait_indirect_dma semaphore(%arg12 : memref<!tpu.dma_semaphore, #tpu.memory_space<semaphore_mem>>) src(%dma_wait3A_27 : memref<10000x128xf32, #tpu.memory_space<hbm>>) dst(%arg9 : memref<128x128xf32, #tpu.memory_space<vmem>>)
    %run_scoped3A = arith.constant 38 : i32
    "tpu.region"() ({
      %run_scoped3A_80 = tpu.sem_alloc : memref<!tpu.dma_semaphore, #tpu.memory_space<semaphore_mem>>
      %dma_start3A_81 = arith.constant 0 : i32
      %dma_start3A_82 = tpu.memref_slice %arg8[%run_scoped3A, %dma_start3A_81] : memref<40x128xi32, #tpu.memory_space<vmem>> -> memref<1x128xi32, #tpu.memory_space<vmem>>
      %dma_start3A_83 = tpu.memref_squeeze %dma_start3A_82 : memref<1x128xi32, #tpu.memory_space<vmem>> -> memref<128xi32, #tpu.memory_space<vmem>>
      %dma_start3A_84 = arith.constant 0 : i32
      %dma_start3A_85 = arith.constant 0 : i32
      %dma_start3A_86 = tpu.memref_slice %arg11[%dma_start3A_84, %dma_start3A_85] : memref<10016x128xf32, #tpu.memory_space<vmem_shared>> -> memref<10016x128xf32, #tpu.memory_space<vmem_shared>>
      tpu.enqueue_indirect_dma source(%arg9 : memref<128x128xf32, #tpu.memory_space<vmem>>) target(%dma_start3A_86 : memref<10016x128xf32, #tpu.memory_space<vmem_shared>>) offsets(%dma_start3A_83 : memref<128xi32, #tpu.memory_space<vmem>>) semaphore(%run_scoped3A_80 : memref<!tpu.dma_semaphore, #tpu.memory_space<semaphore_mem>>) {add = true}
      %dma_wait3A_87 = arith.constant 0 : i32
      %dma_wait3A_88 = tpu.memref_slice %arg8[%run_scoped3A, %dma_wait3A_87] : memref<40x128xi32, #tpu.memory_space<vmem>> -> memref<1x128xi32, #tpu.memory_space<vmem>>
      %dma_wait3A_89 = tpu.memref_squeeze %dma_wait3A_88 : memref<1x128xi32, #tpu.memory_space<vmem>> -> memref<128xi32, #tpu.memory_space<vmem>>
      %dma_wait3A_90 = arith.constant 0 : i32
      %dma_wait3A_91 = arith.constant 0 : i32
      %dma_wait3A_92 = tpu.memref_slice %arg11[%dma_wait3A_90, %dma_wait3A_91] : memref<10016x128xf32, #tpu.memory_space<vmem_shared>> -> memref<10016x128xf32, #tpu.memory_space<vmem_shared>>
      tpu.wait_indirect_dma semaphore(%run_scoped3A_80 : memref<!tpu.dma_semaphore, #tpu.memory_space<semaphore_mem>>) src(%arg9 : memref<128x128xf32, #tpu.memory_space<vmem>>) dst(%dma_wait3A_92 : memref<10016x128xf32, #tpu.memory_space<vmem_shared>>)
      tpu.yield
    }) : () -> ()
    %dma_wait3A_28 = arith.constant 39 : i32
    %dma_wait3A_29 = arith.constant 0 : i32
    %dma_wait3A_30 = tpu.memref_slice %arg7[%dma_wait3A_28, %dma_wait3A_29] : memref<40x128xi32, #tpu.memory_space<vmem>> -> memref<1x128xi32, #tpu.memory_space<vmem>>
    %dma_wait3A_31 = tpu.memref_squeeze %dma_wait3A_30 : memref<1x128xi32, #tpu.memory_space<vmem>> -> memref<128xi32, #tpu.memory_space<vmem>>
    %dma_wait3A_32 = arith.constant 0 : i32
    %dma_wait3A_33 = arith.constant 0 : i32
    %dma_wait3A_34 = tpu.memref_slice %arg2[%dma_wait3A_32, %dma_wait3A_33] : memref<10000x128xf32, #tpu.memory_space<hbm>> -> memref<10000x128xf32, #tpu.memory_space<hbm>>
    tpu.wait_indirect_dma semaphore(%arg13 : memref<!tpu.dma_semaphore, #tpu.memory_space<semaphore_mem>>) src(%dma_wait3A_34 : memref<10000x128xf32, #tpu.memory_space<hbm>>) dst(%arg10 : memref<128x128xf32, #tpu.memory_space<vmem>>)
    %run_scoped3A_35 = arith.constant 39 : i32
    "tpu.region"() ({
      %run_scoped3A_80 = tpu.sem_alloc : memref<!tpu.dma_semaphore, #tpu.memory_space<semaphore_mem>>
      %dma_start3A_81 = arith.constant 0 : i32
      %dma_start3A_82 = tpu.memref_slice %arg8[%run_scoped3A_35, %dma_start3A_81] : memref<40x128xi32, #tpu.memory_space<vmem>> -> memref<1x128xi32, #tpu.memory_space<vmem>>
      %dma_start3A_83 = tpu.memref_squeeze %dma_start3A_82 : memref<1x128xi32, #tpu.memory_space<vmem>> -> memref<128xi32, #tpu.memory_space<vmem>>
      %dma_start3A_84 = arith.constant 0 : i32
      %dma_start3A_85 = arith.constant 0 : i32
      %dma_start3A_86 = tpu.memref_slice %arg11[%dma_start3A_84, %dma_start3A_85] : memref<10016x128xf32, #tpu.memory_space<vmem_shared>> -> memref<10016x128xf32, #tpu.memory_space<vmem_shared>>
      tpu.enqueue_indirect_dma source(%arg10 : memref<128x128xf32, #tpu.memory_space<vmem>>) target(%dma_start3A_86 : memref<10016x128xf32, #tpu.memory_space<vmem_shared>>) offsets(%dma_start3A_83 : memref<128xi32, #tpu.memory_space<vmem>>) semaphore(%run_scoped3A_80 : memref<!tpu.dma_semaphore, #tpu.memory_space<semaphore_mem>>) {add = true}
      %dma_wait3A_87 = arith.constant 0 : i32
      %dma_wait3A_88 = tpu.memref_slice %arg8[%run_scoped3A_35, %dma_wait3A_87] : memref<40x128xi32, #tpu.memory_space<vmem>> -> memref<1x128xi32, #tpu.memory_space<vmem>>
      %dma_wait3A_89 = tpu.memref_squeeze %dma_wait3A_88 : memref<1x128xi32, #tpu.memory_space<vmem>> -> memref<128xi32, #tpu.memory_space<vmem>>
      %dma_wait3A_90 = arith.constant 0 : i32
      %dma_wait3A_91 = arith.constant 0 : i32
      %dma_wait3A_92 = tpu.memref_slice %arg11[%dma_wait3A_90, %dma_wait3A_91] : memref<10016x128xf32, #tpu.memory_space<vmem_shared>> -> memref<10016x128xf32, #tpu.memory_space<vmem_shared>>
      tpu.wait_indirect_dma semaphore(%run_scoped3A_80 : memref<!tpu.dma_semaphore, #tpu.memory_space<semaphore_mem>>) src(%arg10 : memref<128x128xf32, #tpu.memory_space<vmem>>) dst(%dma_wait3A_92 : memref<10016x128xf32, #tpu.memory_space<vmem_shared>>)
      tpu.yield
    }) : () -> ()
    "tpu.region"() ({
      %run_scoped3A_80 = tpu.sem_alloc : memref<!tpu.dma_semaphore, #tpu.memory_space<semaphore_mem>>
      %dma_start3A_81 = arith.constant 40 : i32
      %dma_start3A_82 = arith.constant 0 : i32
      %dma_start3A_83 = tpu.memref_slice %arg3[%add3A, %dma_start3A_81, %dma_start3A_82] : memref<32x80x128xi32, #tpu.memory_space<hbm>> -> memref<1x40x128xi32, #tpu.memory_space<hbm>>
      %dma_start3A_84 = tpu.memref_squeeze %dma_start3A_83 : memref<1x40x128xi32, #tpu.memory_space<hbm>> -> memref<40x128xi32, #tpu.memory_space<hbm>>
      %dma_start3A_85 = arith.constant 40 : i32
      %dma_start3A_86 = arith.constant 0 : i32
      %dma_start3A_87 = tpu.memref_slice %arg3[%add3A, %dma_start3A_85, %dma_start3A_86] : memref<32x80x128xi32, #tpu.memory_space<hbm>> -> memref<1x40x128xi32, #tpu.memory_space<hbm>>
      %dma_start3A_88 = tpu.memref_squeeze %dma_start3A_87 : memref<1x40x128xi32, #tpu.memory_space<hbm>> -> memref<40x128xi32, #tpu.memory_space<hbm>>
      tpu.enqueue_dma source(%dma_start3A_88 : memref<40x128xi32, #tpu.memory_space<hbm>>) target(%arg7 : memref<40x128xi32, #tpu.memory_space<vmem>>) target_semaphore(%run_scoped3A_80 : memref<!tpu.dma_semaphore, #tpu.memory_space<semaphore_mem>>)
      %dma_wait3A_89 = arith.constant 40 : i32
      %dma_wait3A_90 = arith.constant 0 : i32
      %dma_wait3A_91 = tpu.memref_slice %arg3[%add3A, %dma_wait3A_89, %dma_wait3A_90] : memref<32x80x128xi32, #tpu.memory_space<hbm>> -> memref<1x40x128xi32, #tpu.memory_space<hbm>>
      %dma_wait3A_92 = tpu.memref_squeeze %dma_wait3A_91 : memref<1x40x128xi32, #tpu.memory_space<hbm>> -> memref<40x128xi32, #tpu.memory_space<hbm>>
      %dma_wait3A_93 = arith.constant 40 : i32
      %dma_wait3A_94 = arith.constant 0 : i32
      %dma_wait3A_95 = tpu.memref_slice %arg3[%add3A, %dma_wait3A_93, %dma_wait3A_94] : memref<32x80x128xi32, #tpu.memory_space<hbm>> -> memref<1x40x128xi32, #tpu.memory_space<hbm>>
      %dma_wait3A_96 = tpu.memref_squeeze %dma_wait3A_95 : memref<1x40x128xi32, #tpu.memory_space<hbm>> -> memref<40x128xi32, #tpu.memory_space<hbm>>
      tpu.wait_dma2 semaphore(%run_scoped3A_80 : memref<!tpu.dma_semaphore, #tpu.memory_space<semaphore_mem>>) src(%dma_wait3A_96 : memref<40x128xi32, #tpu.memory_space<hbm>>) dst(%arg7 : memref<40x128xi32, #tpu.memory_space<vmem>>)
      tpu.yield
    }) : () -> ()
    "tpu.region"() ({
      %run_scoped3A_80 = tpu.sem_alloc : memref<!tpu.dma_semaphore, #tpu.memory_space<semaphore_mem>>
      %dma_start3A_81 = arith.constant 40 : i32
      %dma_start3A_82 = arith.constant 0 : i32
      %dma_start3A_83 = tpu.memref_slice %arg4[%add3A, %dma_start3A_81, %dma_start3A_82] : memref<32x80x128xi32, #tpu.memory_space<hbm>> -> memref<1x40x128xi32, #tpu.memory_space<hbm>>
      %dma_start3A_84 = tpu.memref_squeeze %dma_start3A_83 : memref<1x40x128xi32, #tpu.memory_space<hbm>> -> memref<40x128xi32, #tpu.memory_space<hbm>>
      %dma_start3A_85 = arith.constant 40 : i32
      %dma_start3A_86 = arith.constant 0 : i32
      %dma_start3A_87 = tpu.memref_slice %arg4[%add3A, %dma_start3A_85, %dma_start3A_86] : memref<32x80x128xi32, #tpu.memory_space<hbm>> -> memref<1x40x128xi32, #tpu.memory_space<hbm>>
      %dma_start3A_88 = tpu.memref_squeeze %dma_start3A_87 : memref<1x40x128xi32, #tpu.memory_space<hbm>> -> memref<40x128xi32, #tpu.memory_space<hbm>>
      tpu.enqueue_dma source(%dma_start3A_88 : memref<40x128xi32, #tpu.memory_space<hbm>>) target(%arg8 : memref<40x128xi32, #tpu.memory_space<vmem>>) target_semaphore(%run_scoped3A_80 : memref<!tpu.dma_semaphore, #tpu.memory_space<semaphore_mem>>)
      %dma_wait3A_89 = arith.constant 40 : i32
      %dma_wait3A_90 = arith.constant 0 : i32
      %dma_wait3A_91 = tpu.memref_slice %arg4[%add3A, %dma_wait3A_89, %dma_wait3A_90] : memref<32x80x128xi32, #tpu.memory_space<hbm>> -> memref<1x40x128xi32, #tpu.memory_space<hbm>>
      %dma_wait3A_92 = tpu.memref_squeeze %dma_wait3A_91 : memref<1x40x128xi32, #tpu.memory_space<hbm>> -> memref<40x128xi32, #tpu.memory_space<hbm>>
      %dma_wait3A_93 = arith.constant 40 : i32
      %dma_wait3A_94 = arith.constant 0 : i32
      %dma_wait3A_95 = tpu.memref_slice %arg4[%add3A, %dma_wait3A_93, %dma_wait3A_94] : memref<32x80x128xi32, #tpu.memory_space<hbm>> -> memref<1x40x128xi32, #tpu.memory_space<hbm>>
      %dma_wait3A_96 = tpu.memref_squeeze %dma_wait3A_95 : memref<1x40x128xi32, #tpu.memory_space<hbm>> -> memref<40x128xi32, #tpu.memory_space<hbm>>
      tpu.wait_dma2 semaphore(%run_scoped3A_80 : memref<!tpu.dma_semaphore, #tpu.memory_space<semaphore_mem>>) src(%dma_wait3A_96 : memref<40x128xi32, #tpu.memory_space<hbm>>) dst(%arg8 : memref<40x128xi32, #tpu.memory_space<vmem>>)
      tpu.yield
    }) : () -> ()
    %dma_start3A_36 = arith.constant 0 : i32
    %dma_start3A_37 = arith.constant 0 : i32
    %dma_start3A_38 = tpu.memref_slice %arg7[%dma_start3A_36, %dma_start3A_37] : memref<40x128xi32, #tpu.memory_space<vmem>> -> memref<1x128xi32, #tpu.memory_space<vmem>>
    %dma_start3A_39 = tpu.memref_squeeze %dma_start3A_38 : memref<1x128xi32, #tpu.memory_space<vmem>> -> memref<128xi32, #tpu.memory_space<vmem>>
    %dma_start3A_40 = arith.constant 0 : i32
    %dma_start3A_41 = arith.constant 0 : i32
    %dma_start3A_42 = tpu.memref_slice %arg2[%dma_start3A_40, %dma_start3A_41] : memref<10000x128xf32, #tpu.memory_space<hbm>> -> memref<10000x128xf32, #tpu.memory_space<hbm>>
    tpu.enqueue_indirect_dma source(%dma_start3A_42 : memref<10000x128xf32, #tpu.memory_space<hbm>>) target(%arg9 : memref<128x128xf32, #tpu.memory_space<vmem>>) offsets(%dma_start3A_39 : memref<128xi32, #tpu.memory_space<vmem>>) semaphore(%arg12 : memref<!tpu.dma_semaphore, #tpu.memory_space<semaphore_mem>>)
    %dma_start3A_43 = arith.constant 1 : i32
    %dma_start3A_44 = arith.constant 0 : i32
    %dma_start3A_45 = tpu.memref_slice %arg7[%dma_start3A_43, %dma_start3A_44] : memref<40x128xi32, #tpu.memory_space<vmem>> -> memref<1x128xi32, #tpu.memory_space<vmem>>
    %dma_start3A_46 = tpu.memref_squeeze %dma_start3A_45 : memref<1x128xi32, #tpu.memory_space<vmem>> -> memref<128xi32, #tpu.memory_space<vmem>>
    %dma_start3A_47 = arith.constant 0 : i32
    %dma_start3A_48 = arith.constant 0 : i32
    %dma_start3A_49 = tpu.memref_slice %arg2[%dma_start3A_47, %dma_start3A_48] : memref<10000x128xf32, #tpu.memory_space<hbm>> -> memref<10000x128xf32, #tpu.memory_space<hbm>>
    tpu.enqueue_indirect_dma source(%dma_start3A_49 : memref<10000x128xf32, #tpu.memory_space<hbm>>) target(%arg10 : memref<128x128xf32, #tpu.memory_space<vmem>>) offsets(%dma_start3A_46 : memref<128xi32, #tpu.memory_space<vmem>>) semaphore(%arg13 : memref<!tpu.dma_semaphore, #tpu.memory_space<semaphore_mem>>)
    %scan3A_50 = arith.constant 0 : i32
    %scan3A_51 = arith.constant 19 : i32
    %scan3A_52 = arith.addi %scan3A_50, %scan3A_51 : i32
    %scan3A_53 = arith.constant 1 : i32
    scf.for %scan3A_80 = %scan3A_50 to %scan3A_52 step %scan3A_53  : i32 {
      %mul3A_81 = arith.constant 2 : i32
      %mul3A_82 = arith.muli %scan3A_80, %mul3A_81 : i32
      %add3A_83 = arith.constant 0 : i32
      %add3A_84 = arith.addi %add3A_83, %mul3A_82 : i32
      %dma_wait3A_85 = arith.constant 0 : i32
      %dma_wait3A_86 = tpu.memref_slice %arg7[%add3A_84, %dma_wait3A_85] : memref<40x128xi32, #tpu.memory_space<vmem>> -> memref<1x128xi32, #tpu.memory_space<vmem>>
      %dma_wait3A_87 = tpu.memref_squeeze %dma_wait3A_86 : memref<1x128xi32, #tpu.memory_space<vmem>> -> memref<128xi32, #tpu.memory_space<vmem>>
      %dma_wait3A_88 = arith.constant 0 : i32
      %dma_wait3A_89 = arith.constant 0 : i32
      %dma_wait3A_90 = tpu.memref_slice %arg2[%dma_wait3A_88, %dma_wait3A_89] : memref<10000x128xf32, #tpu.memory_space<hbm>> -> memref<10000x128xf32, #tpu.memory_space<hbm>>
      tpu.wait_indirect_dma semaphore(%arg12 : memref<!tpu.dma_semaphore, #tpu.memory_space<semaphore_mem>>) src(%dma_wait3A_90 : memref<10000x128xf32, #tpu.memory_space<hbm>>) dst(%arg9 : memref<128x128xf32, #tpu.memory_space<vmem>>)
      "tpu.region"() ({
        %run_scoped3A_117 = tpu.sem_alloc : memref<!tpu.dma_semaphore, #tpu.memory_space<semaphore_mem>>
        %dma_start3A_118 = arith.constant 0 : i32
        %dma_start3A_119 = tpu.memref_slice %arg8[%add3A_84, %dma_start3A_118] : memref<40x128xi32, #tpu.memory_space<vmem>> -> memref<1x128xi32, #tpu.memory_space<vmem>>
        %dma_start3A_120 = tpu.memref_squeeze %dma_start3A_119 : memref<1x128xi32, #tpu.memory_space<vmem>> -> memref<128xi32, #tpu.memory_space<vmem>>
        %dma_start3A_121 = arith.constant 0 : i32
        %dma_start3A_122 = arith.constant 0 : i32
        %dma_start3A_123 = tpu.memref_slice %arg11[%dma_start3A_121, %dma_start3A_122] : memref<10016x128xf32, #tpu.memory_space<vmem_shared>> -> memref<10016x128xf32, #tpu.memory_space<vmem_shared>>
        tpu.enqueue_indirect_dma source(%arg9 : memref<128x128xf32, #tpu.memory_space<vmem>>) target(%dma_start3A_123 : memref<10016x128xf32, #tpu.memory_space<vmem_shared>>) offsets(%dma_start3A_120 : memref<128xi32, #tpu.memory_space<vmem>>) semaphore(%run_scoped3A_117 : memref<!tpu.dma_semaphore, #tpu.memory_space<semaphore_mem>>) {add = true}
        %dma_wait3A_124 = arith.constant 0 : i32
        %dma_wait3A_125 = tpu.memref_slice %arg8[%add3A_84, %dma_wait3A_124] : memref<40x128xi32, #tpu.memory_space<vmem>> -> memref<1x128xi32, #tpu.memory_space<vmem>>
        %dma_wait3A_126 = tpu.memref_squeeze %dma_wait3A_125 : memref<1x128xi32, #tpu.memory_space<vmem>> -> memref<128xi32, #tpu.memory_space<vmem>>
        %dma_wait3A_127 = arith.constant 0 : i32
        %dma_wait3A_128 = arith.constant 0 : i32
        %dma_wait3A_129 = tpu.memref_slice %arg11[%dma_wait3A_127, %dma_wait3A_128] : memref<10016x128xf32, #tpu.memory_space<vmem_shared>> -> memref<10016x128xf32, #tpu.memory_space<vmem_shared>>
        tpu.wait_indirect_dma semaphore(%run_scoped3A_117 : memref<!tpu.dma_semaphore, #tpu.memory_space<semaphore_mem>>) src(%arg9 : memref<128x128xf32, #tpu.memory_space<vmem>>) dst(%dma_wait3A_129 : memref<10016x128xf32, #tpu.memory_space<vmem_shared>>)
        tpu.yield
      }) : () -> ()
      %add3A_91 = arith.constant 2 : i32
      %add3A_92 = arith.addi %add3A_84, %add3A_91 : i32
      %dma_start3A_93 = arith.constant 0 : i32
      %dma_start3A_94 = tpu.memref_slice %arg7[%add3A_92, %dma_start3A_93] : memref<40x128xi32, #tpu.memory_space<vmem>> -> memref<1x128xi32, #tpu.memory_space<vmem>>
      %dma_start3A_95 = tpu.memref_squeeze %dma_start3A_94 : memref<1x128xi32, #tpu.memory_space<vmem>> -> memref<128xi32, #tpu.memory_space<vmem>>
      %dma_start3A_96 = arith.constant 0 : i32
      %dma_start3A_97 = arith.constant 0 : i32
      %dma_start3A_98 = tpu.memref_slice %arg2[%dma_start3A_96, %dma_start3A_97] : memref<10000x128xf32, #tpu.memory_space<hbm>> -> memref<10000x128xf32, #tpu.memory_space<hbm>>
      tpu.enqueue_indirect_dma source(%dma_start3A_98 : memref<10000x128xf32, #tpu.memory_space<hbm>>) target(%arg9 : memref<128x128xf32, #tpu.memory_space<vmem>>) offsets(%dma_start3A_95 : memref<128xi32, #tpu.memory_space<vmem>>) semaphore(%arg12 : memref<!tpu.dma_semaphore, #tpu.memory_space<semaphore_mem>>)
      %add3A_99 = arith.constant 1 : i32
      %add3A_100 = arith.addi %add3A_84, %add3A_99 : i32
      %dma_wait3A_101 = arith.constant 0 : i32
      %dma_wait3A_102 = tpu.memref_slice %arg7[%add3A_100, %dma_wait3A_101] : memref<40x128xi32, #tpu.memory_space<vmem>> -> memref<1x128xi32, #tpu.memory_space<vmem>>
      %dma_wait3A_103 = tpu.memref_squeeze %dma_wait3A_102 : memref<1x128xi32, #tpu.memory_space<vmem>> -> memref<128xi32, #tpu.memory_space<vmem>>
      %dma_wait3A_104 = arith.constant 0 : i32
      %dma_wait3A_105 = arith.constant 0 : i32
      %dma_wait3A_106 = tpu.memref_slice %arg2[%dma_wait3A_104, %dma_wait3A_105] : memref<10000x128xf32, #tpu.memory_space<hbm>> -> memref<10000x128xf32, #tpu.memory_space<hbm>>
      tpu.wait_indirect_dma semaphore(%arg13 : memref<!tpu.dma_semaphore, #tpu.memory_space<semaphore_mem>>) src(%dma_wait3A_106 : memref<10000x128xf32, #tpu.memory_space<hbm>>) dst(%arg10 : memref<128x128xf32, #tpu.memory_space<vmem>>)
      %add3A_107 = arith.constant 1 : i32
      %add3A_108 = arith.addi %add3A_84, %add3A_107 : i32
      "tpu.region"() ({
        %run_scoped3A_117 = tpu.sem_alloc : memref<!tpu.dma_semaphore, #tpu.memory_space<semaphore_mem>>
        %dma_start3A_118 = arith.constant 0 : i32
        %dma_start3A_119 = tpu.memref_slice %arg8[%add3A_108, %dma_start3A_118] : memref<40x128xi32, #tpu.memory_space<vmem>> -> memref<1x128xi32, #tpu.memory_space<vmem>>
        %dma_start3A_120 = tpu.memref_squeeze %dma_start3A_119 : memref<1x128xi32, #tpu.memory_space<vmem>> -> memref<128xi32, #tpu.memory_space<vmem>>
        %dma_start3A_121 = arith.constant 0 : i32
        %dma_start3A_122 = arith.constant 0 : i32
        %dma_start3A_123 = tpu.memref_slice %arg11[%dma_start3A_121, %dma_start3A_122] : memref<10016x128xf32, #tpu.memory_space<vmem_shared>> -> memref<10016x128xf32, #tpu.memory_space<vmem_shared>>
        tpu.enqueue_indirect_dma source(%arg10 : memref<128x128xf32, #tpu.memory_space<vmem>>) target(%dma_start3A_123 : memref<10016x128xf32, #tpu.memory_space<vmem_shared>>) offsets(%dma_start3A_120 : memref<128xi32, #tpu.memory_space<vmem>>) semaphore(%run_scoped3A_117 : memref<!tpu.dma_semaphore, #tpu.memory_space<semaphore_mem>>) {add = true}
        %dma_wait3A_124 = arith.constant 0 : i32
        %dma_wait3A_125 = tpu.memref_slice %arg8[%add3A_108, %dma_wait3A_124] : memref<40x128xi32, #tpu.memory_space<vmem>> -> memref<1x128xi32, #tpu.memory_space<vmem>>
        %dma_wait3A_126 = tpu.memref_squeeze %dma_wait3A_125 : memref<1x128xi32, #tpu.memory_space<vmem>> -> memref<128xi32, #tpu.memory_space<vmem>>
        %dma_wait3A_127 = arith.constant 0 : i32
        %dma_wait3A_128 = arith.constant 0 : i32
        %dma_wait3A_129 = tpu.memref_slice %arg11[%dma_wait3A_127, %dma_wait3A_128] : memref<10016x128xf32, #tpu.memory_space<vmem_shared>> -> memref<10016x128xf32, #tpu.memory_space<vmem_shared>>
        tpu.wait_indirect_dma semaphore(%run_scoped3A_117 : memref<!tpu.dma_semaphore, #tpu.memory_space<semaphore_mem>>) src(%arg10 : memref<128x128xf32, #tpu.memory_space<vmem>>) dst(%dma_wait3A_129 : memref<10016x128xf32, #tpu.memory_space<vmem_shared>>)
        tpu.yield
      }) : () -> ()
      %add3A_109 = arith.constant 3 : i32
      %add3A_110 = arith.addi %add3A_84, %add3A_109 : i32
      %dma_start3A_111 = arith.constant 0 : i32
      %dma_start3A_112 = tpu.memref_slice %arg7[%add3A_110, %dma_start3A_111] : memref<40x128xi32, #tpu.memory_space<vmem>> -> memref<1x128xi32, #tpu.memory_space<vmem>>
      %dma_start3A_113 = tpu.memref_squeeze %dma_start3A_112 : memref<1x128xi32, #tpu.memory_space<vmem>> -> memref<128xi32, #tpu.memory_space<vmem>>
      %dma_start3A_114 = arith.constant 0 : i32
      %dma_start3A_115 = arith.constant 0 : i32
      %dma_start3A_116 = tpu.memref_slice %arg2[%dma_start3A_114, %dma_start3A_115] : memref<10000x128xf32, #tpu.memory_space<hbm>> -> memref<10000x128xf32, #tpu.memory_space<hbm>>
      tpu.enqueue_indirect_dma source(%dma_start3A_116 : memref<10000x128xf32, #tpu.memory_space<hbm>>) target(%arg10 : memref<128x128xf32, #tpu.memory_space<vmem>>) offsets(%dma_start3A_113 : memref<128xi32, #tpu.memory_space<vmem>>) semaphore(%arg13 : memref<!tpu.dma_semaphore, #tpu.memory_space<semaphore_mem>>)
    }
    %scan3A_54 = arith.constant 19 : i32
    %dma_wait3A_55 = arith.constant 38 : i32
    %dma_wait3A_56 = arith.constant 0 : i32
    %dma_wait3A_57 = tpu.memref_slice %arg7[%dma_wait3A_55, %dma_wait3A_56] : memref<40x128xi32, #tpu.memory_space<vmem>> -> memref<1x128xi32, #tpu.memory_space<vmem>>
    %dma_wait3A_58 = tpu.memref_squeeze %dma_wait3A_57 : memref<1x128xi32, #tpu.memory_space<vmem>> -> memref<128xi32, #tpu.memory_space<vmem>>
    %dma_wait3A_59 = arith.constant 0 : i32
    %dma_wait3A_60 = arith.constant 0 : i32
    %dma_wait3A_61 = tpu.memref_slice %arg2[%dma_wait3A_59, %dma_wait3A_60] : memref<10000x128xf32, #tpu.memory_space<hbm>> -> memref<10000x128xf32, #tpu.memory_space<hbm>>
    tpu.wait_indirect_dma semaphore(%arg12 : memref<!tpu.dma_semaphore, #tpu.memory_space<semaphore_mem>>) src(%dma_wait3A_61 : memref<10000x128xf32, #tpu.memory_space<hbm>>) dst(%arg9 : memref<128x128xf32, #tpu.memory_space<vmem>>)
    %run_scoped3A_62 = arith.constant 38 : i32
    "tpu.region"() ({
      %run_scoped3A_80 = tpu.sem_alloc : memref<!tpu.dma_semaphore, #tpu.memory_space<semaphore_mem>>
      %dma_start3A_81 = arith.constant 0 : i32
      %dma_start3A_82 = tpu.memref_slice %arg8[%run_scoped3A_62, %dma_start3A_81] : memref<40x128xi32, #tpu.memory_space<vmem>> -> memref<1x128xi32, #tpu.memory_space<vmem>>
      %dma_start3A_83 = tpu.memref_squeeze %dma_start3A_82 : memref<1x128xi32, #tpu.memory_space<vmem>> -> memref<128xi32, #tpu.memory_space<vmem>>
      %dma_start3A_84 = arith.constant 0 : i32
      %dma_start3A_85 = arith.constant 0 : i32
      %dma_start3A_86 = tpu.memref_slice %arg11[%dma_start3A_84, %dma_start3A_85] : memref<10016x128xf32, #tpu.memory_space<vmem_shared>> -> memref<10016x128xf32, #tpu.memory_space<vmem_shared>>
      tpu.enqueue_indirect_dma source(%arg9 : memref<128x128xf32, #tpu.memory_space<vmem>>) target(%dma_start3A_86 : memref<10016x128xf32, #tpu.memory_space<vmem_shared>>) offsets(%dma_start3A_83 : memref<128xi32, #tpu.memory_space<vmem>>) semaphore(%run_scoped3A_80 : memref<!tpu.dma_semaphore, #tpu.memory_space<semaphore_mem>>) {add = true}
      %dma_wait3A_87 = arith.constant 0 : i32
      %dma_wait3A_88 = tpu.memref_slice %arg8[%run_scoped3A_62, %dma_wait3A_87] : memref<40x128xi32, #tpu.memory_space<vmem>> -> memref<1x128xi32, #tpu.memory_space<vmem>>
      %dma_wait3A_89 = tpu.memref_squeeze %dma_wait3A_88 : memref<1x128xi32, #tpu.memory_space<vmem>> -> memref<128xi32, #tpu.memory_space<vmem>>
      %dma_wait3A_90 = arith.constant 0 : i32
      %dma_wait3A_91 = arith.constant 0 : i32
      %dma_wait3A_92 = tpu.memref_slice %arg11[%dma_wait3A_90, %dma_wait3A_91] : memref<10016x128xf32, #tpu.memory_space<vmem_shared>> -> memref<10016x128xf32, #tpu.memory_space<vmem_shared>>
      tpu.wait_indirect_dma semaphore(%run_scoped3A_80 : memref<!tpu.dma_semaphore, #tpu.memory_space<semaphore_mem>>) src(%arg9 : memref<128x128xf32, #tpu.memory_space<vmem>>) dst(%dma_wait3A_92 : memref<10016x128xf32, #tpu.memory_space<vmem_shared>>)
      tpu.yield
    }) : () -> ()
    %dma_wait3A_63 = arith.constant 39 : i32
    %dma_wait3A_64 = arith.constant 0 : i32
    %dma_wait3A_65 = tpu.memref_slice %arg7[%dma_wait3A_63, %dma_wait3A_64] : memref<40x128xi32, #tpu.memory_space<vmem>> -> memref<1x128xi32, #tpu.memory_space<vmem>>
    %dma_wait3A_66 = tpu.memref_squeeze %dma_wait3A_65 : memref<1x128xi32, #tpu.memory_space<vmem>> -> memref<128xi32, #tpu.memory_space<vmem>>
    %dma_wait3A_67 = arith.constant 0 : i32
    %dma_wait3A_68 = arith.constant 0 : i32
    %dma_wait3A_69 = tpu.memref_slice %arg2[%dma_wait3A_67, %dma_wait3A_68] : memref<10000x128xf32, #tpu.memory_space<hbm>> -> memref<10000x128xf32, #tpu.memory_space<hbm>>
    tpu.wait_indirect_dma semaphore(%arg13 : memref<!tpu.dma_semaphore, #tpu.memory_space<semaphore_mem>>) src(%dma_wait3A_69 : memref<10000x128xf32, #tpu.memory_space<hbm>>) dst(%arg10 : memref<128x128xf32, #tpu.memory_space<vmem>>)
    %run_scoped3A_70 = arith.constant 39 : i32
    "tpu.region"() ({
      %run_scoped3A_80 = tpu.sem_alloc : memref<!tpu.dma_semaphore, #tpu.memory_space<semaphore_mem>>
      %dma_start3A_81 = arith.constant 0 : i32
      %dma_start3A_82 = tpu.memref_slice %arg8[%run_scoped3A_70, %dma_start3A_81] : memref<40x128xi32, #tpu.memory_space<vmem>> -> memref<1x128xi32, #tpu.memory_space<vmem>>
      %dma_start3A_83 = tpu.memref_squeeze %dma_start3A_82 : memref<1x128xi32, #tpu.memory_space<vmem>> -> memref<128xi32, #tpu.memory_space<vmem>>
      %dma_start3A_84 = arith.constant 0 : i32
      %dma_start3A_85 = arith.constant 0 : i32
      %dma_start3A_86 = tpu.memref_slice %arg11[%dma_start3A_84, %dma_start3A_85] : memref<10016x128xf32, #tpu.memory_space<vmem_shared>> -> memref<10016x128xf32, #tpu.memory_space<vmem_shared>>
      tpu.enqueue_indirect_dma source(%arg10 : memref<128x128xf32, #tpu.memory_space<vmem>>) target(%dma_start3A_86 : memref<10016x128xf32, #tpu.memory_space<vmem_shared>>) offsets(%dma_start3A_83 : memref<128xi32, #tpu.memory_space<vmem>>) semaphore(%run_scoped3A_80 : memref<!tpu.dma_semaphore, #tpu.memory_space<semaphore_mem>>) {add = true}
      %dma_wait3A_87 = arith.constant 0 : i32
      %dma_wait3A_88 = tpu.memref_slice %arg8[%run_scoped3A_70, %dma_wait3A_87] : memref<40x128xi32, #tpu.memory_space<vmem>> -> memref<1x128xi32, #tpu.memory_space<vmem>>
      %dma_wait3A_89 = tpu.memref_squeeze %dma_wait3A_88 : memref<1x128xi32, #tpu.memory_space<vmem>> -> memref<128xi32, #tpu.memory_space<vmem>>
      %dma_wait3A_90 = arith.constant 0 : i32
      %dma_wait3A_91 = arith.constant 0 : i32
      %dma_wait3A_92 = tpu.memref_slice %arg11[%dma_wait3A_90, %dma_wait3A_91] : memref<10016x128xf32, #tpu.memory_space<vmem_shared>> -> memref<10016x128xf32, #tpu.memory_space<vmem_shared>>
      tpu.wait_indirect_dma semaphore(%run_scoped3A_80 : memref<!tpu.dma_semaphore, #tpu.memory_space<semaphore_mem>>) src(%arg10 : memref<128x128xf32, #tpu.memory_space<vmem>>) dst(%dma_wait3A_92 : memref<10016x128xf32, #tpu.memory_space<vmem_shared>>)
      tpu.yield
    }) : () -> ()
    %barrier3A_71 = arith.constant 0 : index
    tpu.barrier barrier_id(%barrier3A_71)
    %mul3A_72 = arith.constant 10000 : i32
    %mul3A_73 = arith.muli %arg0, %mul3A_72 : i32
    %add3A_74 = arith.addi %mul3A_73, %mul3A_2 : i32
    "tpu.region"() ({
      %run_scoped3A_80 = tpu.sem_alloc : memref<!tpu.dma_semaphore, #tpu.memory_space<semaphore_mem>>
      %dma_start3A_81 = arith.constant 0 : i32
      %dma_start3A_82 = tpu.memref_slice %arg6[%add3A_74, %dma_start3A_81] : memref<20000x128xf32, #tpu.memory_space<hbm>> -> memref<624x128xf32, #tpu.memory_space<hbm>>
      %dma_start3A_83 = arith.constant 0 : i32
      %dma_start3A_84 = tpu.memref_slice %arg11[%mul3A_2, %dma_start3A_83] : memref<10016x128xf32, #tpu.memory_space<vmem_shared>> -> memref<624x128xf32, #tpu.memory_space<vmem_shared>>
      tpu.enqueue_dma source(%dma_start3A_84 : memref<624x128xf32, #tpu.memory_space<vmem_shared>>) target(%dma_start3A_82 : memref<624x128xf32, #tpu.memory_space<hbm>>) target_semaphore(%run_scoped3A_80 : memref<!tpu.dma_semaphore, #tpu.memory_space<semaphore_mem>>)
      %dma_wait3A_85 = arith.constant 0 : i32
      %dma_wait3A_86 = tpu.memref_slice %arg6[%add3A_74, %dma_wait3A_85] : memref<20000x128xf32, #tpu.memory_space<hbm>> -> memref<624x128xf32, #tpu.memory_space<hbm>>
      %dma_wait3A_87 = arith.constant 0 : i32
      %dma_wait3A_88 = tpu.memref_slice %arg11[%mul3A_2, %dma_wait3A_87] : memref<10016x128xf32, #tpu.memory_space<vmem_shared>> -> memref<624x128xf32, #tpu.memory_space<vmem_shared>>
      tpu.wait_dma2 semaphore(%run_scoped3A_80 : memref<!tpu.dma_semaphore, #tpu.memory_space<semaphore_mem>>) src(%dma_wait3A_88 : memref<624x128xf32, #tpu.memory_space<vmem_shared>>) dst(%dma_wait3A_86 : memref<624x128xf32, #tpu.memory_space<hbm>>)
      tpu.yield
    }) : () -> ()
    %eq3A_75 = arith.constant 0 : i32
    %eq3A_76 = arith.cmpi eq, %arg1, %eq3A_75 : i32
    %convert_element_type3A_77 = arith.extui %eq3A_76 : i1 to i32
    %cond3A_78 = arith.constant 0 : i32
    %cond3A_79 = arith.cmpi ne, %convert_element_type3A_77, %cond3A_78 : i32
    scf.if %cond3A_79 {
      %mul3A_80 = arith.constant 10000 : i32
      %mul3A_81 = arith.muli %arg0, %mul3A_80 : i32
      %add3A_82 = arith.constant 9984 : i32
      %add3A_83 = arith.addi %mul3A_81, %add3A_82 : i32
      "tpu.region"() ({
        %run_scoped3A_84 = tpu.sem_alloc : memref<!tpu.dma_semaphore, #tpu.memory_space<semaphore_mem>>
        %dma_start3A_85 = arith.constant 0 : i32
        %dma_start3A_86 = tpu.memref_slice %arg6[%add3A_83, %dma_start3A_85] : memref<20000x128xf32, #tpu.memory_space<hbm>> -> memref<16x128xf32, #tpu.memory_space<hbm>>
        %dma_start3A_87 = arith.constant 9984 : i32
        %dma_start3A_88 = arith.constant 0 : i32
        %dma_start3A_89 = tpu.memref_slice %arg11[%dma_start3A_87, %dma_start3A_88] : memref<10016x128xf32, #tpu.memory_space<vmem_shared>> -> memref<16x128xf32, #tpu.memory_space<vmem_shared>>
        tpu.enqueue_dma source(%dma_start3A_89 : memref<16x128xf32, #tpu.memory_space<vmem_shared>>) target(%dma_start3A_86 : memref<16x128xf32, #tpu.memory_space<hbm>>) target_semaphore(%run_scoped3A_84 : memref<!tpu.dma_semaphore, #tpu.memory_space<semaphore_mem>>)
        %dma_wait3A_90 = arith.constant 0 : i32
        %dma_wait3A_91 = tpu.memref_slice %arg6[%add3A_83, %dma_wait3A_90] : memref<20000x128xf32, #tpu.memory_space<hbm>> -> memref<16x128xf32, #tpu.memory_space<hbm>>
        %dma_wait3A_92 = arith.constant 9984 : i32
        %dma_wait3A_93 = arith.constant 0 : i32
        %dma_wait3A_94 = tpu.memref_slice %arg11[%dma_wait3A_92, %dma_wait3A_93] : memref<10016x128xf32, #tpu.memory_space<vmem_shared>> -> memref<16x128xf32, #tpu.memory_space<vmem_shared>>
        tpu.wait_dma2 semaphore(%run_scoped3A_84 : memref<!tpu.dma_semaphore, #tpu.memory_space<semaphore_mem>>) src(%dma_wait3A_94 : memref<16x128xf32, #tpu.memory_space<vmem_shared>>) dst(%dma_wait3A_91 : memref<16x128xf32, #tpu.memory_space<hbm>>)
        tpu.yield
      }) : () -> ()
    } else {
    }
    return
  }
}

#map = affine_map<(d0, d1) -> (0, 0)>
#map1 = affine_map<(d0, d1) -> (0, 0, 0)>
module attributes {stable_mosaic.version = 14 : i64} {
  func.func @_sc_segment_sum(%arg0: i32, %arg1: i32, %arg2: memref<10000x128xf32, #tpu.memory_space<hbm>>, %arg3: memref<32x80x128xi32, #tpu.memory_space<hbm>>, %arg4: memref<32x80x128xi32, #tpu.memory_space<hbm>>, %arg5: memref<10016x128xf32, #tpu.memory_space<hbm>>, %arg6: memref<20000x128xf32, #tpu.memory_space<hbm>>, %arg7: memref<40x128xi32, #tpu.memory_space<vmem>>, %arg8: memref<40x128xi32, #tpu.memory_space<vmem>>, %arg9: memref<128x128xf32, #tpu.memory_space<vmem>>, %arg10: memref<128x128xf32, #tpu.memory_space<vmem>>, %arg11: memref<10016x128xf32, #tpu.memory_space<vmem_shared>>, %arg12: memref<!tpu.dma_semaphore, #tpu.memory_space<semaphore_mem>>, %arg13: memref<!tpu.dma_semaphore, #tpu.memory_space<semaphore_mem>>) attributes {dimension_semantics = [#tpu.dimension_semantics<core_parallel>, #tpu.dimension_semantics<subcore_parallel>], iteration_bounds = array<i64: 2, 16>, scalar_prefetch = 0 : i64, scratch_operands = 7 : i64, tpu.core_type = #tpu.core_type<sc_vector_subcore>, window_params = [{transform_indices = #map}, {transform_indices = #map1}, {transform_indices = #map1}, {transform_indices = #map}, {transform_indices = #map}]} {
    %mul3A = arith.constant 16 : i32
    %mul3A_0 = arith.muli %arg0, %mul3A : i32
    %add3A = arith.addi %mul3A_0, %arg1 : i32
    %mul3A_1 = arith.constant 624 : i32
    %mul3A_2 = arith.muli %arg1, %mul3A_1 : i32
    "tpu.region"() ({
      %run_scoped3A_80 = tpu.sem_alloc : memref<!tpu.dma_semaphore, #tpu.memory_space<semaphore_mem>>
      %dma_start3A_81 = arith.constant 0 : i32
      %dma_start3A_82 = tpu.memref_slice %arg11[%mul3A_2, %dma_start3A_81] : memref<10016x128xf32, #tpu.memory_space<vmem_shared>> -> memref<624x128xf32, #tpu.memory_space<vmem_shared>>
      %dma_start3A_83 = arith.constant 0 : i32
      %dma_start3A_84 = tpu.memref_slice %arg5[%mul3A_2, %dma_start3A_83] : memref<10016x128xf32, #tpu.memory_space<hbm>> -> memref<624x128xf32, #tpu.memory_space<hbm>>
      tpu.enqueue_dma source(%dma_start3A_84 : memref<624x128xf32, #tpu.memory_space<hbm>>) target(%dma_start3A_82 : memref<624x128xf32, #tpu.memory_space<vmem_shared>>) target_semaphore(%run_scoped3A_80 : memref<!tpu.dma_semaphore, #tpu.memory_space<semaphore_mem>>)
      %dma_wait3A_85 = arith.constant 0 : i32
      %dma_wait3A_86 = tpu.memref_slice %arg11[%mul3A_2, %dma_wait3A_85] : memref<10016x128xf32, #tpu.memory_space<vmem_shared>> -> memref<624x128xf32, #tpu.memory_space<vmem_shared>>
      %dma_wait3A_87 = arith.constant 0 : i32
      %dma_wait3A_88 = tpu.memref_slice %arg5[%mul3A_2, %dma_wait3A_87] : memref<10016x128xf32, #tpu.memory_space<hbm>> -> memref<624x128xf32, #tpu.memory_space<hbm>>
      tpu.wait_dma2 semaphore(%run_scoped3A_80 : memref<!tpu.dma_semaphore, #tpu.memory_space<semaphore_mem>>) src(%dma_wait3A_88 : memref<624x128xf32, #tpu.memory_space<hbm>>) dst(%dma_wait3A_86 : memref<624x128xf32, #tpu.memory_space<vmem_shared>>)
      tpu.yield
    }) : () -> ()
    %eq3A = arith.constant 0 : i32
    %eq3A_3 = arith.cmpi eq, %arg1, %eq3A : i32
    %convert_element_type3A = arith.extui %eq3A_3 : i1 to i32
    %cond3A = arith.constant 0 : i32
    %cond3A_4 = arith.cmpi ne, %convert_element_type3A, %cond3A : i32
    scf.if %cond3A_4 {
      "tpu.region"() ({
        %run_scoped3A_80 = tpu.sem_alloc : memref<!tpu.dma_semaphore, #tpu.memory_space<semaphore_mem>>
        %dma_start3A_81 = arith.constant 9984 : i32
        %dma_start3A_82 = arith.constant 0 : i32
        %dma_start3A_83 = tpu.memref_slice %arg11[%dma_start3A_81, %dma_start3A_82] : memref<10016x128xf32, #tpu.memory_space<vmem_shared>> -> memref<32x128xf32, #tpu.memory_space<vmem_shared>>
        %dma_start3A_84 = arith.constant 9984 : i32
        %dma_start3A_85 = arith.constant 0 : i32
        %dma_start3A_86 = tpu.memref_slice %arg5[%dma_start3A_84, %dma_start3A_85] : memref<10016x128xf32, #tpu.memory_space<hbm>> -> memref<32x128xf32, #tpu.memory_space<hbm>>
        tpu.enqueue_dma source(%dma_start3A_86 : memref<32x128xf32, #tpu.memory_space<hbm>>) target(%dma_start3A_83 : memref<32x128xf32, #tpu.memory_space<vmem_shared>>) target_semaphore(%run_scoped3A_80 : memref<!tpu.dma_semaphore, #tpu.memory_space<semaphore_mem>>)
        %dma_wait3A_87 = arith.constant 9984 : i32
        %dma_wait3A_88 = arith.constant 0 : i32
        %dma_wait3A_89 = tpu.memref_slice %arg11[%dma_wait3A_87, %dma_wait3A_88] : memref<10016x128xf32, #tpu.memory_space<vmem_shared>> -> memref<32x128xf32, #tpu.memory_space<vmem_shared>>
        %dma_wait3A_90 = arith.constant 9984 : i32
        %dma_wait3A_91 = arith.constant 0 : i32
        %dma_wait3A_92 = tpu.memref_slice %arg5[%dma_wait3A_90, %dma_wait3A_91] : memref<10016x128xf32, #tpu.memory_space<hbm>> -> memref<32x128xf32, #tpu.memory_space<hbm>>
        tpu.wait_dma2 semaphore(%run_scoped3A_80 : memref<!tpu.dma_semaphore, #tpu.memory_space<semaphore_mem>>) src(%dma_wait3A_92 : memref<32x128xf32, #tpu.memory_space<hbm>>) dst(%dma_wait3A_89 : memref<32x128xf32, #tpu.memory_space<vmem_shared>>)
        tpu.yield
      }) : () -> ()
    } else {
    }
    %barrier3A = arith.constant 0 : index
    tpu.barrier barrier_id(%barrier3A)
    "tpu.region"() ({
      %run_scoped3A_80 = tpu.sem_alloc : memref<!tpu.dma_semaphore, #tpu.memory_space<semaphore_mem>>
      %dma_start3A_81 = arith.constant 0 : i32
      %dma_start3A_82 = arith.constant 0 : i32
      %dma_start3A_83 = tpu.memref_slice %arg3[%add3A, %dma_start3A_81, %dma_start3A_82] : memref<32x80x128xi32, #tpu.memory_space<hbm>> -> memref<1x40x128xi32, #tpu.memory_space<hbm>>
      %dma_start3A_84 = tpu.memref_squeeze %dma_start3A_83 : memref<1x40x128xi32, #tpu.memory_space<hbm>> -> memref<40x128xi32, #tpu.memory_space<hbm>>
      %dma_start3A_85 = arith.constant 0 : i32
      %dma_start3A_86 = arith.constant 0 : i32
      %dma_start3A_87 = tpu.memref_slice %arg3[%add3A, %dma_start3A_85, %dma_start3A_86] : memref<32x80x128xi32, #tpu.memory_space<hbm>> -> memref<1x40x128xi32, #tpu.memory_space<hbm>>
      %dma_start3A_88 = tpu.memref_squeeze %dma_start3A_87 : memref<1x40x128xi32, #tpu.memory_space<hbm>> -> memref<40x128xi32, #tpu.memory_space<hbm>>
      tpu.enqueue_dma source(%dma_start3A_88 : memref<40x128xi32, #tpu.memory_space<hbm>>) target(%arg7 : memref<40x128xi32, #tpu.memory_space<vmem>>) target_semaphore(%run_scoped3A_80 : memref<!tpu.dma_semaphore, #tpu.memory_space<semaphore_mem>>)
      %dma_wait3A_89 = arith.constant 0 : i32
      %dma_wait3A_90 = arith.constant 0 : i32
      %dma_wait3A_91 = tpu.memref_slice %arg3[%add3A, %dma_wait3A_89, %dma_wait3A_90] : memref<32x80x128xi32, #tpu.memory_space<hbm>> -> memref<1x40x128xi32, #tpu.memory_space<hbm>>
      %dma_wait3A_92 = tpu.memref_squeeze %dma_wait3A_91 : memref<1x40x128xi32, #tpu.memory_space<hbm>> -> memref<40x128xi32, #tpu.memory_space<hbm>>
      %dma_wait3A_93 = arith.constant 0 : i32
      %dma_wait3A_94 = arith.constant 0 : i32
      %dma_wait3A_95 = tpu.memref_slice %arg3[%add3A, %dma_wait3A_93, %dma_wait3A_94] : memref<32x80x128xi32, #tpu.memory_space<hbm>> -> memref<1x40x128xi32, #tpu.memory_space<hbm>>
      %dma_wait3A_96 = tpu.memref_squeeze %dma_wait3A_95 : memref<1x40x128xi32, #tpu.memory_space<hbm>> -> memref<40x128xi32, #tpu.memory_space<hbm>>
      tpu.wait_dma2 semaphore(%run_scoped3A_80 : memref<!tpu.dma_semaphore, #tpu.memory_space<semaphore_mem>>) src(%dma_wait3A_96 : memref<40x128xi32, #tpu.memory_space<hbm>>) dst(%arg7 : memref<40x128xi32, #tpu.memory_space<vmem>>)
      tpu.yield
    }) : () -> ()
    "tpu.region"() ({
      %run_scoped3A_80 = tpu.sem_alloc : memref<!tpu.dma_semaphore, #tpu.memory_space<semaphore_mem>>
      %dma_start3A_81 = arith.constant 0 : i32
      %dma_start3A_82 = arith.constant 0 : i32
      %dma_start3A_83 = tpu.memref_slice %arg4[%add3A, %dma_start3A_81, %dma_start3A_82] : memref<32x80x128xi32, #tpu.memory_space<hbm>> -> memref<1x40x128xi32, #tpu.memory_space<hbm>>
      %dma_start3A_84 = tpu.memref_squeeze %dma_start3A_83 : memref<1x40x128xi32, #tpu.memory_space<hbm>> -> memref<40x128xi32, #tpu.memory_space<hbm>>
      %dma_start3A_85 = arith.constant 0 : i32
      %dma_start3A_86 = arith.constant 0 : i32
      %dma_start3A_87 = tpu.memref_slice %arg4[%add3A, %dma_start3A_85, %dma_start3A_86] : memref<32x80x128xi32, #tpu.memory_space<hbm>> -> memref<1x40x128xi32, #tpu.memory_space<hbm>>
      %dma_start3A_88 = tpu.memref_squeeze %dma_start3A_87 : memref<1x40x128xi32, #tpu.memory_space<hbm>> -> memref<40x128xi32, #tpu.memory_space<hbm>>
      tpu.enqueue_dma source(%dma_start3A_88 : memref<40x128xi32, #tpu.memory_space<hbm>>) target(%arg8 : memref<40x128xi32, #tpu.memory_space<vmem>>) target_semaphore(%run_scoped3A_80 : memref<!tpu.dma_semaphore, #tpu.memory_space<semaphore_mem>>)
      %dma_wait3A_89 = arith.constant 0 : i32
      %dma_wait3A_90 = arith.constant 0 : i32
      %dma_wait3A_91 = tpu.memref_slice %arg4[%add3A, %dma_wait3A_89, %dma_wait3A_90] : memref<32x80x128xi32, #tpu.memory_space<hbm>> -> memref<1x40x128xi32, #tpu.memory_space<hbm>>
      %dma_wait3A_92 = tpu.memref_squeeze %dma_wait3A_91 : memref<1x40x128xi32, #tpu.memory_space<hbm>> -> memref<40x128xi32, #tpu.memory_space<hbm>>
      %dma_wait3A_93 = arith.constant 0 : i32
      %dma_wait3A_94 = arith.constant 0 : i32
      %dma_wait3A_95 = tpu.memref_slice %arg4[%add3A, %dma_wait3A_93, %dma_wait3A_94] : memref<32x80x128xi32, #tpu.memory_space<hbm>> -> memref<1x40x128xi32, #tpu.memory_space<hbm>>
      %dma_wait3A_96 = tpu.memref_squeeze %dma_wait3A_95 : memref<1x40x128xi32, #tpu.memory_space<hbm>> -> memref<40x128xi32, #tpu.memory_space<hbm>>
      tpu.wait_dma2 semaphore(%run_scoped3A_80 : memref<!tpu.dma_semaphore, #tpu.memory_space<semaphore_mem>>) src(%dma_wait3A_96 : memref<40x128xi32, #tpu.memory_space<hbm>>) dst(%arg8 : memref<40x128xi32, #tpu.memory_space<vmem>>)
      tpu.yield
    }) : () -> ()
    %dma_start3A = arith.constant 0 : i32
    %dma_start3A_5 = arith.constant 0 : i32
    %dma_start3A_6 = tpu.memref_slice %arg7[%dma_start3A, %dma_start3A_5] : memref<40x128xi32, #tpu.memory_space<vmem>> -> memref<1x128xi32, #tpu.memory_space<vmem>>
    %dma_start3A_7 = tpu.memref_squeeze %dma_start3A_6 : memref<1x128xi32, #tpu.memory_space<vmem>> -> memref<128xi32, #tpu.memory_space<vmem>>
    %dma_start3A_8 = arith.constant 0 : i32
    %dma_start3A_9 = arith.constant 0 : i32
    %dma_start3A_10 = tpu.memref_slice %arg2[%dma_start3A_8, %dma_start3A_9] : memref<10000x128xf32, #tpu.memory_space<hbm>> -> memref<10000x128xf32, #tpu.memory_space<hbm>>
    tpu.enqueue_indirect_dma source(%dma_start3A_10 : memref<10000x128xf32, #tpu.memory_space<hbm>>) target(%arg9 : memref<128x128xf32, #tpu.memory_space<vmem>>) offsets(%dma_start3A_7 : memref<128xi32, #tpu.memory_space<vmem>>) semaphore(%arg12 : memref<!tpu.dma_semaphore, #tpu.memory_space<semaphore_mem>>)
    %dma_start3A_11 = arith.constant 1 : i32
    %dma_start3A_12 = arith.constant 0 : i32
    %dma_start3A_13 = tpu.memref_slice %arg7[%dma_start3A_11, %dma_start3A_12] : memref<40x128xi32, #tpu.memory_space<vmem>> -> memref<1x128xi32, #tpu.memory_space<vmem>>
    %dma_start3A_14 = tpu.memref_squeeze %dma_start3A_13 : memref<1x128xi32, #tpu.memory_space<vmem>> -> memref<128xi32, #tpu.memory_space<vmem>>
    %dma_start3A_15 = arith.constant 0 : i32
    %dma_start3A_16 = arith.constant 0 : i32
    %dma_start3A_17 = tpu.memref_slice %arg2[%dma_start3A_15, %dma_start3A_16] : memref<10000x128xf32, #tpu.memory_space<hbm>> -> memref<10000x128xf32, #tpu.memory_space<hbm>>
    tpu.enqueue_indirect_dma source(%dma_start3A_17 : memref<10000x128xf32, #tpu.memory_space<hbm>>) target(%arg10 : memref<128x128xf32, #tpu.memory_space<vmem>>) offsets(%dma_start3A_14 : memref<128xi32, #tpu.memory_space<vmem>>) semaphore(%arg13 : memref<!tpu.dma_semaphore, #tpu.memory_space<semaphore_mem>>)
    %scan3A = arith.constant 0 : i32
    %scan3A_18 = arith.constant 19 : i32
    %scan3A_19 = arith.addi %scan3A, %scan3A_18 : i32
    %scan3A_20 = arith.constant 1 : i32
    scf.for %scan3A_80 = %scan3A to %scan3A_19 step %scan3A_20  : i32 {
      %mul3A_81 = arith.constant 2 : i32
      %mul3A_82 = arith.muli %scan3A_80, %mul3A_81 : i32
      %add3A_83 = arith.constant 0 : i32
      %add3A_84 = arith.addi %add3A_83, %mul3A_82 : i32
      %dma_wait3A_85 = arith.constant 0 : i32
      %dma_wait3A_86 = tpu.memref_slice %arg7[%add3A_84, %dma_wait3A_85] : memref<40x128xi32, #tpu.memory_space<vmem>> -> memref<1x128xi32, #tpu.memory_space<vmem>>
      %dma_wait3A_87 = tpu.memref_squeeze %dma_wait3A_86 : memref<1x128xi32, #tpu.memory_space<vmem>> -> memref<128xi32, #tpu.memory_space<vmem>>
      %dma_wait3A_88 = arith.constant 0 : i32
      %dma_wait3A_89 = arith.constant 0 : i32
      %dma_wait3A_90 = tpu.memref_slice %arg2[%dma_wait3A_88, %dma_wait3A_89] : memref<10000x128xf32, #tpu.memory_space<hbm>> -> memref<10000x128xf32, #tpu.memory_space<hbm>>
      tpu.wait_indirect_dma semaphore(%arg12 : memref<!tpu.dma_semaphore, #tpu.memory_space<semaphore_mem>>) src(%dma_wait3A_90 : memref<10000x128xf32, #tpu.memory_space<hbm>>) dst(%arg9 : memref<128x128xf32, #tpu.memory_space<vmem>>)
      "tpu.region"() ({
        %run_scoped3A_117 = tpu.sem_alloc : memref<!tpu.dma_semaphore, #tpu.memory_space<semaphore_mem>>
        %dma_start3A_118 = arith.constant 0 : i32
        %dma_start3A_119 = tpu.memref_slice %arg8[%add3A_84, %dma_start3A_118] : memref<40x128xi32, #tpu.memory_space<vmem>> -> memref<1x128xi32, #tpu.memory_space<vmem>>
        %dma_start3A_120 = tpu.memref_squeeze %dma_start3A_119 : memref<1x128xi32, #tpu.memory_space<vmem>> -> memref<128xi32, #tpu.memory_space<vmem>>
        %dma_start3A_121 = arith.constant 0 : i32
        %dma_start3A_122 = arith.constant 0 : i32
        %dma_start3A_123 = tpu.memref_slice %arg11[%dma_start3A_121, %dma_start3A_122] : memref<10016x128xf32, #tpu.memory_space<vmem_shared>> -> memref<10016x128xf32, #tpu.memory_space<vmem_shared>>
        tpu.enqueue_indirect_dma source(%arg9 : memref<128x128xf32, #tpu.memory_space<vmem>>) target(%dma_start3A_123 : memref<10016x128xf32, #tpu.memory_space<vmem_shared>>) offsets(%dma_start3A_120 : memref<128xi32, #tpu.memory_space<vmem>>) semaphore(%run_scoped3A_117 : memref<!tpu.dma_semaphore, #tpu.memory_space<semaphore_mem>>) {add = true}
        %dma_wait3A_124 = arith.constant 0 : i32
        %dma_wait3A_125 = tpu.memref_slice %arg8[%add3A_84, %dma_wait3A_124] : memref<40x128xi32, #tpu.memory_space<vmem>> -> memref<1x128xi32, #tpu.memory_space<vmem>>
        %dma_wait3A_126 = tpu.memref_squeeze %dma_wait3A_125 : memref<1x128xi32, #tpu.memory_space<vmem>> -> memref<128xi32, #tpu.memory_space<vmem>>
        %dma_wait3A_127 = arith.constant 0 : i32
        %dma_wait3A_128 = arith.constant 0 : i32
        %dma_wait3A_129 = tpu.memref_slice %arg11[%dma_wait3A_127, %dma_wait3A_128] : memref<10016x128xf32, #tpu.memory_space<vmem_shared>> -> memref<10016x128xf32, #tpu.memory_space<vmem_shared>>
        tpu.wait_indirect_dma semaphore(%run_scoped3A_117 : memref<!tpu.dma_semaphore, #tpu.memory_space<semaphore_mem>>) src(%arg9 : memref<128x128xf32, #tpu.memory_space<vmem>>) dst(%dma_wait3A_129 : memref<10016x128xf32, #tpu.memory_space<vmem_shared>>)
        tpu.yield
      }) : () -> ()
      %add3A_91 = arith.constant 2 : i32
      %add3A_92 = arith.addi %add3A_84, %add3A_91 : i32
      %dma_start3A_93 = arith.constant 0 : i32
      %dma_start3A_94 = tpu.memref_slice %arg7[%add3A_92, %dma_start3A_93] : memref<40x128xi32, #tpu.memory_space<vmem>> -> memref<1x128xi32, #tpu.memory_space<vmem>>
      %dma_start3A_95 = tpu.memref_squeeze %dma_start3A_94 : memref<1x128xi32, #tpu.memory_space<vmem>> -> memref<128xi32, #tpu.memory_space<vmem>>
      %dma_start3A_96 = arith.constant 0 : i32
      %dma_start3A_97 = arith.constant 0 : i32
      %dma_start3A_98 = tpu.memref_slice %arg2[%dma_start3A_96, %dma_start3A_97] : memref<10000x128xf32, #tpu.memory_space<hbm>> -> memref<10000x128xf32, #tpu.memory_space<hbm>>
      tpu.enqueue_indirect_dma source(%dma_start3A_98 : memref<10000x128xf32, #tpu.memory_space<hbm>>) target(%arg9 : memref<128x128xf32, #tpu.memory_space<vmem>>) offsets(%dma_start3A_95 : memref<128xi32, #tpu.memory_space<vmem>>) semaphore(%arg12 : memref<!tpu.dma_semaphore, #tpu.memory_space<semaphore_mem>>)
      %add3A_99 = arith.constant 1 : i32
      %add3A_100 = arith.addi %add3A_84, %add3A_99 : i32
      %dma_wait3A_101 = arith.constant 0 : i32
      %dma_wait3A_102 = tpu.memref_slice %arg7[%add3A_100, %dma_wait3A_101] : memref<40x128xi32, #tpu.memory_space<vmem>> -> memref<1x128xi32, #tpu.memory_space<vmem>>
      %dma_wait3A_103 = tpu.memref_squeeze %dma_wait3A_102 : memref<1x128xi32, #tpu.memory_space<vmem>> -> memref<128xi32, #tpu.memory_space<vmem>>
      %dma_wait3A_104 = arith.constant 0 : i32
      %dma_wait3A_105 = arith.constant 0 : i32
      %dma_wait3A_106 = tpu.memref_slice %arg2[%dma_wait3A_104, %dma_wait3A_105] : memref<10000x128xf32, #tpu.memory_space<hbm>> -> memref<10000x128xf32, #tpu.memory_space<hbm>>
      tpu.wait_indirect_dma semaphore(%arg13 : memref<!tpu.dma_semaphore, #tpu.memory_space<semaphore_mem>>) src(%dma_wait3A_106 : memref<10000x128xf32, #tpu.memory_space<hbm>>) dst(%arg10 : memref<128x128xf32, #tpu.memory_space<vmem>>)
      %add3A_107 = arith.constant 1 : i32
      %add3A_108 = arith.addi %add3A_84, %add3A_107 : i32
      "tpu.region"() ({
        %run_scoped3A_117 = tpu.sem_alloc : memref<!tpu.dma_semaphore, #tpu.memory_space<semaphore_mem>>
        %dma_start3A_118 = arith.constant 0 : i32
        %dma_start3A_119 = tpu.memref_slice %arg8[%add3A_108, %dma_start3A_118] : memref<40x128xi32, #tpu.memory_space<vmem>> -> memref<1x128xi32, #tpu.memory_space<vmem>>
        %dma_start3A_120 = tpu.memref_squeeze %dma_start3A_119 : memref<1x128xi32, #tpu.memory_space<vmem>> -> memref<128xi32, #tpu.memory_space<vmem>>
        %dma_start3A_121 = arith.constant 0 : i32
        %dma_start3A_122 = arith.constant 0 : i32
        %dma_start3A_123 = tpu.memref_slice %arg11[%dma_start3A_121, %dma_start3A_122] : memref<10016x128xf32, #tpu.memory_space<vmem_shared>> -> memref<10016x128xf32, #tpu.memory_space<vmem_shared>>
        tpu.enqueue_indirect_dma source(%arg10 : memref<128x128xf32, #tpu.memory_space<vmem>>) target(%dma_start3A_123 : memref<10016x128xf32, #tpu.memory_space<vmem_shared>>) offsets(%dma_start3A_120 : memref<128xi32, #tpu.memory_space<vmem>>) semaphore(%run_scoped3A_117 : memref<!tpu.dma_semaphore, #tpu.memory_space<semaphore_mem>>) {add = true}
        %dma_wait3A_124 = arith.constant 0 : i32
        %dma_wait3A_125 = tpu.memref_slice %arg8[%add3A_108, %dma_wait3A_124] : memref<40x128xi32, #tpu.memory_space<vmem>> -> memref<1x128xi32, #tpu.memory_space<vmem>>
        %dma_wait3A_126 = tpu.memref_squeeze %dma_wait3A_125 : memref<1x128xi32, #tpu.memory_space<vmem>> -> memref<128xi32, #tpu.memory_space<vmem>>
        %dma_wait3A_127 = arith.constant 0 : i32
        %dma_wait3A_128 = arith.constant 0 : i32
        %dma_wait3A_129 = tpu.memref_slice %arg11[%dma_wait3A_127, %dma_wait3A_128] : memref<10016x128xf32, #tpu.memory_space<vmem_shared>> -> memref<10016x128xf32, #tpu.memory_space<vmem_shared>>
        tpu.wait_indirect_dma semaphore(%run_scoped3A_117 : memref<!tpu.dma_semaphore, #tpu.memory_space<semaphore_mem>>) src(%arg10 : memref<128x128xf32, #tpu.memory_space<vmem>>) dst(%dma_wait3A_129 : memref<10016x128xf32, #tpu.memory_space<vmem_shared>>)
        tpu.yield
      }) : () -> ()
      %add3A_109 = arith.constant 3 : i32
      %add3A_110 = arith.addi %add3A_84, %add3A_109 : i32
      %dma_start3A_111 = arith.constant 0 : i32
      %dma_start3A_112 = tpu.memref_slice %arg7[%add3A_110, %dma_start3A_111] : memref<40x128xi32, #tpu.memory_space<vmem>> -> memref<1x128xi32, #tpu.memory_space<vmem>>
      %dma_start3A_113 = tpu.memref_squeeze %dma_start3A_112 : memref<1x128xi32, #tpu.memory_space<vmem>> -> memref<128xi32, #tpu.memory_space<vmem>>
      %dma_start3A_114 = arith.constant 0 : i32
      %dma_start3A_115 = arith.constant 0 : i32
      %dma_start3A_116 = tpu.memref_slice %arg2[%dma_start3A_114, %dma_start3A_115] : memref<10000x128xf32, #tpu.memory_space<hbm>> -> memref<10000x128xf32, #tpu.memory_space<hbm>>
      tpu.enqueue_indirect_dma source(%dma_start3A_116 : memref<10000x128xf32, #tpu.memory_space<hbm>>) target(%arg10 : memref<128x128xf32, #tpu.memory_space<vmem>>) offsets(%dma_start3A_113 : memref<128xi32, #tpu.memory_space<vmem>>) semaphore(%arg13 : memref<!tpu.dma_semaphore, #tpu.memory_space<semaphore_mem>>)
    }
    %scan3A_21 = arith.constant 19 : i32
    %dma_wait3A = arith.constant 38 : i32
    %dma_wait3A_22 = arith.constant 0 : i32
    %dma_wait3A_23 = tpu.memref_slice %arg7[%dma_wait3A, %dma_wait3A_22] : memref<40x128xi32, #tpu.memory_space<vmem>> -> memref<1x128xi32, #tpu.memory_space<vmem>>
    %dma_wait3A_24 = tpu.memref_squeeze %dma_wait3A_23 : memref<1x128xi32, #tpu.memory_space<vmem>> -> memref<128xi32, #tpu.memory_space<vmem>>
    %dma_wait3A_25 = arith.constant 0 : i32
    %dma_wait3A_26 = arith.constant 0 : i32
    %dma_wait3A_27 = tpu.memref_slice %arg2[%dma_wait3A_25, %dma_wait3A_26] : memref<10000x128xf32, #tpu.memory_space<hbm>> -> memref<10000x128xf32, #tpu.memory_space<hbm>>
    tpu.wait_indirect_dma semaphore(%arg12 : memref<!tpu.dma_semaphore, #tpu.memory_space<semaphore_mem>>) src(%dma_wait3A_27 : memref<10000x128xf32, #tpu.memory_space<hbm>>) dst(%arg9 : memref<128x128xf32, #tpu.memory_space<vmem>>)
    %run_scoped3A = arith.constant 38 : i32
    "tpu.region"() ({
      %run_scoped3A_80 = tpu.sem_alloc : memref<!tpu.dma_semaphore, #tpu.memory_space<semaphore_mem>>
      %dma_start3A_81 = arith.constant 0 : i32
      %dma_start3A_82 = tpu.memref_slice %arg8[%run_scoped3A, %dma_start3A_81] : memref<40x128xi32, #tpu.memory_space<vmem>> -> memref<1x128xi32, #tpu.memory_space<vmem>>
      %dma_start3A_83 = tpu.memref_squeeze %dma_start3A_82 : memref<1x128xi32, #tpu.memory_space<vmem>> -> memref<128xi32, #tpu.memory_space<vmem>>
      %dma_start3A_84 = arith.constant 0 : i32
      %dma_start3A_85 = arith.constant 0 : i32
      %dma_start3A_86 = tpu.memref_slice %arg11[%dma_start3A_84, %dma_start3A_85] : memref<10016x128xf32, #tpu.memory_space<vmem_shared>> -> memref<10016x128xf32, #tpu.memory_space<vmem_shared>>
      tpu.enqueue_indirect_dma source(%arg9 : memref<128x128xf32, #tpu.memory_space<vmem>>) target(%dma_start3A_86 : memref<10016x128xf32, #tpu.memory_space<vmem_shared>>) offsets(%dma_start3A_83 : memref<128xi32, #tpu.memory_space<vmem>>) semaphore(%run_scoped3A_80 : memref<!tpu.dma_semaphore, #tpu.memory_space<semaphore_mem>>) {add = true}
      %dma_wait3A_87 = arith.constant 0 : i32
      %dma_wait3A_88 = tpu.memref_slice %arg8[%run_scoped3A, %dma_wait3A_87] : memref<40x128xi32, #tpu.memory_space<vmem>> -> memref<1x128xi32, #tpu.memory_space<vmem>>
      %dma_wait3A_89 = tpu.memref_squeeze %dma_wait3A_88 : memref<1x128xi32, #tpu.memory_space<vmem>> -> memref<128xi32, #tpu.memory_space<vmem>>
      %dma_wait3A_90 = arith.constant 0 : i32
      %dma_wait3A_91 = arith.constant 0 : i32
      %dma_wait3A_92 = tpu.memref_slice %arg11[%dma_wait3A_90, %dma_wait3A_91] : memref<10016x128xf32, #tpu.memory_space<vmem_shared>> -> memref<10016x128xf32, #tpu.memory_space<vmem_shared>>
      tpu.wait_indirect_dma semaphore(%run_scoped3A_80 : memref<!tpu.dma_semaphore, #tpu.memory_space<semaphore_mem>>) src(%arg9 : memref<128x128xf32, #tpu.memory_space<vmem>>) dst(%dma_wait3A_92 : memref<10016x128xf32, #tpu.memory_space<vmem_shared>>)
      tpu.yield
    }) : () -> ()
    %dma_wait3A_28 = arith.constant 39 : i32
    %dma_wait3A_29 = arith.constant 0 : i32
    %dma_wait3A_30 = tpu.memref_slice %arg7[%dma_wait3A_28, %dma_wait3A_29] : memref<40x128xi32, #tpu.memory_space<vmem>> -> memref<1x128xi32, #tpu.memory_space<vmem>>
    %dma_wait3A_31 = tpu.memref_squeeze %dma_wait3A_30 : memref<1x128xi32, #tpu.memory_space<vmem>> -> memref<128xi32, #tpu.memory_space<vmem>>
    %dma_wait3A_32 = arith.constant 0 : i32
    %dma_wait3A_33 = arith.constant 0 : i32
    %dma_wait3A_34 = tpu.memref_slice %arg2[%dma_wait3A_32, %dma_wait3A_33] : memref<10000x128xf32, #tpu.memory_space<hbm>> -> memref<10000x128xf32, #tpu.memory_space<hbm>>
    tpu.wait_indirect_dma semaphore(%arg13 : memref<!tpu.dma_semaphore, #tpu.memory_space<semaphore_mem>>) src(%dma_wait3A_34 : memref<10000x128xf32, #tpu.memory_space<hbm>>) dst(%arg10 : memref<128x128xf32, #tpu.memory_space<vmem>>)
    %run_scoped3A_35 = arith.constant 39 : i32
    "tpu.region"() ({
      %run_scoped3A_80 = tpu.sem_alloc : memref<!tpu.dma_semaphore, #tpu.memory_space<semaphore_mem>>
      %dma_start3A_81 = arith.constant 0 : i32
      %dma_start3A_82 = tpu.memref_slice %arg8[%run_scoped3A_35, %dma_start3A_81] : memref<40x128xi32, #tpu.memory_space<vmem>> -> memref<1x128xi32, #tpu.memory_space<vmem>>
      %dma_start3A_83 = tpu.memref_squeeze %dma_start3A_82 : memref<1x128xi32, #tpu.memory_space<vmem>> -> memref<128xi32, #tpu.memory_space<vmem>>
      %dma_start3A_84 = arith.constant 0 : i32
      %dma_start3A_85 = arith.constant 0 : i32
      %dma_start3A_86 = tpu.memref_slice %arg11[%dma_start3A_84, %dma_start3A_85] : memref<10016x128xf32, #tpu.memory_space<vmem_shared>> -> memref<10016x128xf32, #tpu.memory_space<vmem_shared>>
      tpu.enqueue_indirect_dma source(%arg10 : memref<128x128xf32, #tpu.memory_space<vmem>>) target(%dma_start3A_86 : memref<10016x128xf32, #tpu.memory_space<vmem_shared>>) offsets(%dma_start3A_83 : memref<128xi32, #tpu.memory_space<vmem>>) semaphore(%run_scoped3A_80 : memref<!tpu.dma_semaphore, #tpu.memory_space<semaphore_mem>>) {add = true}
      %dma_wait3A_87 = arith.constant 0 : i32
      %dma_wait3A_88 = tpu.memref_slice %arg8[%run_scoped3A_35, %dma_wait3A_87] : memref<40x128xi32, #tpu.memory_space<vmem>> -> memref<1x128xi32, #tpu.memory_space<vmem>>
      %dma_wait3A_89 = tpu.memref_squeeze %dma_wait3A_88 : memref<1x128xi32, #tpu.memory_space<vmem>> -> memref<128xi32, #tpu.memory_space<vmem>>
      %dma_wait3A_90 = arith.constant 0 : i32
      %dma_wait3A_91 = arith.constant 0 : i32
      %dma_wait3A_92 = tpu.memref_slice %arg11[%dma_wait3A_90, %dma_wait3A_91] : memref<10016x128xf32, #tpu.memory_space<vmem_shared>> -> memref<10016x128xf32, #tpu.memory_space<vmem_shared>>
      tpu.wait_indirect_dma semaphore(%run_scoped3A_80 : memref<!tpu.dma_semaphore, #tpu.memory_space<semaphore_mem>>) src(%arg10 : memref<128x128xf32, #tpu.memory_space<vmem>>) dst(%dma_wait3A_92 : memref<10016x128xf32, #tpu.memory_space<vmem_shared>>)
      tpu.yield
    }) : () -> ()
    "tpu.region"() ({
      %run_scoped3A_80 = tpu.sem_alloc : memref<!tpu.dma_semaphore, #tpu.memory_space<semaphore_mem>>
      %dma_start3A_81 = arith.constant 40 : i32
      %dma_start3A_82 = arith.constant 0 : i32
      %dma_start3A_83 = tpu.memref_slice %arg3[%add3A, %dma_start3A_81, %dma_start3A_82] : memref<32x80x128xi32, #tpu.memory_space<hbm>> -> memref<1x40x128xi32, #tpu.memory_space<hbm>>
      %dma_start3A_84 = tpu.memref_squeeze %dma_start3A_83 : memref<1x40x128xi32, #tpu.memory_space<hbm>> -> memref<40x128xi32, #tpu.memory_space<hbm>>
      %dma_start3A_85 = arith.constant 40 : i32
      %dma_start3A_86 = arith.constant 0 : i32
      %dma_start3A_87 = tpu.memref_slice %arg3[%add3A, %dma_start3A_85, %dma_start3A_86] : memref<32x80x128xi32, #tpu.memory_space<hbm>> -> memref<1x40x128xi32, #tpu.memory_space<hbm>>
      %dma_start3A_88 = tpu.memref_squeeze %dma_start3A_87 : memref<1x40x128xi32, #tpu.memory_space<hbm>> -> memref<40x128xi32, #tpu.memory_space<hbm>>
      tpu.enqueue_dma source(%dma_start3A_88 : memref<40x128xi32, #tpu.memory_space<hbm>>) target(%arg7 : memref<40x128xi32, #tpu.memory_space<vmem>>) target_semaphore(%run_scoped3A_80 : memref<!tpu.dma_semaphore, #tpu.memory_space<semaphore_mem>>)
      %dma_wait3A_89 = arith.constant 40 : i32
      %dma_wait3A_90 = arith.constant 0 : i32
      %dma_wait3A_91 = tpu.memref_slice %arg3[%add3A, %dma_wait3A_89, %dma_wait3A_90] : memref<32x80x128xi32, #tpu.memory_space<hbm>> -> memref<1x40x128xi32, #tpu.memory_space<hbm>>
      %dma_wait3A_92 = tpu.memref_squeeze %dma_wait3A_91 : memref<1x40x128xi32, #tpu.memory_space<hbm>> -> memref<40x128xi32, #tpu.memory_space<hbm>>
      %dma_wait3A_93 = arith.constant 40 : i32
      %dma_wait3A_94 = arith.constant 0 : i32
      %dma_wait3A_95 = tpu.memref_slice %arg3[%add3A, %dma_wait3A_93, %dma_wait3A_94] : memref<32x80x128xi32, #tpu.memory_space<hbm>> -> memref<1x40x128xi32, #tpu.memory_space<hbm>>
      %dma_wait3A_96 = tpu.memref_squeeze %dma_wait3A_95 : memref<1x40x128xi32, #tpu.memory_space<hbm>> -> memref<40x128xi32, #tpu.memory_space<hbm>>
      tpu.wait_dma2 semaphore(%run_scoped3A_80 : memref<!tpu.dma_semaphore, #tpu.memory_space<semaphore_mem>>) src(%dma_wait3A_96 : memref<40x128xi32, #tpu.memory_space<hbm>>) dst(%arg7 : memref<40x128xi32, #tpu.memory_space<vmem>>)
      tpu.yield
    }) : () -> ()
    "tpu.region"() ({
      %run_scoped3A_80 = tpu.sem_alloc : memref<!tpu.dma_semaphore, #tpu.memory_space<semaphore_mem>>
      %dma_start3A_81 = arith.constant 40 : i32
      %dma_start3A_82 = arith.constant 0 : i32
      %dma_start3A_83 = tpu.memref_slice %arg4[%add3A, %dma_start3A_81, %dma_start3A_82] : memref<32x80x128xi32, #tpu.memory_space<hbm>> -> memref<1x40x128xi32, #tpu.memory_space<hbm>>
      %dma_start3A_84 = tpu.memref_squeeze %dma_start3A_83 : memref<1x40x128xi32, #tpu.memory_space<hbm>> -> memref<40x128xi32, #tpu.memory_space<hbm>>
      %dma_start3A_85 = arith.constant 40 : i32
      %dma_start3A_86 = arith.constant 0 : i32
      %dma_start3A_87 = tpu.memref_slice %arg4[%add3A, %dma_start3A_85, %dma_start3A_86] : memref<32x80x128xi32, #tpu.memory_space<hbm>> -> memref<1x40x128xi32, #tpu.memory_space<hbm>>
      %dma_start3A_88 = tpu.memref_squeeze %dma_start3A_87 : memref<1x40x128xi32, #tpu.memory_space<hbm>> -> memref<40x128xi32, #tpu.memory_space<hbm>>
      tpu.enqueue_dma source(%dma_start3A_88 : memref<40x128xi32, #tpu.memory_space<hbm>>) target(%arg8 : memref<40x128xi32, #tpu.memory_space<vmem>>) target_semaphore(%run_scoped3A_80 : memref<!tpu.dma_semaphore, #tpu.memory_space<semaphore_mem>>)
      %dma_wait3A_89 = arith.constant 40 : i32
      %dma_wait3A_90 = arith.constant 0 : i32
      %dma_wait3A_91 = tpu.memref_slice %arg4[%add3A, %dma_wait3A_89, %dma_wait3A_90] : memref<32x80x128xi32, #tpu.memory_space<hbm>> -> memref<1x40x128xi32, #tpu.memory_space<hbm>>
      %dma_wait3A_92 = tpu.memref_squeeze %dma_wait3A_91 : memref<1x40x128xi32, #tpu.memory_space<hbm>> -> memref<40x128xi32, #tpu.memory_space<hbm>>
      %dma_wait3A_93 = arith.constant 40 : i32
      %dma_wait3A_94 = arith.constant 0 : i32
      %dma_wait3A_95 = tpu.memref_slice %arg4[%add3A, %dma_wait3A_93, %dma_wait3A_94] : memref<32x80x128xi32, #tpu.memory_space<hbm>> -> memref<1x40x128xi32, #tpu.memory_space<hbm>>
      %dma_wait3A_96 = tpu.memref_squeeze %dma_wait3A_95 : memref<1x40x128xi32, #tpu.memory_space<hbm>> -> memref<40x128xi32, #tpu.memory_space<hbm>>
      tpu.wait_dma2 semaphore(%run_scoped3A_80 : memref<!tpu.dma_semaphore, #tpu.memory_space<semaphore_mem>>) src(%dma_wait3A_96 : memref<40x128xi32, #tpu.memory_space<hbm>>) dst(%arg8 : memref<40x128xi32, #tpu.memory_space<vmem>>)
      tpu.yield
    }) : () -> ()
    %dma_start3A_36 = arith.constant 0 : i32
    %dma_start3A_37 = arith.constant 0 : i32
    %dma_start3A_38 = tpu.memref_slice %arg7[%dma_start3A_36, %dma_start3A_37] : memref<40x128xi32, #tpu.memory_space<vmem>> -> memref<1x128xi32, #tpu.memory_space<vmem>>
    %dma_start3A_39 = tpu.memref_squeeze %dma_start3A_38 : memref<1x128xi32, #tpu.memory_space<vmem>> -> memref<128xi32, #tpu.memory_space<vmem>>
    %dma_start3A_40 = arith.constant 0 : i32
    %dma_start3A_41 = arith.constant 0 : i32
    %dma_start3A_42 = tpu.memref_slice %arg2[%dma_start3A_40, %dma_start3A_41] : memref<10000x128xf32, #tpu.memory_space<hbm>> -> memref<10000x128xf32, #tpu.memory_space<hbm>>
    tpu.enqueue_indirect_dma source(%dma_start3A_42 : memref<10000x128xf32, #tpu.memory_space<hbm>>) target(%arg9 : memref<128x128xf32, #tpu.memory_space<vmem>>) offsets(%dma_start3A_39 : memref<128xi32, #tpu.memory_space<vmem>>) semaphore(%arg12 : memref<!tpu.dma_semaphore, #tpu.memory_space<semaphore_mem>>)
    %dma_start3A_43 = arith.constant 1 : i32
    %dma_start3A_44 = arith.constant 0 : i32
    %dma_start3A_45 = tpu.memref_slice %arg7[%dma_start3A_43, %dma_start3A_44] : memref<40x128xi32, #tpu.memory_space<vmem>> -> memref<1x128xi32, #tpu.memory_space<vmem>>
    %dma_start3A_46 = tpu.memref_squeeze %dma_start3A_45 : memref<1x128xi32, #tpu.memory_space<vmem>> -> memref<128xi32, #tpu.memory_space<vmem>>
    %dma_start3A_47 = arith.constant 0 : i32
    %dma_start3A_48 = arith.constant 0 : i32
    %dma_start3A_49 = tpu.memref_slice %arg2[%dma_start3A_47, %dma_start3A_48] : memref<10000x128xf32, #tpu.memory_space<hbm>> -> memref<10000x128xf32, #tpu.memory_space<hbm>>
    tpu.enqueue_indirect_dma source(%dma_start3A_49 : memref<10000x128xf32, #tpu.memory_space<hbm>>) target(%arg10 : memref<128x128xf32, #tpu.memory_space<vmem>>) offsets(%dma_start3A_46 : memref<128xi32, #tpu.memory_space<vmem>>) semaphore(%arg13 : memref<!tpu.dma_semaphore, #tpu.memory_space<semaphore_mem>>)
    %scan3A_50 = arith.constant 0 : i32
    %scan3A_51 = arith.constant 19 : i32
    %scan3A_52 = arith.addi %scan3A_50, %scan3A_51 : i32
    %scan3A_53 = arith.constant 1 : i32
    scf.for %scan3A_80 = %scan3A_50 to %scan3A_52 step %scan3A_53  : i32 {
      %mul3A_81 = arith.constant 2 : i32
      %mul3A_82 = arith.muli %scan3A_80, %mul3A_81 : i32
      %add3A_83 = arith.constant 0 : i32
      %add3A_84 = arith.addi %add3A_83, %mul3A_82 : i32
      %dma_wait3A_85 = arith.constant 0 : i32
      %dma_wait3A_86 = tpu.memref_slice %arg7[%add3A_84, %dma_wait3A_85] : memref<40x128xi32, #tpu.memory_space<vmem>> -> memref<1x128xi32, #tpu.memory_space<vmem>>
      %dma_wait3A_87 = tpu.memref_squeeze %dma_wait3A_86 : memref<1x128xi32, #tpu.memory_space<vmem>> -> memref<128xi32, #tpu.memory_space<vmem>>
      %dma_wait3A_88 = arith.constant 0 : i32
      %dma_wait3A_89 = arith.constant 0 : i32
      %dma_wait3A_90 = tpu.memref_slice %arg2[%dma_wait3A_88, %dma_wait3A_89] : memref<10000x128xf32, #tpu.memory_space<hbm>> -> memref<10000x128xf32, #tpu.memory_space<hbm>>
      tpu.wait_indirect_dma semaphore(%arg12 : memref<!tpu.dma_semaphore, #tpu.memory_space<semaphore_mem>>) src(%dma_wait3A_90 : memref<10000x128xf32, #tpu.memory_space<hbm>>) dst(%arg9 : memref<128x128xf32, #tpu.memory_space<vmem>>)
      "tpu.region"() ({
        %run_scoped3A_117 = tpu.sem_alloc : memref<!tpu.dma_semaphore, #tpu.memory_space<semaphore_mem>>
        %dma_start3A_118 = arith.constant 0 : i32
        %dma_start3A_119 = tpu.memref_slice %arg8[%add3A_84, %dma_start3A_118] : memref<40x128xi32, #tpu.memory_space<vmem>> -> memref<1x128xi32, #tpu.memory_space<vmem>>
        %dma_start3A_120 = tpu.memref_squeeze %dma_start3A_119 : memref<1x128xi32, #tpu.memory_space<vmem>> -> memref<128xi32, #tpu.memory_space<vmem>>
        %dma_start3A_121 = arith.constant 0 : i32
        %dma_start3A_122 = arith.constant 0 : i32
        %dma_start3A_123 = tpu.memref_slice %arg11[%dma_start3A_121, %dma_start3A_122] : memref<10016x128xf32, #tpu.memory_space<vmem_shared>> -> memref<10016x128xf32, #tpu.memory_space<vmem_shared>>
        tpu.enqueue_indirect_dma source(%arg9 : memref<128x128xf32, #tpu.memory_space<vmem>>) target(%dma_start3A_123 : memref<10016x128xf32, #tpu.memory_space<vmem_shared>>) offsets(%dma_start3A_120 : memref<128xi32, #tpu.memory_space<vmem>>) semaphore(%run_scoped3A_117 : memref<!tpu.dma_semaphore, #tpu.memory_space<semaphore_mem>>) {add = true}
        %dma_wait3A_124 = arith.constant 0 : i32
        %dma_wait3A_125 = tpu.memref_slice %arg8[%add3A_84, %dma_wait3A_124] : memref<40x128xi32, #tpu.memory_space<vmem>> -> memref<1x128xi32, #tpu.memory_space<vmem>>
        %dma_wait3A_126 = tpu.memref_squeeze %dma_wait3A_125 : memref<1x128xi32, #tpu.memory_space<vmem>> -> memref<128xi32, #tpu.memory_space<vmem>>
        %dma_wait3A_127 = arith.constant 0 : i32
        %dma_wait3A_128 = arith.constant 0 : i32
        %dma_wait3A_129 = tpu.memref_slice %arg11[%dma_wait3A_127, %dma_wait3A_128] : memref<10016x128xf32, #tpu.memory_space<vmem_shared>> -> memref<10016x128xf32, #tpu.memory_space<vmem_shared>>
        tpu.wait_indirect_dma semaphore(%run_scoped3A_117 : memref<!tpu.dma_semaphore, #tpu.memory_space<semaphore_mem>>) src(%arg9 : memref<128x128xf32, #tpu.memory_space<vmem>>) dst(%dma_wait3A_129 : memref<10016x128xf32, #tpu.memory_space<vmem_shared>>)
        tpu.yield
      }) : () -> ()
      %add3A_91 = arith.constant 2 : i32
      %add3A_92 = arith.addi %add3A_84, %add3A_91 : i32
      %dma_start3A_93 = arith.constant 0 : i32
      %dma_start3A_94 = tpu.memref_slice %arg7[%add3A_92, %dma_start3A_93] : memref<40x128xi32, #tpu.memory_space<vmem>> -> memref<1x128xi32, #tpu.memory_space<vmem>>
      %dma_start3A_95 = tpu.memref_squeeze %dma_start3A_94 : memref<1x128xi32, #tpu.memory_space<vmem>> -> memref<128xi32, #tpu.memory_space<vmem>>
      %dma_start3A_96 = arith.constant 0 : i32
      %dma_start3A_97 = arith.constant 0 : i32
      %dma_start3A_98 = tpu.memref_slice %arg2[%dma_start3A_96, %dma_start3A_97] : memref<10000x128xf32, #tpu.memory_space<hbm>> -> memref<10000x128xf32, #tpu.memory_space<hbm>>
      tpu.enqueue_indirect_dma source(%dma_start3A_98 : memref<10000x128xf32, #tpu.memory_space<hbm>>) target(%arg9 : memref<128x128xf32, #tpu.memory_space<vmem>>) offsets(%dma_start3A_95 : memref<128xi32, #tpu.memory_space<vmem>>) semaphore(%arg12 : memref<!tpu.dma_semaphore, #tpu.memory_space<semaphore_mem>>)
      %add3A_99 = arith.constant 1 : i32
      %add3A_100 = arith.addi %add3A_84, %add3A_99 : i32
      %dma_wait3A_101 = arith.constant 0 : i32
      %dma_wait3A_102 = tpu.memref_slice %arg7[%add3A_100, %dma_wait3A_101] : memref<40x128xi32, #tpu.memory_space<vmem>> -> memref<1x128xi32, #tpu.memory_space<vmem>>
      %dma_wait3A_103 = tpu.memref_squeeze %dma_wait3A_102 : memref<1x128xi32, #tpu.memory_space<vmem>> -> memref<128xi32, #tpu.memory_space<vmem>>
      %dma_wait3A_104 = arith.constant 0 : i32
      %dma_wait3A_105 = arith.constant 0 : i32
      %dma_wait3A_106 = tpu.memref_slice %arg2[%dma_wait3A_104, %dma_wait3A_105] : memref<10000x128xf32, #tpu.memory_space<hbm>> -> memref<10000x128xf32, #tpu.memory_space<hbm>>
      tpu.wait_indirect_dma semaphore(%arg13 : memref<!tpu.dma_semaphore, #tpu.memory_space<semaphore_mem>>) src(%dma_wait3A_106 : memref<10000x128xf32, #tpu.memory_space<hbm>>) dst(%arg10 : memref<128x128xf32, #tpu.memory_space<vmem>>)
      %add3A_107 = arith.constant 1 : i32
      %add3A_108 = arith.addi %add3A_84, %add3A_107 : i32
      "tpu.region"() ({
        %run_scoped3A_117 = tpu.sem_alloc : memref<!tpu.dma_semaphore, #tpu.memory_space<semaphore_mem>>
        %dma_start3A_118 = arith.constant 0 : i32
        %dma_start3A_119 = tpu.memref_slice %arg8[%add3A_108, %dma_start3A_118] : memref<40x128xi32, #tpu.memory_space<vmem>> -> memref<1x128xi32, #tpu.memory_space<vmem>>
        %dma_start3A_120 = tpu.memref_squeeze %dma_start3A_119 : memref<1x128xi32, #tpu.memory_space<vmem>> -> memref<128xi32, #tpu.memory_space<vmem>>
        %dma_start3A_121 = arith.constant 0 : i32
        %dma_start3A_122 = arith.constant 0 : i32
        %dma_start3A_123 = tpu.memref_slice %arg11[%dma_start3A_121, %dma_start3A_122] : memref<10016x128xf32, #tpu.memory_space<vmem_shared>> -> memref<10016x128xf32, #tpu.memory_space<vmem_shared>>
        tpu.enqueue_indirect_dma source(%arg10 : memref<128x128xf32, #tpu.memory_space<vmem>>) target(%dma_start3A_123 : memref<10016x128xf32, #tpu.memory_space<vmem_shared>>) offsets(%dma_start3A_120 : memref<128xi32, #tpu.memory_space<vmem>>) semaphore(%run_scoped3A_117 : memref<!tpu.dma_semaphore, #tpu.memory_space<semaphore_mem>>) {add = true}
        %dma_wait3A_124 = arith.constant 0 : i32
        %dma_wait3A_125 = tpu.memref_slice %arg8[%add3A_108, %dma_wait3A_124] : memref<40x128xi32, #tpu.memory_space<vmem>> -> memref<1x128xi32, #tpu.memory_space<vmem>>
        %dma_wait3A_126 = tpu.memref_squeeze %dma_wait3A_125 : memref<1x128xi32, #tpu.memory_space<vmem>> -> memref<128xi32, #tpu.memory_space<vmem>>
        %dma_wait3A_127 = arith.constant 0 : i32
        %dma_wait3A_128 = arith.constant 0 : i32
        %dma_wait3A_129 = tpu.memref_slice %arg11[%dma_wait3A_127, %dma_wait3A_128] : memref<10016x128xf32, #tpu.memory_space<vmem_shared>> -> memref<10016x128xf32, #tpu.memory_space<vmem_shared>>
        tpu.wait_indirect_dma semaphore(%run_scoped3A_117 : memref<!tpu.dma_semaphore, #tpu.memory_space<semaphore_mem>>) src(%arg10 : memref<128x128xf32, #tpu.memory_space<vmem>>) dst(%dma_wait3A_129 : memref<10016x128xf32, #tpu.memory_space<vmem_shared>>)
        tpu.yield
      }) : () -> ()
      %add3A_109 = arith.constant 3 : i32
      %add3A_110 = arith.addi %add3A_84, %add3A_109 : i32
      %dma_start3A_111 = arith.constant 0 : i32
      %dma_start3A_112 = tpu.memref_slice %arg7[%add3A_110, %dma_start3A_111] : memref<40x128xi32, #tpu.memory_space<vmem>> -> memref<1x128xi32, #tpu.memory_space<vmem>>
      %dma_start3A_113 = tpu.memref_squeeze %dma_start3A_112 : memref<1x128xi32, #tpu.memory_space<vmem>> -> memref<128xi32, #tpu.memory_space<vmem>>
      %dma_start3A_114 = arith.constant 0 : i32
      %dma_start3A_115 = arith.constant 0 : i32
      %dma_start3A_116 = tpu.memref_slice %arg2[%dma_start3A_114, %dma_start3A_115] : memref<10000x128xf32, #tpu.memory_space<hbm>> -> memref<10000x128xf32, #tpu.memory_space<hbm>>
      tpu.enqueue_indirect_dma source(%dma_start3A_116 : memref<10000x128xf32, #tpu.memory_space<hbm>>) target(%arg10 : memref<128x128xf32, #tpu.memory_space<vmem>>) offsets(%dma_start3A_113 : memref<128xi32, #tpu.memory_space<vmem>>) semaphore(%arg13 : memref<!tpu.dma_semaphore, #tpu.memory_space<semaphore_mem>>)
    }
    %scan3A_54 = arith.constant 19 : i32
    %dma_wait3A_55 = arith.constant 38 : i32
    %dma_wait3A_56 = arith.constant 0 : i32
    %dma_wait3A_57 = tpu.memref_slice %arg7[%dma_wait3A_55, %dma_wait3A_56] : memref<40x128xi32, #tpu.memory_space<vmem>> -> memref<1x128xi32, #tpu.memory_space<vmem>>
    %dma_wait3A_58 = tpu.memref_squeeze %dma_wait3A_57 : memref<1x128xi32, #tpu.memory_space<vmem>> -> memref<128xi32, #tpu.memory_space<vmem>>
    %dma_wait3A_59 = arith.constant 0 : i32
    %dma_wait3A_60 = arith.constant 0 : i32
    %dma_wait3A_61 = tpu.memref_slice %arg2[%dma_wait3A_59, %dma_wait3A_60] : memref<10000x128xf32, #tpu.memory_space<hbm>> -> memref<10000x128xf32, #tpu.memory_space<hbm>>
    tpu.wait_indirect_dma semaphore(%arg12 : memref<!tpu.dma_semaphore, #tpu.memory_space<semaphore_mem>>) src(%dma_wait3A_61 : memref<10000x128xf32, #tpu.memory_space<hbm>>) dst(%arg9 : memref<128x128xf32, #tpu.memory_space<vmem>>)
    %run_scoped3A_62 = arith.constant 38 : i32
    "tpu.region"() ({
      %run_scoped3A_80 = tpu.sem_alloc : memref<!tpu.dma_semaphore, #tpu.memory_space<semaphore_mem>>
      %dma_start3A_81 = arith.constant 0 : i32
      %dma_start3A_82 = tpu.memref_slice %arg8[%run_scoped3A_62, %dma_start3A_81] : memref<40x128xi32, #tpu.memory_space<vmem>> -> memref<1x128xi32, #tpu.memory_space<vmem>>
      %dma_start3A_83 = tpu.memref_squeeze %dma_start3A_82 : memref<1x128xi32, #tpu.memory_space<vmem>> -> memref<128xi32, #tpu.memory_space<vmem>>
      %dma_start3A_84 = arith.constant 0 : i32
      %dma_start3A_85 = arith.constant 0 : i32
      %dma_start3A_86 = tpu.memref_slice %arg11[%dma_start3A_84, %dma_start3A_85] : memref<10016x128xf32, #tpu.memory_space<vmem_shared>> -> memref<10016x128xf32, #tpu.memory_space<vmem_shared>>
      tpu.enqueue_indirect_dma source(%arg9 : memref<128x128xf32, #tpu.memory_space<vmem>>) target(%dma_start3A_86 : memref<10016x128xf32, #tpu.memory_space<vmem_shared>>) offsets(%dma_start3A_83 : memref<128xi32, #tpu.memory_space<vmem>>) semaphore(%run_scoped3A_80 : memref<!tpu.dma_semaphore, #tpu.memory_space<semaphore_mem>>) {add = true}
      %dma_wait3A_87 = arith.constant 0 : i32
      %dma_wait3A_88 = tpu.memref_slice %arg8[%run_scoped3A_62, %dma_wait3A_87] : memref<40x128xi32, #tpu.memory_space<vmem>> -> memref<1x128xi32, #tpu.memory_space<vmem>>
      %dma_wait3A_89 = tpu.memref_squeeze %dma_wait3A_88 : memref<1x128xi32, #tpu.memory_space<vmem>> -> memref<128xi32, #tpu.memory_space<vmem>>
      %dma_wait3A_90 = arith.constant 0 : i32
      %dma_wait3A_91 = arith.constant 0 : i32
      %dma_wait3A_92 = tpu.memref_slice %arg11[%dma_wait3A_90, %dma_wait3A_91] : memref<10016x128xf32, #tpu.memory_space<vmem_shared>> -> memref<10016x128xf32, #tpu.memory_space<vmem_shared>>
      tpu.wait_indirect_dma semaphore(%run_scoped3A_80 : memref<!tpu.dma_semaphore, #tpu.memory_space<semaphore_mem>>) src(%arg9 : memref<128x128xf32, #tpu.memory_space<vmem>>) dst(%dma_wait3A_92 : memref<10016x128xf32, #tpu.memory_space<vmem_shared>>)
      tpu.yield
    }) : () -> ()
    %dma_wait3A_63 = arith.constant 39 : i32
    %dma_wait3A_64 = arith.constant 0 : i32
    %dma_wait3A_65 = tpu.memref_slice %arg7[%dma_wait3A_63, %dma_wait3A_64] : memref<40x128xi32, #tpu.memory_space<vmem>> -> memref<1x128xi32, #tpu.memory_space<vmem>>
    %dma_wait3A_66 = tpu.memref_squeeze %dma_wait3A_65 : memref<1x128xi32, #tpu.memory_space<vmem>> -> memref<128xi32, #tpu.memory_space<vmem>>
    %dma_wait3A_67 = arith.constant 0 : i32
    %dma_wait3A_68 = arith.constant 0 : i32
    %dma_wait3A_69 = tpu.memref_slice %arg2[%dma_wait3A_67, %dma_wait3A_68] : memref<10000x128xf32, #tpu.memory_space<hbm>> -> memref<10000x128xf32, #tpu.memory_space<hbm>>
    tpu.wait_indirect_dma semaphore(%arg13 : memref<!tpu.dma_semaphore, #tpu.memory_space<semaphore_mem>>) src(%dma_wait3A_69 : memref<10000x128xf32, #tpu.memory_space<hbm>>) dst(%arg10 : memref<128x128xf32, #tpu.memory_space<vmem>>)
    %run_scoped3A_70 = arith.constant 39 : i32
    "tpu.region"() ({
      %run_scoped3A_80 = tpu.sem_alloc : memref<!tpu.dma_semaphore, #tpu.memory_space<semaphore_mem>>
      %dma_start3A_81 = arith.constant 0 : i32
      %dma_start3A_82 = tpu.memref_slice %arg8[%run_scoped3A_70, %dma_start3A_81] : memref<40x128xi32, #tpu.memory_space<vmem>> -> memref<1x128xi32, #tpu.memory_space<vmem>>
      %dma_start3A_83 = tpu.memref_squeeze %dma_start3A_82 : memref<1x128xi32, #tpu.memory_space<vmem>> -> memref<128xi32, #tpu.memory_space<vmem>>
      %dma_start3A_84 = arith.constant 0 : i32
      %dma_start3A_85 = arith.constant 0 : i32
      %dma_start3A_86 = tpu.memref_slice %arg11[%dma_start3A_84, %dma_start3A_85] : memref<10016x128xf32, #tpu.memory_space<vmem_shared>> -> memref<10016x128xf32, #tpu.memory_space<vmem_shared>>
      tpu.enqueue_indirect_dma source(%arg10 : memref<128x128xf32, #tpu.memory_space<vmem>>) target(%dma_start3A_86 : memref<10016x128xf32, #tpu.memory_space<vmem_shared>>) offsets(%dma_start3A_83 : memref<128xi32, #tpu.memory_space<vmem>>) semaphore(%run_scoped3A_80 : memref<!tpu.dma_semaphore, #tpu.memory_space<semaphore_mem>>) {add = true}
      %dma_wait3A_87 = arith.constant 0 : i32
      %dma_wait3A_88 = tpu.memref_slice %arg8[%run_scoped3A_70, %dma_wait3A_87] : memref<40x128xi32, #tpu.memory_space<vmem>> -> memref<1x128xi32, #tpu.memory_space<vmem>>
      %dma_wait3A_89 = tpu.memref_squeeze %dma_wait3A_88 : memref<1x128xi32, #tpu.memory_space<vmem>> -> memref<128xi32, #tpu.memory_space<vmem>>
      %dma_wait3A_90 = arith.constant 0 : i32
      %dma_wait3A_91 = arith.constant 0 : i32
      %dma_wait3A_92 = tpu.memref_slice %arg11[%dma_wait3A_90, %dma_wait3A_91] : memref<10016x128xf32, #tpu.memory_space<vmem_shared>> -> memref<10016x128xf32, #tpu.memory_space<vmem_shared>>
      tpu.wait_indirect_dma semaphore(%run_scoped3A_80 : memref<!tpu.dma_semaphore, #tpu.memory_space<semaphore_mem>>) src(%arg10 : memref<128x128xf32, #tpu.memory_space<vmem>>) dst(%dma_wait3A_92 : memref<10016x128xf32, #tpu.memory_space<vmem_shared>>)
      tpu.yield
    }) : () -> ()
    %barrier3A_71 = arith.constant 0 : index
    tpu.barrier barrier_id(%barrier3A_71)
    %mul3A_72 = arith.constant 10000 : i32
    %mul3A_73 = arith.muli %arg0, %mul3A_72 : i32
    %add3A_74 = arith.addi %mul3A_73, %mul3A_2 : i32
    "tpu.region"() ({
      %run_scoped3A_80 = tpu.sem_alloc : memref<!tpu.dma_semaphore, #tpu.memory_space<semaphore_mem>>
      %dma_start3A_81 = arith.constant 0 : i32
      %dma_start3A_82 = tpu.memref_slice %arg6[%add3A_74, %dma_start3A_81] : memref<20000x128xf32, #tpu.memory_space<hbm>> -> memref<624x128xf32, #tpu.memory_space<hbm>>
      %dma_start3A_83 = arith.constant 0 : i32
      %dma_start3A_84 = tpu.memref_slice %arg11[%mul3A_2, %dma_start3A_83] : memref<10016x128xf32, #tpu.memory_space<vmem_shared>> -> memref<624x128xf32, #tpu.memory_space<vmem_shared>>
      tpu.enqueue_dma source(%dma_start3A_84 : memref<624x128xf32, #tpu.memory_space<vmem_shared>>) target(%dma_start3A_82 : memref<624x128xf32, #tpu.memory_space<hbm>>) target_semaphore(%run_scoped3A_80 : memref<!tpu.dma_semaphore, #tpu.memory_space<semaphore_mem>>)
      %dma_wait3A_85 = arith.constant 0 : i32
      %dma_wait3A_86 = tpu.memref_slice %arg6[%add3A_74, %dma_wait3A_85] : memref<20000x128xf32, #tpu.memory_space<hbm>> -> memref<624x128xf32, #tpu.memory_space<hbm>>
      %dma_wait3A_87 = arith.constant 0 : i32
      %dma_wait3A_88 = tpu.memref_slice %arg11[%mul3A_2, %dma_wait3A_87] : memref<10016x128xf32, #tpu.memory_space<vmem_shared>> -> memref<624x128xf32, #tpu.memory_space<vmem_shared>>
      tpu.wait_dma2 semaphore(%run_scoped3A_80 : memref<!tpu.dma_semaphore, #tpu.memory_space<semaphore_mem>>) src(%dma_wait3A_88 : memref<624x128xf32, #tpu.memory_space<vmem_shared>>) dst(%dma_wait3A_86 : memref<624x128xf32, #tpu.memory_space<hbm>>)
      tpu.yield
    }) : () -> ()
    %eq3A_75 = arith.constant 0 : i32
    %eq3A_76 = arith.cmpi eq, %arg1, %eq3A_75 : i32
    %convert_element_type3A_77 = arith.extui %eq3A_76 : i1 to i32
    %cond3A_78 = arith.constant 0 : i32
    %cond3A_79 = arith.cmpi ne, %convert_element_type3A_77, %cond3A_78 : i32
    scf.if %cond3A_79 {
      %mul3A_80 = arith.constant 10000 : i32
      %mul3A_81 = arith.muli %arg0, %mul3A_80 : i32
      %add3A_82 = arith.constant 9984 : i32
      %add3A_83 = arith.addi %mul3A_81, %add3A_82 : i32
      "tpu.region"() ({
        %run_scoped3A_84 = tpu.sem_alloc : memref<!tpu.dma_semaphore, #tpu.memory_space<semaphore_mem>>
        %dma_start3A_85 = arith.constant 0 : i32
        %dma_start3A_86 = tpu.memref_slice %arg6[%add3A_83, %dma_start3A_85] : memref<20000x128xf32, #tpu.memory_space<hbm>> -> memref<16x128xf32, #tpu.memory_space<hbm>>
        %dma_start3A_87 = arith.constant 9984 : i32
        %dma_start3A_88 = arith.constant 0 : i32
        %dma_start3A_89 = tpu.memref_slice %arg11[%dma_start3A_87, %dma_start3A_88] : memref<10016x128xf32, #tpu.memory_space<vmem_shared>> -> memref<16x128xf32, #tpu.memory_space<vmem_shared>>
        tpu.enqueue_dma source(%dma_start3A_89 : memref<16x128xf32, #tpu.memory_space<vmem_shared>>) target(%dma_start3A_86 : memref<16x128xf32, #tpu.memory_space<hbm>>) target_semaphore(%run_scoped3A_84 : memref<!tpu.dma_semaphore, #tpu.memory_space<semaphore_mem>>)
        %dma_wait3A_90 = arith.constant 0 : i32
        %dma_wait3A_91 = tpu.memref_slice %arg6[%add3A_83, %dma_wait3A_90] : memref<20000x128xf32, #tpu.memory_space<hbm>> -> memref<16x128xf32, #tpu.memory_space<hbm>>
        %dma_wait3A_92 = arith.constant 9984 : i32
        %dma_wait3A_93 = arith.constant 0 : i32
        %dma_wait3A_94 = tpu.memref_slice %arg11[%dma_wait3A_92, %dma_wait3A_93] : memref<10016x128xf32, #tpu.memory_space<vmem_shared>> -> memref<16x128xf32, #tpu.memory_space<vmem_shared>>
        tpu.wait_dma2 semaphore(%run_scoped3A_84 : memref<!tpu.dma_semaphore, #tpu.memory_space<semaphore_mem>>) src(%dma_wait3A_94 : memref<16x128xf32, #tpu.memory_space<vmem_shared>>) dst(%dma_wait3A_91 : memref<16x128xf32, #tpu.memory_space<hbm>>)
        tpu.yield
      }) : () -> ()
    } else {
    }
    return
  }
}

#map = affine_map<(d0, d1) -> (0, 0)>
#map1 = affine_map<(d0, d1) -> (0, 0, 0)>
module attributes {stable_mosaic.version = 14 : i64} {
  func.func @_sc_segment_sum(%arg0: i32, %arg1: i32, %arg2: memref<10000x128xf32, #tpu.memory_space<hbm>>, %arg3: memref<32x80x128xi32, #tpu.memory_space<hbm>>, %arg4: memref<32x80x128xi32, #tpu.memory_space<hbm>>, %arg5: memref<10016x128xf32, #tpu.memory_space<hbm>>, %arg6: memref<20000x128xf32, #tpu.memory_space<hbm>>, %arg7: memref<40x128xi32, #tpu.memory_space<vmem>>, %arg8: memref<40x128xi32, #tpu.memory_space<vmem>>, %arg9: memref<128x128xf32, #tpu.memory_space<vmem>>, %arg10: memref<128x128xf32, #tpu.memory_space<vmem>>, %arg11: memref<10016x128xf32, #tpu.memory_space<vmem_shared>>, %arg12: memref<!tpu.dma_semaphore, #tpu.memory_space<semaphore_mem>>, %arg13: memref<!tpu.dma_semaphore, #tpu.memory_space<semaphore_mem>>) attributes {dimension_semantics = [#tpu.dimension_semantics<core_parallel>, #tpu.dimension_semantics<subcore_parallel>], iteration_bounds = array<i64: 2, 16>, scalar_prefetch = 0 : i64, scratch_operands = 7 : i64, tpu.core_type = #tpu.core_type<sc_vector_subcore>, window_params = [{transform_indices = #map}, {transform_indices = #map1}, {transform_indices = #map1}, {transform_indices = #map}, {transform_indices = #map}]} {
    %mul3A = arith.constant 16 : i32
    %mul3A_0 = arith.muli %arg0, %mul3A : i32
    %add3A = arith.addi %mul3A_0, %arg1 : i32
    %mul3A_1 = arith.constant 624 : i32
    %mul3A_2 = arith.muli %arg1, %mul3A_1 : i32
    "tpu.region"() ({
      %run_scoped3A_80 = tpu.sem_alloc : memref<!tpu.dma_semaphore, #tpu.memory_space<semaphore_mem>>
      %dma_start3A_81 = arith.constant 0 : i32
      %dma_start3A_82 = tpu.memref_slice %arg11[%mul3A_2, %dma_start3A_81] : memref<10016x128xf32, #tpu.memory_space<vmem_shared>> -> memref<624x128xf32, #tpu.memory_space<vmem_shared>>
      %dma_start3A_83 = arith.constant 0 : i32
      %dma_start3A_84 = tpu.memref_slice %arg5[%mul3A_2, %dma_start3A_83] : memref<10016x128xf32, #tpu.memory_space<hbm>> -> memref<624x128xf32, #tpu.memory_space<hbm>>
      tpu.enqueue_dma source(%dma_start3A_84 : memref<624x128xf32, #tpu.memory_space<hbm>>) target(%dma_start3A_82 : memref<624x128xf32, #tpu.memory_space<vmem_shared>>) target_semaphore(%run_scoped3A_80 : memref<!tpu.dma_semaphore, #tpu.memory_space<semaphore_mem>>)
      %dma_wait3A_85 = arith.constant 0 : i32
      %dma_wait3A_86 = tpu.memref_slice %arg11[%mul3A_2, %dma_wait3A_85] : memref<10016x128xf32, #tpu.memory_space<vmem_shared>> -> memref<624x128xf32, #tpu.memory_space<vmem_shared>>
      %dma_wait3A_87 = arith.constant 0 : i32
      %dma_wait3A_88 = tpu.memref_slice %arg5[%mul3A_2, %dma_wait3A_87] : memref<10016x128xf32, #tpu.memory_space<hbm>> -> memref<624x128xf32, #tpu.memory_space<hbm>>
      tpu.wait_dma2 semaphore(%run_scoped3A_80 : memref<!tpu.dma_semaphore, #tpu.memory_space<semaphore_mem>>) src(%dma_wait3A_88 : memref<624x128xf32, #tpu.memory_space<hbm>>) dst(%dma_wait3A_86 : memref<624x128xf32, #tpu.memory_space<vmem_shared>>)
      tpu.yield
    }) : () -> ()
    %eq3A = arith.constant 0 : i32
    %eq3A_3 = arith.cmpi eq, %arg1, %eq3A : i32
    %convert_element_type3A = arith.extui %eq3A_3 : i1 to i32
    %cond3A = arith.constant 0 : i32
    %cond3A_4 = arith.cmpi ne, %convert_element_type3A, %cond3A : i32
    scf.if %cond3A_4 {
      "tpu.region"() ({
        %run_scoped3A_80 = tpu.sem_alloc : memref<!tpu.dma_semaphore, #tpu.memory_space<semaphore_mem>>
        %dma_start3A_81 = arith.constant 9984 : i32
        %dma_start3A_82 = arith.constant 0 : i32
        %dma_start3A_83 = tpu.memref_slice %arg11[%dma_start3A_81, %dma_start3A_82] : memref<10016x128xf32, #tpu.memory_space<vmem_shared>> -> memref<32x128xf32, #tpu.memory_space<vmem_shared>>
        %dma_start3A_84 = arith.constant 9984 : i32
        %dma_start3A_85 = arith.constant 0 : i32
        %dma_start3A_86 = tpu.memref_slice %arg5[%dma_start3A_84, %dma_start3A_85] : memref<10016x128xf32, #tpu.memory_space<hbm>> -> memref<32x128xf32, #tpu.memory_space<hbm>>
        tpu.enqueue_dma source(%dma_start3A_86 : memref<32x128xf32, #tpu.memory_space<hbm>>) target(%dma_start3A_83 : memref<32x128xf32, #tpu.memory_space<vmem_shared>>) target_semaphore(%run_scoped3A_80 : memref<!tpu.dma_semaphore, #tpu.memory_space<semaphore_mem>>)
        %dma_wait3A_87 = arith.constant 9984 : i32
        %dma_wait3A_88 = arith.constant 0 : i32
        %dma_wait3A_89 = tpu.memref_slice %arg11[%dma_wait3A_87, %dma_wait3A_88] : memref<10016x128xf32, #tpu.memory_space<vmem_shared>> -> memref<32x128xf32, #tpu.memory_space<vmem_shared>>
        %dma_wait3A_90 = arith.constant 9984 : i32
        %dma_wait3A_91 = arith.constant 0 : i32
        %dma_wait3A_92 = tpu.memref_slice %arg5[%dma_wait3A_90, %dma_wait3A_91] : memref<10016x128xf32, #tpu.memory_space<hbm>> -> memref<32x128xf32, #tpu.memory_space<hbm>>
        tpu.wait_dma2 semaphore(%run_scoped3A_80 : memref<!tpu.dma_semaphore, #tpu.memory_space<semaphore_mem>>) src(%dma_wait3A_92 : memref<32x128xf32, #tpu.memory_space<hbm>>) dst(%dma_wait3A_89 : memref<32x128xf32, #tpu.memory_space<vmem_shared>>)
        tpu.yield
      }) : () -> ()
    } else {
    }
    %barrier3A = arith.constant 0 : index
    tpu.barrier barrier_id(%barrier3A)
    "tpu.region"() ({
      %run_scoped3A_80 = tpu.sem_alloc : memref<!tpu.dma_semaphore, #tpu.memory_space<semaphore_mem>>
      %dma_start3A_81 = arith.constant 0 : i32
      %dma_start3A_82 = arith.constant 0 : i32
      %dma_start3A_83 = tpu.memref_slice %arg3[%add3A, %dma_start3A_81, %dma_start3A_82] : memref<32x80x128xi32, #tpu.memory_space<hbm>> -> memref<1x40x128xi32, #tpu.memory_space<hbm>>
      %dma_start3A_84 = tpu.memref_squeeze %dma_start3A_83 : memref<1x40x128xi32, #tpu.memory_space<hbm>> -> memref<40x128xi32, #tpu.memory_space<hbm>>
      %dma_start3A_85 = arith.constant 0 : i32
      %dma_start3A_86 = arith.constant 0 : i32
      %dma_start3A_87 = tpu.memref_slice %arg3[%add3A, %dma_start3A_85, %dma_start3A_86] : memref<32x80x128xi32, #tpu.memory_space<hbm>> -> memref<1x40x128xi32, #tpu.memory_space<hbm>>
      %dma_start3A_88 = tpu.memref_squeeze %dma_start3A_87 : memref<1x40x128xi32, #tpu.memory_space<hbm>> -> memref<40x128xi32, #tpu.memory_space<hbm>>
      tpu.enqueue_dma source(%dma_start3A_88 : memref<40x128xi32, #tpu.memory_space<hbm>>) target(%arg7 : memref<40x128xi32, #tpu.memory_space<vmem>>) target_semaphore(%run_scoped3A_80 : memref<!tpu.dma_semaphore, #tpu.memory_space<semaphore_mem>>)
      %dma_wait3A_89 = arith.constant 0 : i32
      %dma_wait3A_90 = arith.constant 0 : i32
      %dma_wait3A_91 = tpu.memref_slice %arg3[%add3A, %dma_wait3A_89, %dma_wait3A_90] : memref<32x80x128xi32, #tpu.memory_space<hbm>> -> memref<1x40x128xi32, #tpu.memory_space<hbm>>
      %dma_wait3A_92 = tpu.memref_squeeze %dma_wait3A_91 : memref<1x40x128xi32, #tpu.memory_space<hbm>> -> memref<40x128xi32, #tpu.memory_space<hbm>>
      %dma_wait3A_93 = arith.constant 0 : i32
      %dma_wait3A_94 = arith.constant 0 : i32
      %dma_wait3A_95 = tpu.memref_slice %arg3[%add3A, %dma_wait3A_93, %dma_wait3A_94] : memref<32x80x128xi32, #tpu.memory_space<hbm>> -> memref<1x40x128xi32, #tpu.memory_space<hbm>>
      %dma_wait3A_96 = tpu.memref_squeeze %dma_wait3A_95 : memref<1x40x128xi32, #tpu.memory_space<hbm>> -> memref<40x128xi32, #tpu.memory_space<hbm>>
      tpu.wait_dma2 semaphore(%run_scoped3A_80 : memref<!tpu.dma_semaphore, #tpu.memory_space<semaphore_mem>>) src(%dma_wait3A_96 : memref<40x128xi32, #tpu.memory_space<hbm>>) dst(%arg7 : memref<40x128xi32, #tpu.memory_space<vmem>>)
      tpu.yield
    }) : () -> ()
    "tpu.region"() ({
      %run_scoped3A_80 = tpu.sem_alloc : memref<!tpu.dma_semaphore, #tpu.memory_space<semaphore_mem>>
      %dma_start3A_81 = arith.constant 0 : i32
      %dma_start3A_82 = arith.constant 0 : i32
      %dma_start3A_83 = tpu.memref_slice %arg4[%add3A, %dma_start3A_81, %dma_start3A_82] : memref<32x80x128xi32, #tpu.memory_space<hbm>> -> memref<1x40x128xi32, #tpu.memory_space<hbm>>
      %dma_start3A_84 = tpu.memref_squeeze %dma_start3A_83 : memref<1x40x128xi32, #tpu.memory_space<hbm>> -> memref<40x128xi32, #tpu.memory_space<hbm>>
      %dma_start3A_85 = arith.constant 0 : i32
      %dma_start3A_86 = arith.constant 0 : i32
      %dma_start3A_87 = tpu.memref_slice %arg4[%add3A, %dma_start3A_85, %dma_start3A_86] : memref<32x80x128xi32, #tpu.memory_space<hbm>> -> memref<1x40x128xi32, #tpu.memory_space<hbm>>
      %dma_start3A_88 = tpu.memref_squeeze %dma_start3A_87 : memref<1x40x128xi32, #tpu.memory_space<hbm>> -> memref<40x128xi32, #tpu.memory_space<hbm>>
      tpu.enqueue_dma source(%dma_start3A_88 : memref<40x128xi32, #tpu.memory_space<hbm>>) target(%arg8 : memref<40x128xi32, #tpu.memory_space<vmem>>) target_semaphore(%run_scoped3A_80 : memref<!tpu.dma_semaphore, #tpu.memory_space<semaphore_mem>>)
      %dma_wait3A_89 = arith.constant 0 : i32
      %dma_wait3A_90 = arith.constant 0 : i32
      %dma_wait3A_91 = tpu.memref_slice %arg4[%add3A, %dma_wait3A_89, %dma_wait3A_90] : memref<32x80x128xi32, #tpu.memory_space<hbm>> -> memref<1x40x128xi32, #tpu.memory_space<hbm>>
      %dma_wait3A_92 = tpu.memref_squeeze %dma_wait3A_91 : memref<1x40x128xi32, #tpu.memory_space<hbm>> -> memref<40x128xi32, #tpu.memory_space<hbm>>
      %dma_wait3A_93 = arith.constant 0 : i32
      %dma_wait3A_94 = arith.constant 0 : i32
      %dma_wait3A_95 = tpu.memref_slice %arg4[%add3A, %dma_wait3A_93, %dma_wait3A_94] : memref<32x80x128xi32, #tpu.memory_space<hbm>> -> memref<1x40x128xi32, #tpu.memory_space<hbm>>
      %dma_wait3A_96 = tpu.memref_squeeze %dma_wait3A_95 : memref<1x40x128xi32, #tpu.memory_space<hbm>> -> memref<40x128xi32, #tpu.memory_space<hbm>>
      tpu.wait_dma2 semaphore(%run_scoped3A_80 : memref<!tpu.dma_semaphore, #tpu.memory_space<semaphore_mem>>) src(%dma_wait3A_96 : memref<40x128xi32, #tpu.memory_space<hbm>>) dst(%arg8 : memref<40x128xi32, #tpu.memory_space<vmem>>)
      tpu.yield
    }) : () -> ()
    %dma_start3A = arith.constant 0 : i32
    %dma_start3A_5 = arith.constant 0 : i32
    %dma_start3A_6 = tpu.memref_slice %arg7[%dma_start3A, %dma_start3A_5] : memref<40x128xi32, #tpu.memory_space<vmem>> -> memref<1x128xi32, #tpu.memory_space<vmem>>
    %dma_start3A_7 = tpu.memref_squeeze %dma_start3A_6 : memref<1x128xi32, #tpu.memory_space<vmem>> -> memref<128xi32, #tpu.memory_space<vmem>>
    %dma_start3A_8 = arith.constant 0 : i32
    %dma_start3A_9 = arith.constant 0 : i32
    %dma_start3A_10 = tpu.memref_slice %arg2[%dma_start3A_8, %dma_start3A_9] : memref<10000x128xf32, #tpu.memory_space<hbm>> -> memref<10000x128xf32, #tpu.memory_space<hbm>>
    tpu.enqueue_indirect_dma source(%dma_start3A_10 : memref<10000x128xf32, #tpu.memory_space<hbm>>) target(%arg9 : memref<128x128xf32, #tpu.memory_space<vmem>>) offsets(%dma_start3A_7 : memref<128xi32, #tpu.memory_space<vmem>>) semaphore(%arg12 : memref<!tpu.dma_semaphore, #tpu.memory_space<semaphore_mem>>)
    %dma_start3A_11 = arith.constant 1 : i32
    %dma_start3A_12 = arith.constant 0 : i32
    %dma_start3A_13 = tpu.memref_slice %arg7[%dma_start3A_11, %dma_start3A_12] : memref<40x128xi32, #tpu.memory_space<vmem>> -> memref<1x128xi32, #tpu.memory_space<vmem>>
    %dma_start3A_14 = tpu.memref_squeeze %dma_start3A_13 : memref<1x128xi32, #tpu.memory_space<vmem>> -> memref<128xi32, #tpu.memory_space<vmem>>
    %dma_start3A_15 = arith.constant 0 : i32
    %dma_start3A_16 = arith.constant 0 : i32
    %dma_start3A_17 = tpu.memref_slice %arg2[%dma_start3A_15, %dma_start3A_16] : memref<10000x128xf32, #tpu.memory_space<hbm>> -> memref<10000x128xf32, #tpu.memory_space<hbm>>
    tpu.enqueue_indirect_dma source(%dma_start3A_17 : memref<10000x128xf32, #tpu.memory_space<hbm>>) target(%arg10 : memref<128x128xf32, #tpu.memory_space<vmem>>) offsets(%dma_start3A_14 : memref<128xi32, #tpu.memory_space<vmem>>) semaphore(%arg13 : memref<!tpu.dma_semaphore, #tpu.memory_space<semaphore_mem>>)
    %scan3A = arith.constant 0 : i32
    %scan3A_18 = arith.constant 19 : i32
    %scan3A_19 = arith.addi %scan3A, %scan3A_18 : i32
    %scan3A_20 = arith.constant 1 : i32
    scf.for %scan3A_80 = %scan3A to %scan3A_19 step %scan3A_20  : i32 {
      %mul3A_81 = arith.constant 2 : i32
      %mul3A_82 = arith.muli %scan3A_80, %mul3A_81 : i32
      %add3A_83 = arith.constant 0 : i32
      %add3A_84 = arith.addi %add3A_83, %mul3A_82 : i32
      %dma_wait3A_85 = arith.constant 0 : i32
      %dma_wait3A_86 = tpu.memref_slice %arg7[%add3A_84, %dma_wait3A_85] : memref<40x128xi32, #tpu.memory_space<vmem>> -> memref<1x128xi32, #tpu.memory_space<vmem>>
      %dma_wait3A_87 = tpu.memref_squeeze %dma_wait3A_86 : memref<1x128xi32, #tpu.memory_space<vmem>> -> memref<128xi32, #tpu.memory_space<vmem>>
      %dma_wait3A_88 = arith.constant 0 : i32
      %dma_wait3A_89 = arith.constant 0 : i32
      %dma_wait3A_90 = tpu.memref_slice %arg2[%dma_wait3A_88, %dma_wait3A_89] : memref<10000x128xf32, #tpu.memory_space<hbm>> -> memref<10000x128xf32, #tpu.memory_space<hbm>>
      tpu.wait_indirect_dma semaphore(%arg12 : memref<!tpu.dma_semaphore, #tpu.memory_space<semaphore_mem>>) src(%dma_wait3A_90 : memref<10000x128xf32, #tpu.memory_space<hbm>>) dst(%arg9 : memref<128x128xf32, #tpu.memory_space<vmem>>)
      "tpu.region"() ({
        %run_scoped3A_117 = tpu.sem_alloc : memref<!tpu.dma_semaphore, #tpu.memory_space<semaphore_mem>>
        %dma_start3A_118 = arith.constant 0 : i32
        %dma_start3A_119 = tpu.memref_slice %arg8[%add3A_84, %dma_start3A_118] : memref<40x128xi32, #tpu.memory_space<vmem>> -> memref<1x128xi32, #tpu.memory_space<vmem>>
        %dma_start3A_120 = tpu.memref_squeeze %dma_start3A_119 : memref<1x128xi32, #tpu.memory_space<vmem>> -> memref<128xi32, #tpu.memory_space<vmem>>
        %dma_start3A_121 = arith.constant 0 : i32
        %dma_start3A_122 = arith.constant 0 : i32
        %dma_start3A_123 = tpu.memref_slice %arg11[%dma_start3A_121, %dma_start3A_122] : memref<10016x128xf32, #tpu.memory_space<vmem_shared>> -> memref<10016x128xf32, #tpu.memory_space<vmem_shared>>
        tpu.enqueue_indirect_dma source(%arg9 : memref<128x128xf32, #tpu.memory_space<vmem>>) target(%dma_start3A_123 : memref<10016x128xf32, #tpu.memory_space<vmem_shared>>) offsets(%dma_start3A_120 : memref<128xi32, #tpu.memory_space<vmem>>) semaphore(%run_scoped3A_117 : memref<!tpu.dma_semaphore, #tpu.memory_space<semaphore_mem>>) {add = true}
        %dma_wait3A_124 = arith.constant 0 : i32
        %dma_wait3A_125 = tpu.memref_slice %arg8[%add3A_84, %dma_wait3A_124] : memref<40x128xi32, #tpu.memory_space<vmem>> -> memref<1x128xi32, #tpu.memory_space<vmem>>
        %dma_wait3A_126 = tpu.memref_squeeze %dma_wait3A_125 : memref<1x128xi32, #tpu.memory_space<vmem>> -> memref<128xi32, #tpu.memory_space<vmem>>
        %dma_wait3A_127 = arith.constant 0 : i32
        %dma_wait3A_128 = arith.constant 0 : i32
        %dma_wait3A_129 = tpu.memref_slice %arg11[%dma_wait3A_127, %dma_wait3A_128] : memref<10016x128xf32, #tpu.memory_space<vmem_shared>> -> memref<10016x128xf32, #tpu.memory_space<vmem_shared>>
        tpu.wait_indirect_dma semaphore(%run_scoped3A_117 : memref<!tpu.dma_semaphore, #tpu.memory_space<semaphore_mem>>) src(%arg9 : memref<128x128xf32, #tpu.memory_space<vmem>>) dst(%dma_wait3A_129 : memref<10016x128xf32, #tpu.memory_space<vmem_shared>>)
        tpu.yield
      }) : () -> ()
      %add3A_91 = arith.constant 2 : i32
      %add3A_92 = arith.addi %add3A_84, %add3A_91 : i32
      %dma_start3A_93 = arith.constant 0 : i32
      %dma_start3A_94 = tpu.memref_slice %arg7[%add3A_92, %dma_start3A_93] : memref<40x128xi32, #tpu.memory_space<vmem>> -> memref<1x128xi32, #tpu.memory_space<vmem>>
      %dma_start3A_95 = tpu.memref_squeeze %dma_start3A_94 : memref<1x128xi32, #tpu.memory_space<vmem>> -> memref<128xi32, #tpu.memory_space<vmem>>
      %dma_start3A_96 = arith.constant 0 : i32
      %dma_start3A_97 = arith.constant 0 : i32
      %dma_start3A_98 = tpu.memref_slice %arg2[%dma_start3A_96, %dma_start3A_97] : memref<10000x128xf32, #tpu.memory_space<hbm>> -> memref<10000x128xf32, #tpu.memory_space<hbm>>
      tpu.enqueue_indirect_dma source(%dma_start3A_98 : memref<10000x128xf32, #tpu.memory_space<hbm>>) target(%arg9 : memref<128x128xf32, #tpu.memory_space<vmem>>) offsets(%dma_start3A_95 : memref<128xi32, #tpu.memory_space<vmem>>) semaphore(%arg12 : memref<!tpu.dma_semaphore, #tpu.memory_space<semaphore_mem>>)
      %add3A_99 = arith.constant 1 : i32
      %add3A_100 = arith.addi %add3A_84, %add3A_99 : i32
      %dma_wait3A_101 = arith.constant 0 : i32
      %dma_wait3A_102 = tpu.memref_slice %arg7[%add3A_100, %dma_wait3A_101] : memref<40x128xi32, #tpu.memory_space<vmem>> -> memref<1x128xi32, #tpu.memory_space<vmem>>
      %dma_wait3A_103 = tpu.memref_squeeze %dma_wait3A_102 : memref<1x128xi32, #tpu.memory_space<vmem>> -> memref<128xi32, #tpu.memory_space<vmem>>
      %dma_wait3A_104 = arith.constant 0 : i32
      %dma_wait3A_105 = arith.constant 0 : i32
      %dma_wait3A_106 = tpu.memref_slice %arg2[%dma_wait3A_104, %dma_wait3A_105] : memref<10000x128xf32, #tpu.memory_space<hbm>> -> memref<10000x128xf32, #tpu.memory_space<hbm>>
      tpu.wait_indirect_dma semaphore(%arg13 : memref<!tpu.dma_semaphore, #tpu.memory_space<semaphore_mem>>) src(%dma_wait3A_106 : memref<10000x128xf32, #tpu.memory_space<hbm>>) dst(%arg10 : memref<128x128xf32, #tpu.memory_space<vmem>>)
      %add3A_107 = arith.constant 1 : i32
      %add3A_108 = arith.addi %add3A_84, %add3A_107 : i32
      "tpu.region"() ({
        %run_scoped3A_117 = tpu.sem_alloc : memref<!tpu.dma_semaphore, #tpu.memory_space<semaphore_mem>>
        %dma_start3A_118 = arith.constant 0 : i32
        %dma_start3A_119 = tpu.memref_slice %arg8[%add3A_108, %dma_start3A_118] : memref<40x128xi32, #tpu.memory_space<vmem>> -> memref<1x128xi32, #tpu.memory_space<vmem>>
        %dma_start3A_120 = tpu.memref_squeeze %dma_start3A_119 : memref<1x128xi32, #tpu.memory_space<vmem>> -> memref<128xi32, #tpu.memory_space<vmem>>
        %dma_start3A_121 = arith.constant 0 : i32
        %dma_start3A_122 = arith.constant 0 : i32
        %dma_start3A_123 = tpu.memref_slice %arg11[%dma_start3A_121, %dma_start3A_122] : memref<10016x128xf32, #tpu.memory_space<vmem_shared>> -> memref<10016x128xf32, #tpu.memory_space<vmem_shared>>
        tpu.enqueue_indirect_dma source(%arg10 : memref<128x128xf32, #tpu.memory_space<vmem>>) target(%dma_start3A_123 : memref<10016x128xf32, #tpu.memory_space<vmem_shared>>) offsets(%dma_start3A_120 : memref<128xi32, #tpu.memory_space<vmem>>) semaphore(%run_scoped3A_117 : memref<!tpu.dma_semaphore, #tpu.memory_space<semaphore_mem>>) {add = true}
        %dma_wait3A_124 = arith.constant 0 : i32
        %dma_wait3A_125 = tpu.memref_slice %arg8[%add3A_108, %dma_wait3A_124] : memref<40x128xi32, #tpu.memory_space<vmem>> -> memref<1x128xi32, #tpu.memory_space<vmem>>
        %dma_wait3A_126 = tpu.memref_squeeze %dma_wait3A_125 : memref<1x128xi32, #tpu.memory_space<vmem>> -> memref<128xi32, #tpu.memory_space<vmem>>
        %dma_wait3A_127 = arith.constant 0 : i32
        %dma_wait3A_128 = arith.constant 0 : i32
        %dma_wait3A_129 = tpu.memref_slice %arg11[%dma_wait3A_127, %dma_wait3A_128] : memref<10016x128xf32, #tpu.memory_space<vmem_shared>> -> memref<10016x128xf32, #tpu.memory_space<vmem_shared>>
        tpu.wait_indirect_dma semaphore(%run_scoped3A_117 : memref<!tpu.dma_semaphore, #tpu.memory_space<semaphore_mem>>) src(%arg10 : memref<128x128xf32, #tpu.memory_space<vmem>>) dst(%dma_wait3A_129 : memref<10016x128xf32, #tpu.memory_space<vmem_shared>>)
        tpu.yield
      }) : () -> ()
      %add3A_109 = arith.constant 3 : i32
      %add3A_110 = arith.addi %add3A_84, %add3A_109 : i32
      %dma_start3A_111 = arith.constant 0 : i32
      %dma_start3A_112 = tpu.memref_slice %arg7[%add3A_110, %dma_start3A_111] : memref<40x128xi32, #tpu.memory_space<vmem>> -> memref<1x128xi32, #tpu.memory_space<vmem>>
      %dma_start3A_113 = tpu.memref_squeeze %dma_start3A_112 : memref<1x128xi32, #tpu.memory_space<vmem>> -> memref<128xi32, #tpu.memory_space<vmem>>
      %dma_start3A_114 = arith.constant 0 : i32
      %dma_start3A_115 = arith.constant 0 : i32
      %dma_start3A_116 = tpu.memref_slice %arg2[%dma_start3A_114, %dma_start3A_115] : memref<10000x128xf32, #tpu.memory_space<hbm>> -> memref<10000x128xf32, #tpu.memory_space<hbm>>
      tpu.enqueue_indirect_dma source(%dma_start3A_116 : memref<10000x128xf32, #tpu.memory_space<hbm>>) target(%arg10 : memref<128x128xf32, #tpu.memory_space<vmem>>) offsets(%dma_start3A_113 : memref<128xi32, #tpu.memory_space<vmem>>) semaphore(%arg13 : memref<!tpu.dma_semaphore, #tpu.memory_space<semaphore_mem>>)
    }
    %scan3A_21 = arith.constant 19 : i32
    %dma_wait3A = arith.constant 38 : i32
    %dma_wait3A_22 = arith.constant 0 : i32
    %dma_wait3A_23 = tpu.memref_slice %arg7[%dma_wait3A, %dma_wait3A_22] : memref<40x128xi32, #tpu.memory_space<vmem>> -> memref<1x128xi32, #tpu.memory_space<vmem>>
    %dma_wait3A_24 = tpu.memref_squeeze %dma_wait3A_23 : memref<1x128xi32, #tpu.memory_space<vmem>> -> memref<128xi32, #tpu.memory_space<vmem>>
    %dma_wait3A_25 = arith.constant 0 : i32
    %dma_wait3A_26 = arith.constant 0 : i32
    %dma_wait3A_27 = tpu.memref_slice %arg2[%dma_wait3A_25, %dma_wait3A_26] : memref<10000x128xf32, #tpu.memory_space<hbm>> -> memref<10000x128xf32, #tpu.memory_space<hbm>>
    tpu.wait_indirect_dma semaphore(%arg12 : memref<!tpu.dma_semaphore, #tpu.memory_space<semaphore_mem>>) src(%dma_wait3A_27 : memref<10000x128xf32, #tpu.memory_space<hbm>>) dst(%arg9 : memref<128x128xf32, #tpu.memory_space<vmem>>)
    %run_scoped3A = arith.constant 38 : i32
    "tpu.region"() ({
      %run_scoped3A_80 = tpu.sem_alloc : memref<!tpu.dma_semaphore, #tpu.memory_space<semaphore_mem>>
      %dma_start3A_81 = arith.constant 0 : i32
      %dma_start3A_82 = tpu.memref_slice %arg8[%run_scoped3A, %dma_start3A_81] : memref<40x128xi32, #tpu.memory_space<vmem>> -> memref<1x128xi32, #tpu.memory_space<vmem>>
      %dma_start3A_83 = tpu.memref_squeeze %dma_start3A_82 : memref<1x128xi32, #tpu.memory_space<vmem>> -> memref<128xi32, #tpu.memory_space<vmem>>
      %dma_start3A_84 = arith.constant 0 : i32
      %dma_start3A_85 = arith.constant 0 : i32
      %dma_start3A_86 = tpu.memref_slice %arg11[%dma_start3A_84, %dma_start3A_85] : memref<10016x128xf32, #tpu.memory_space<vmem_shared>> -> memref<10016x128xf32, #tpu.memory_space<vmem_shared>>
      tpu.enqueue_indirect_dma source(%arg9 : memref<128x128xf32, #tpu.memory_space<vmem>>) target(%dma_start3A_86 : memref<10016x128xf32, #tpu.memory_space<vmem_shared>>) offsets(%dma_start3A_83 : memref<128xi32, #tpu.memory_space<vmem>>) semaphore(%run_scoped3A_80 : memref<!tpu.dma_semaphore, #tpu.memory_space<semaphore_mem>>) {add = true}
      %dma_wait3A_87 = arith.constant 0 : i32
      %dma_wait3A_88 = tpu.memref_slice %arg8[%run_scoped3A, %dma_wait3A_87] : memref<40x128xi32, #tpu.memory_space<vmem>> -> memref<1x128xi32, #tpu.memory_space<vmem>>
      %dma_wait3A_89 = tpu.memref_squeeze %dma_wait3A_88 : memref<1x128xi32, #tpu.memory_space<vmem>> -> memref<128xi32, #tpu.memory_space<vmem>>
      %dma_wait3A_90 = arith.constant 0 : i32
      %dma_wait3A_91 = arith.constant 0 : i32
      %dma_wait3A_92 = tpu.memref_slice %arg11[%dma_wait3A_90, %dma_wait3A_91] : memref<10016x128xf32, #tpu.memory_space<vmem_shared>> -> memref<10016x128xf32, #tpu.memory_space<vmem_shared>>
      tpu.wait_indirect_dma semaphore(%run_scoped3A_80 : memref<!tpu.dma_semaphore, #tpu.memory_space<semaphore_mem>>) src(%arg9 : memref<128x128xf32, #tpu.memory_space<vmem>>) dst(%dma_wait3A_92 : memref<10016x128xf32, #tpu.memory_space<vmem_shared>>)
      tpu.yield
    }) : () -> ()
    %dma_wait3A_28 = arith.constant 39 : i32
    %dma_wait3A_29 = arith.constant 0 : i32
    %dma_wait3A_30 = tpu.memref_slice %arg7[%dma_wait3A_28, %dma_wait3A_29] : memref<40x128xi32, #tpu.memory_space<vmem>> -> memref<1x128xi32, #tpu.memory_space<vmem>>
    %dma_wait3A_31 = tpu.memref_squeeze %dma_wait3A_30 : memref<1x128xi32, #tpu.memory_space<vmem>> -> memref<128xi32, #tpu.memory_space<vmem>>
    %dma_wait3A_32 = arith.constant 0 : i32
    %dma_wait3A_33 = arith.constant 0 : i32
    %dma_wait3A_34 = tpu.memref_slice %arg2[%dma_wait3A_32, %dma_wait3A_33] : memref<10000x128xf32, #tpu.memory_space<hbm>> -> memref<10000x128xf32, #tpu.memory_space<hbm>>
    tpu.wait_indirect_dma semaphore(%arg13 : memref<!tpu.dma_semaphore, #tpu.memory_space<semaphore_mem>>) src(%dma_wait3A_34 : memref<10000x128xf32, #tpu.memory_space<hbm>>) dst(%arg10 : memref<128x128xf32, #tpu.memory_space<vmem>>)
    %run_scoped3A_35 = arith.constant 39 : i32
    "tpu.region"() ({
      %run_scoped3A_80 = tpu.sem_alloc : memref<!tpu.dma_semaphore, #tpu.memory_space<semaphore_mem>>
      %dma_start3A_81 = arith.constant 0 : i32
      %dma_start3A_82 = tpu.memref_slice %arg8[%run_scoped3A_35, %dma_start3A_81] : memref<40x128xi32, #tpu.memory_space<vmem>> -> memref<1x128xi32, #tpu.memory_space<vmem>>
      %dma_start3A_83 = tpu.memref_squeeze %dma_start3A_82 : memref<1x128xi32, #tpu.memory_space<vmem>> -> memref<128xi32, #tpu.memory_space<vmem>>
      %dma_start3A_84 = arith.constant 0 : i32
      %dma_start3A_85 = arith.constant 0 : i32
      %dma_start3A_86 = tpu.memref_slice %arg11[%dma_start3A_84, %dma_start3A_85] : memref<10016x128xf32, #tpu.memory_space<vmem_shared>> -> memref<10016x128xf32, #tpu.memory_space<vmem_shared>>
      tpu.enqueue_indirect_dma source(%arg10 : memref<128x128xf32, #tpu.memory_space<vmem>>) target(%dma_start3A_86 : memref<10016x128xf32, #tpu.memory_space<vmem_shared>>) offsets(%dma_start3A_83 : memref<128xi32, #tpu.memory_space<vmem>>) semaphore(%run_scoped3A_80 : memref<!tpu.dma_semaphore, #tpu.memory_space<semaphore_mem>>) {add = true}
      %dma_wait3A_87 = arith.constant 0 : i32
      %dma_wait3A_88 = tpu.memref_slice %arg8[%run_scoped3A_35, %dma_wait3A_87] : memref<40x128xi32, #tpu.memory_space<vmem>> -> memref<1x128xi32, #tpu.memory_space<vmem>>
      %dma_wait3A_89 = tpu.memref_squeeze %dma_wait3A_88 : memref<1x128xi32, #tpu.memory_space<vmem>> -> memref<128xi32, #tpu.memory_space<vmem>>
      %dma_wait3A_90 = arith.constant 0 : i32
      %dma_wait3A_91 = arith.constant 0 : i32
      %dma_wait3A_92 = tpu.memref_slice %arg11[%dma_wait3A_90, %dma_wait3A_91] : memref<10016x128xf32, #tpu.memory_space<vmem_shared>> -> memref<10016x128xf32, #tpu.memory_space<vmem_shared>>
      tpu.wait_indirect_dma semaphore(%run_scoped3A_80 : memref<!tpu.dma_semaphore, #tpu.memory_space<semaphore_mem>>) src(%arg10 : memref<128x128xf32, #tpu.memory_space<vmem>>) dst(%dma_wait3A_92 : memref<10016x128xf32, #tpu.memory_space<vmem_shared>>)
      tpu.yield
    }) : () -> ()
    "tpu.region"() ({
      %run_scoped3A_80 = tpu.sem_alloc : memref<!tpu.dma_semaphore, #tpu.memory_space<semaphore_mem>>
      %dma_start3A_81 = arith.constant 40 : i32
      %dma_start3A_82 = arith.constant 0 : i32
      %dma_start3A_83 = tpu.memref_slice %arg3[%add3A, %dma_start3A_81, %dma_start3A_82] : memref<32x80x128xi32, #tpu.memory_space<hbm>> -> memref<1x40x128xi32, #tpu.memory_space<hbm>>
      %dma_start3A_84 = tpu.memref_squeeze %dma_start3A_83 : memref<1x40x128xi32, #tpu.memory_space<hbm>> -> memref<40x128xi32, #tpu.memory_space<hbm>>
      %dma_start3A_85 = arith.constant 40 : i32
      %dma_start3A_86 = arith.constant 0 : i32
      %dma_start3A_87 = tpu.memref_slice %arg3[%add3A, %dma_start3A_85, %dma_start3A_86] : memref<32x80x128xi32, #tpu.memory_space<hbm>> -> memref<1x40x128xi32, #tpu.memory_space<hbm>>
      %dma_start3A_88 = tpu.memref_squeeze %dma_start3A_87 : memref<1x40x128xi32, #tpu.memory_space<hbm>> -> memref<40x128xi32, #tpu.memory_space<hbm>>
      tpu.enqueue_dma source(%dma_start3A_88 : memref<40x128xi32, #tpu.memory_space<hbm>>) target(%arg7 : memref<40x128xi32, #tpu.memory_space<vmem>>) target_semaphore(%run_scoped3A_80 : memref<!tpu.dma_semaphore, #tpu.memory_space<semaphore_mem>>)
      %dma_wait3A_89 = arith.constant 40 : i32
      %dma_wait3A_90 = arith.constant 0 : i32
      %dma_wait3A_91 = tpu.memref_slice %arg3[%add3A, %dma_wait3A_89, %dma_wait3A_90] : memref<32x80x128xi32, #tpu.memory_space<hbm>> -> memref<1x40x128xi32, #tpu.memory_space<hbm>>
      %dma_wait3A_92 = tpu.memref_squeeze %dma_wait3A_91 : memref<1x40x128xi32, #tpu.memory_space<hbm>> -> memref<40x128xi32, #tpu.memory_space<hbm>>
      %dma_wait3A_93 = arith.constant 40 : i32
      %dma_wait3A_94 = arith.constant 0 : i32
      %dma_wait3A_95 = tpu.memref_slice %arg3[%add3A, %dma_wait3A_93, %dma_wait3A_94] : memref<32x80x128xi32, #tpu.memory_space<hbm>> -> memref<1x40x128xi32, #tpu.memory_space<hbm>>
      %dma_wait3A_96 = tpu.memref_squeeze %dma_wait3A_95 : memref<1x40x128xi32, #tpu.memory_space<hbm>> -> memref<40x128xi32, #tpu.memory_space<hbm>>
      tpu.wait_dma2 semaphore(%run_scoped3A_80 : memref<!tpu.dma_semaphore, #tpu.memory_space<semaphore_mem>>) src(%dma_wait3A_96 : memref<40x128xi32, #tpu.memory_space<hbm>>) dst(%arg7 : memref<40x128xi32, #tpu.memory_space<vmem>>)
      tpu.yield
    }) : () -> ()
    "tpu.region"() ({
      %run_scoped3A_80 = tpu.sem_alloc : memref<!tpu.dma_semaphore, #tpu.memory_space<semaphore_mem>>
      %dma_start3A_81 = arith.constant 40 : i32
      %dma_start3A_82 = arith.constant 0 : i32
      %dma_start3A_83 = tpu.memref_slice %arg4[%add3A, %dma_start3A_81, %dma_start3A_82] : memref<32x80x128xi32, #tpu.memory_space<hbm>> -> memref<1x40x128xi32, #tpu.memory_space<hbm>>
      %dma_start3A_84 = tpu.memref_squeeze %dma_start3A_83 : memref<1x40x128xi32, #tpu.memory_space<hbm>> -> memref<40x128xi32, #tpu.memory_space<hbm>>
      %dma_start3A_85 = arith.constant 40 : i32
      %dma_start3A_86 = arith.constant 0 : i32
      %dma_start3A_87 = tpu.memref_slice %arg4[%add3A, %dma_start3A_85, %dma_start3A_86] : memref<32x80x128xi32, #tpu.memory_space<hbm>> -> memref<1x40x128xi32, #tpu.memory_space<hbm>>
      %dma_start3A_88 = tpu.memref_squeeze %dma_start3A_87 : memref<1x40x128xi32, #tpu.memory_space<hbm>> -> memref<40x128xi32, #tpu.memory_space<hbm>>
      tpu.enqueue_dma source(%dma_start3A_88 : memref<40x128xi32, #tpu.memory_space<hbm>>) target(%arg8 : memref<40x128xi32, #tpu.memory_space<vmem>>) target_semaphore(%run_scoped3A_80 : memref<!tpu.dma_semaphore, #tpu.memory_space<semaphore_mem>>)
      %dma_wait3A_89 = arith.constant 40 : i32
      %dma_wait3A_90 = arith.constant 0 : i32
      %dma_wait3A_91 = tpu.memref_slice %arg4[%add3A, %dma_wait3A_89, %dma_wait3A_90] : memref<32x80x128xi32, #tpu.memory_space<hbm>> -> memref<1x40x128xi32, #tpu.memory_space<hbm>>
      %dma_wait3A_92 = tpu.memref_squeeze %dma_wait3A_91 : memref<1x40x128xi32, #tpu.memory_space<hbm>> -> memref<40x128xi32, #tpu.memory_space<hbm>>
      %dma_wait3A_93 = arith.constant 40 : i32
      %dma_wait3A_94 = arith.constant 0 : i32
      %dma_wait3A_95 = tpu.memref_slice %arg4[%add3A, %dma_wait3A_93, %dma_wait3A_94] : memref<32x80x128xi32, #tpu.memory_space<hbm>> -> memref<1x40x128xi32, #tpu.memory_space<hbm>>
      %dma_wait3A_96 = tpu.memref_squeeze %dma_wait3A_95 : memref<1x40x128xi32, #tpu.memory_space<hbm>> -> memref<40x128xi32, #tpu.memory_space<hbm>>
      tpu.wait_dma2 semaphore(%run_scoped3A_80 : memref<!tpu.dma_semaphore, #tpu.memory_space<semaphore_mem>>) src(%dma_wait3A_96 : memref<40x128xi32, #tpu.memory_space<hbm>>) dst(%arg8 : memref<40x128xi32, #tpu.memory_space<vmem>>)
      tpu.yield
    }) : () -> ()
    %dma_start3A_36 = arith.constant 0 : i32
    %dma_start3A_37 = arith.constant 0 : i32
    %dma_start3A_38 = tpu.memref_slice %arg7[%dma_start3A_36, %dma_start3A_37] : memref<40x128xi32, #tpu.memory_space<vmem>> -> memref<1x128xi32, #tpu.memory_space<vmem>>
    %dma_start3A_39 = tpu.memref_squeeze %dma_start3A_38 : memref<1x128xi32, #tpu.memory_space<vmem>> -> memref<128xi32, #tpu.memory_space<vmem>>
    %dma_start3A_40 = arith.constant 0 : i32
    %dma_start3A_41 = arith.constant 0 : i32
    %dma_start3A_42 = tpu.memref_slice %arg2[%dma_start3A_40, %dma_start3A_41] : memref<10000x128xf32, #tpu.memory_space<hbm>> -> memref<10000x128xf32, #tpu.memory_space<hbm>>
    tpu.enqueue_indirect_dma source(%dma_start3A_42 : memref<10000x128xf32, #tpu.memory_space<hbm>>) target(%arg9 : memref<128x128xf32, #tpu.memory_space<vmem>>) offsets(%dma_start3A_39 : memref<128xi32, #tpu.memory_space<vmem>>) semaphore(%arg12 : memref<!tpu.dma_semaphore, #tpu.memory_space<semaphore_mem>>)
    %dma_start3A_43 = arith.constant 1 : i32
    %dma_start3A_44 = arith.constant 0 : i32
    %dma_start3A_45 = tpu.memref_slice %arg7[%dma_start3A_43, %dma_start3A_44] : memref<40x128xi32, #tpu.memory_space<vmem>> -> memref<1x128xi32, #tpu.memory_space<vmem>>
    %dma_start3A_46 = tpu.memref_squeeze %dma_start3A_45 : memref<1x128xi32, #tpu.memory_space<vmem>> -> memref<128xi32, #tpu.memory_space<vmem>>
    %dma_start3A_47 = arith.constant 0 : i32
    %dma_start3A_48 = arith.constant 0 : i32
    %dma_start3A_49 = tpu.memref_slice %arg2[%dma_start3A_47, %dma_start3A_48] : memref<10000x128xf32, #tpu.memory_space<hbm>> -> memref<10000x128xf32, #tpu.memory_space<hbm>>
    tpu.enqueue_indirect_dma source(%dma_start3A_49 : memref<10000x128xf32, #tpu.memory_space<hbm>>) target(%arg10 : memref<128x128xf32, #tpu.memory_space<vmem>>) offsets(%dma_start3A_46 : memref<128xi32, #tpu.memory_space<vmem>>) semaphore(%arg13 : memref<!tpu.dma_semaphore, #tpu.memory_space<semaphore_mem>>)
    %scan3A_50 = arith.constant 0 : i32
    %scan3A_51 = arith.constant 19 : i32
    %scan3A_52 = arith.addi %scan3A_50, %scan3A_51 : i32
    %scan3A_53 = arith.constant 1 : i32
    scf.for %scan3A_80 = %scan3A_50 to %scan3A_52 step %scan3A_53  : i32 {
      %mul3A_81 = arith.constant 2 : i32
      %mul3A_82 = arith.muli %scan3A_80, %mul3A_81 : i32
      %add3A_83 = arith.constant 0 : i32
      %add3A_84 = arith.addi %add3A_83, %mul3A_82 : i32
      %dma_wait3A_85 = arith.constant 0 : i32
      %dma_wait3A_86 = tpu.memref_slice %arg7[%add3A_84, %dma_wait3A_85] : memref<40x128xi32, #tpu.memory_space<vmem>> -> memref<1x128xi32, #tpu.memory_space<vmem>>
      %dma_wait3A_87 = tpu.memref_squeeze %dma_wait3A_86 : memref<1x128xi32, #tpu.memory_space<vmem>> -> memref<128xi32, #tpu.memory_space<vmem>>
      %dma_wait3A_88 = arith.constant 0 : i32
      %dma_wait3A_89 = arith.constant 0 : i32
      %dma_wait3A_90 = tpu.memref_slice %arg2[%dma_wait3A_88, %dma_wait3A_89] : memref<10000x128xf32, #tpu.memory_space<hbm>> -> memref<10000x128xf32, #tpu.memory_space<hbm>>
      tpu.wait_indirect_dma semaphore(%arg12 : memref<!tpu.dma_semaphore, #tpu.memory_space<semaphore_mem>>) src(%dma_wait3A_90 : memref<10000x128xf32, #tpu.memory_space<hbm>>) dst(%arg9 : memref<128x128xf32, #tpu.memory_space<vmem>>)
      "tpu.region"() ({
        %run_scoped3A_117 = tpu.sem_alloc : memref<!tpu.dma_semaphore, #tpu.memory_space<semaphore_mem>>
        %dma_start3A_118 = arith.constant 0 : i32
        %dma_start3A_119 = tpu.memref_slice %arg8[%add3A_84, %dma_start3A_118] : memref<40x128xi32, #tpu.memory_space<vmem>> -> memref<1x128xi32, #tpu.memory_space<vmem>>
        %dma_start3A_120 = tpu.memref_squeeze %dma_start3A_119 : memref<1x128xi32, #tpu.memory_space<vmem>> -> memref<128xi32, #tpu.memory_space<vmem>>
        %dma_start3A_121 = arith.constant 0 : i32
        %dma_start3A_122 = arith.constant 0 : i32
        %dma_start3A_123 = tpu.memref_slice %arg11[%dma_start3A_121, %dma_start3A_122] : memref<10016x128xf32, #tpu.memory_space<vmem_shared>> -> memref<10016x128xf32, #tpu.memory_space<vmem_shared>>
        tpu.enqueue_indirect_dma source(%arg9 : memref<128x128xf32, #tpu.memory_space<vmem>>) target(%dma_start3A_123 : memref<10016x128xf32, #tpu.memory_space<vmem_shared>>) offsets(%dma_start3A_120 : memref<128xi32, #tpu.memory_space<vmem>>) semaphore(%run_scoped3A_117 : memref<!tpu.dma_semaphore, #tpu.memory_space<semaphore_mem>>) {add = true}
        %dma_wait3A_124 = arith.constant 0 : i32
        %dma_wait3A_125 = tpu.memref_slice %arg8[%add3A_84, %dma_wait3A_124] : memref<40x128xi32, #tpu.memory_space<vmem>> -> memref<1x128xi32, #tpu.memory_space<vmem>>
        %dma_wait3A_126 = tpu.memref_squeeze %dma_wait3A_125 : memref<1x128xi32, #tpu.memory_space<vmem>> -> memref<128xi32, #tpu.memory_space<vmem>>
        %dma_wait3A_127 = arith.constant 0 : i32
        %dma_wait3A_128 = arith.constant 0 : i32
        %dma_wait3A_129 = tpu.memref_slice %arg11[%dma_wait3A_127, %dma_wait3A_128] : memref<10016x128xf32, #tpu.memory_space<vmem_shared>> -> memref<10016x128xf32, #tpu.memory_space<vmem_shared>>
        tpu.wait_indirect_dma semaphore(%run_scoped3A_117 : memref<!tpu.dma_semaphore, #tpu.memory_space<semaphore_mem>>) src(%arg9 : memref<128x128xf32, #tpu.memory_space<vmem>>) dst(%dma_wait3A_129 : memref<10016x128xf32, #tpu.memory_space<vmem_shared>>)
        tpu.yield
      }) : () -> ()
      %add3A_91 = arith.constant 2 : i32
      %add3A_92 = arith.addi %add3A_84, %add3A_91 : i32
      %dma_start3A_93 = arith.constant 0 : i32
      %dma_start3A_94 = tpu.memref_slice %arg7[%add3A_92, %dma_start3A_93] : memref<40x128xi32, #tpu.memory_space<vmem>> -> memref<1x128xi32, #tpu.memory_space<vmem>>
      %dma_start3A_95 = tpu.memref_squeeze %dma_start3A_94 : memref<1x128xi32, #tpu.memory_space<vmem>> -> memref<128xi32, #tpu.memory_space<vmem>>
      %dma_start3A_96 = arith.constant 0 : i32
      %dma_start3A_97 = arith.constant 0 : i32
      %dma_start3A_98 = tpu.memref_slice %arg2[%dma_start3A_96, %dma_start3A_97] : memref<10000x128xf32, #tpu.memory_space<hbm>> -> memref<10000x128xf32, #tpu.memory_space<hbm>>
      tpu.enqueue_indirect_dma source(%dma_start3A_98 : memref<10000x128xf32, #tpu.memory_space<hbm>>) target(%arg9 : memref<128x128xf32, #tpu.memory_space<vmem>>) offsets(%dma_start3A_95 : memref<128xi32, #tpu.memory_space<vmem>>) semaphore(%arg12 : memref<!tpu.dma_semaphore, #tpu.memory_space<semaphore_mem>>)
      %add3A_99 = arith.constant 1 : i32
      %add3A_100 = arith.addi %add3A_84, %add3A_99 : i32
      %dma_wait3A_101 = arith.constant 0 : i32
      %dma_wait3A_102 = tpu.memref_slice %arg7[%add3A_100, %dma_wait3A_101] : memref<40x128xi32, #tpu.memory_space<vmem>> -> memref<1x128xi32, #tpu.memory_space<vmem>>
      %dma_wait3A_103 = tpu.memref_squeeze %dma_wait3A_102 : memref<1x128xi32, #tpu.memory_space<vmem>> -> memref<128xi32, #tpu.memory_space<vmem>>
      %dma_wait3A_104 = arith.constant 0 : i32
      %dma_wait3A_105 = arith.constant 0 : i32
      %dma_wait3A_106 = tpu.memref_slice %arg2[%dma_wait3A_104, %dma_wait3A_105] : memref<10000x128xf32, #tpu.memory_space<hbm>> -> memref<10000x128xf32, #tpu.memory_space<hbm>>
      tpu.wait_indirect_dma semaphore(%arg13 : memref<!tpu.dma_semaphore, #tpu.memory_space<semaphore_mem>>) src(%dma_wait3A_106 : memref<10000x128xf32, #tpu.memory_space<hbm>>) dst(%arg10 : memref<128x128xf32, #tpu.memory_space<vmem>>)
      %add3A_107 = arith.constant 1 : i32
      %add3A_108 = arith.addi %add3A_84, %add3A_107 : i32
      "tpu.region"() ({
        %run_scoped3A_117 = tpu.sem_alloc : memref<!tpu.dma_semaphore, #tpu.memory_space<semaphore_mem>>
        %dma_start3A_118 = arith.constant 0 : i32
        %dma_start3A_119 = tpu.memref_slice %arg8[%add3A_108, %dma_start3A_118] : memref<40x128xi32, #tpu.memory_space<vmem>> -> memref<1x128xi32, #tpu.memory_space<vmem>>
        %dma_start3A_120 = tpu.memref_squeeze %dma_start3A_119 : memref<1x128xi32, #tpu.memory_space<vmem>> -> memref<128xi32, #tpu.memory_space<vmem>>
        %dma_start3A_121 = arith.constant 0 : i32
        %dma_start3A_122 = arith.constant 0 : i32
        %dma_start3A_123 = tpu.memref_slice %arg11[%dma_start3A_121, %dma_start3A_122] : memref<10016x128xf32, #tpu.memory_space<vmem_shared>> -> memref<10016x128xf32, #tpu.memory_space<vmem_shared>>
        tpu.enqueue_indirect_dma source(%arg10 : memref<128x128xf32, #tpu.memory_space<vmem>>) target(%dma_start3A_123 : memref<10016x128xf32, #tpu.memory_space<vmem_shared>>) offsets(%dma_start3A_120 : memref<128xi32, #tpu.memory_space<vmem>>) semaphore(%run_scoped3A_117 : memref<!tpu.dma_semaphore, #tpu.memory_space<semaphore_mem>>) {add = true}
        %dma_wait3A_124 = arith.constant 0 : i32
        %dma_wait3A_125 = tpu.memref_slice %arg8[%add3A_108, %dma_wait3A_124] : memref<40x128xi32, #tpu.memory_space<vmem>> -> memref<1x128xi32, #tpu.memory_space<vmem>>
        %dma_wait3A_126 = tpu.memref_squeeze %dma_wait3A_125 : memref<1x128xi32, #tpu.memory_space<vmem>> -> memref<128xi32, #tpu.memory_space<vmem>>
        %dma_wait3A_127 = arith.constant 0 : i32
        %dma_wait3A_128 = arith.constant 0 : i32
        %dma_wait3A_129 = tpu.memref_slice %arg11[%dma_wait3A_127, %dma_wait3A_128] : memref<10016x128xf32, #tpu.memory_space<vmem_shared>> -> memref<10016x128xf32, #tpu.memory_space<vmem_shared>>
        tpu.wait_indirect_dma semaphore(%run_scoped3A_117 : memref<!tpu.dma_semaphore, #tpu.memory_space<semaphore_mem>>) src(%arg10 : memref<128x128xf32, #tpu.memory_space<vmem>>) dst(%dma_wait3A_129 : memref<10016x128xf32, #tpu.memory_space<vmem_shared>>)
        tpu.yield
      }) : () -> ()
      %add3A_109 = arith.constant 3 : i32
      %add3A_110 = arith.addi %add3A_84, %add3A_109 : i32
      %dma_start3A_111 = arith.constant 0 : i32
      %dma_start3A_112 = tpu.memref_slice %arg7[%add3A_110, %dma_start3A_111] : memref<40x128xi32, #tpu.memory_space<vmem>> -> memref<1x128xi32, #tpu.memory_space<vmem>>
      %dma_start3A_113 = tpu.memref_squeeze %dma_start3A_112 : memref<1x128xi32, #tpu.memory_space<vmem>> -> memref<128xi32, #tpu.memory_space<vmem>>
      %dma_start3A_114 = arith.constant 0 : i32
      %dma_start3A_115 = arith.constant 0 : i32
      %dma_start3A_116 = tpu.memref_slice %arg2[%dma_start3A_114, %dma_start3A_115] : memref<10000x128xf32, #tpu.memory_space<hbm>> -> memref<10000x128xf32, #tpu.memory_space<hbm>>
      tpu.enqueue_indirect_dma source(%dma_start3A_116 : memref<10000x128xf32, #tpu.memory_space<hbm>>) target(%arg10 : memref<128x128xf32, #tpu.memory_space<vmem>>) offsets(%dma_start3A_113 : memref<128xi32, #tpu.memory_space<vmem>>) semaphore(%arg13 : memref<!tpu.dma_semaphore, #tpu.memory_space<semaphore_mem>>)
    }
    %scan3A_54 = arith.constant 19 : i32
    %dma_wait3A_55 = arith.constant 38 : i32
    %dma_wait3A_56 = arith.constant 0 : i32
    %dma_wait3A_57 = tpu.memref_slice %arg7[%dma_wait3A_55, %dma_wait3A_56] : memref<40x128xi32, #tpu.memory_space<vmem>> -> memref<1x128xi32, #tpu.memory_space<vmem>>
    %dma_wait3A_58 = tpu.memref_squeeze %dma_wait3A_57 : memref<1x128xi32, #tpu.memory_space<vmem>> -> memref<128xi32, #tpu.memory_space<vmem>>
    %dma_wait3A_59 = arith.constant 0 : i32
    %dma_wait3A_60 = arith.constant 0 : i32
    %dma_wait3A_61 = tpu.memref_slice %arg2[%dma_wait3A_59, %dma_wait3A_60] : memref<10000x128xf32, #tpu.memory_space<hbm>> -> memref<10000x128xf32, #tpu.memory_space<hbm>>
    tpu.wait_indirect_dma semaphore(%arg12 : memref<!tpu.dma_semaphore, #tpu.memory_space<semaphore_mem>>) src(%dma_wait3A_61 : memref<10000x128xf32, #tpu.memory_space<hbm>>) dst(%arg9 : memref<128x128xf32, #tpu.memory_space<vmem>>)
    %run_scoped3A_62 = arith.constant 38 : i32
    "tpu.region"() ({
      %run_scoped3A_80 = tpu.sem_alloc : memref<!tpu.dma_semaphore, #tpu.memory_space<semaphore_mem>>
      %dma_start3A_81 = arith.constant 0 : i32
      %dma_start3A_82 = tpu.memref_slice %arg8[%run_scoped3A_62, %dma_start3A_81] : memref<40x128xi32, #tpu.memory_space<vmem>> -> memref<1x128xi32, #tpu.memory_space<vmem>>
      %dma_start3A_83 = tpu.memref_squeeze %dma_start3A_82 : memref<1x128xi32, #tpu.memory_space<vmem>> -> memref<128xi32, #tpu.memory_space<vmem>>
      %dma_start3A_84 = arith.constant 0 : i32
      %dma_start3A_85 = arith.constant 0 : i32
      %dma_start3A_86 = tpu.memref_slice %arg11[%dma_start3A_84, %dma_start3A_85] : memref<10016x128xf32, #tpu.memory_space<vmem_shared>> -> memref<10016x128xf32, #tpu.memory_space<vmem_shared>>
      tpu.enqueue_indirect_dma source(%arg9 : memref<128x128xf32, #tpu.memory_space<vmem>>) target(%dma_start3A_86 : memref<10016x128xf32, #tpu.memory_space<vmem_shared>>) offsets(%dma_start3A_83 : memref<128xi32, #tpu.memory_space<vmem>>) semaphore(%run_scoped3A_80 : memref<!tpu.dma_semaphore, #tpu.memory_space<semaphore_mem>>) {add = true}
      %dma_wait3A_87 = arith.constant 0 : i32
      %dma_wait3A_88 = tpu.memref_slice %arg8[%run_scoped3A_62, %dma_wait3A_87] : memref<40x128xi32, #tpu.memory_space<vmem>> -> memref<1x128xi32, #tpu.memory_space<vmem>>
      %dma_wait3A_89 = tpu.memref_squeeze %dma_wait3A_88 : memref<1x128xi32, #tpu.memory_space<vmem>> -> memref<128xi32, #tpu.memory_space<vmem>>
      %dma_wait3A_90 = arith.constant 0 : i32
      %dma_wait3A_91 = arith.constant 0 : i32
      %dma_wait3A_92 = tpu.memref_slice %arg11[%dma_wait3A_90, %dma_wait3A_91] : memref<10016x128xf32, #tpu.memory_space<vmem_shared>> -> memref<10016x128xf32, #tpu.memory_space<vmem_shared>>
      tpu.wait_indirect_dma semaphore(%run_scoped3A_80 : memref<!tpu.dma_semaphore, #tpu.memory_space<semaphore_mem>>) src(%arg9 : memref<128x128xf32, #tpu.memory_space<vmem>>) dst(%dma_wait3A_92 : memref<10016x128xf32, #tpu.memory_space<vmem_shared>>)
      tpu.yield
    }) : () -> ()
    %dma_wait3A_63 = arith.constant 39 : i32
    %dma_wait3A_64 = arith.constant 0 : i32
    %dma_wait3A_65 = tpu.memref_slice %arg7[%dma_wait3A_63, %dma_wait3A_64] : memref<40x128xi32, #tpu.memory_space<vmem>> -> memref<1x128xi32, #tpu.memory_space<vmem>>
    %dma_wait3A_66 = tpu.memref_squeeze %dma_wait3A_65 : memref<1x128xi32, #tpu.memory_space<vmem>> -> memref<128xi32, #tpu.memory_space<vmem>>
    %dma_wait3A_67 = arith.constant 0 : i32
    %dma_wait3A_68 = arith.constant 0 : i32
    %dma_wait3A_69 = tpu.memref_slice %arg2[%dma_wait3A_67, %dma_wait3A_68] : memref<10000x128xf32, #tpu.memory_space<hbm>> -> memref<10000x128xf32, #tpu.memory_space<hbm>>
    tpu.wait_indirect_dma semaphore(%arg13 : memref<!tpu.dma_semaphore, #tpu.memory_space<semaphore_mem>>) src(%dma_wait3A_69 : memref<10000x128xf32, #tpu.memory_space<hbm>>) dst(%arg10 : memref<128x128xf32, #tpu.memory_space<vmem>>)
    %run_scoped3A_70 = arith.constant 39 : i32
    "tpu.region"() ({
      %run_scoped3A_80 = tpu.sem_alloc : memref<!tpu.dma_semaphore, #tpu.memory_space<semaphore_mem>>
      %dma_start3A_81 = arith.constant 0 : i32
      %dma_start3A_82 = tpu.memref_slice %arg8[%run_scoped3A_70, %dma_start3A_81] : memref<40x128xi32, #tpu.memory_space<vmem>> -> memref<1x128xi32, #tpu.memory_space<vmem>>
      %dma_start3A_83 = tpu.memref_squeeze %dma_start3A_82 : memref<1x128xi32, #tpu.memory_space<vmem>> -> memref<128xi32, #tpu.memory_space<vmem>>
      %dma_start3A_84 = arith.constant 0 : i32
      %dma_start3A_85 = arith.constant 0 : i32
      %dma_start3A_86 = tpu.memref_slice %arg11[%dma_start3A_84, %dma_start3A_85] : memref<10016x128xf32, #tpu.memory_space<vmem_shared>> -> memref<10016x128xf32, #tpu.memory_space<vmem_shared>>
      tpu.enqueue_indirect_dma source(%arg10 : memref<128x128xf32, #tpu.memory_space<vmem>>) target(%dma_start3A_86 : memref<10016x128xf32, #tpu.memory_space<vmem_shared>>) offsets(%dma_start3A_83 : memref<128xi32, #tpu.memory_space<vmem>>) semaphore(%run_scoped3A_80 : memref<!tpu.dma_semaphore, #tpu.memory_space<semaphore_mem>>) {add = true}
      %dma_wait3A_87 = arith.constant 0 : i32
      %dma_wait3A_88 = tpu.memref_slice %arg8[%run_scoped3A_70, %dma_wait3A_87] : memref<40x128xi32, #tpu.memory_space<vmem>> -> memref<1x128xi32, #tpu.memory_space<vmem>>
      %dma_wait3A_89 = tpu.memref_squeeze %dma_wait3A_88 : memref<1x128xi32, #tpu.memory_space<vmem>> -> memref<128xi32, #tpu.memory_space<vmem>>
      %dma_wait3A_90 = arith.constant 0 : i32
      %dma_wait3A_91 = arith.constant 0 : i32
      %dma_wait3A_92 = tpu.memref_slice %arg11[%dma_wait3A_90, %dma_wait3A_91] : memref<10016x128xf32, #tpu.memory_space<vmem_shared>> -> memref<10016x128xf32, #tpu.memory_space<vmem_shared>>
      tpu.wait_indirect_dma semaphore(%run_scoped3A_80 : memref<!tpu.dma_semaphore, #tpu.memory_space<semaphore_mem>>) src(%arg10 : memref<128x128xf32, #tpu.memory_space<vmem>>) dst(%dma_wait3A_92 : memref<10016x128xf32, #tpu.memory_space<vmem_shared>>)
      tpu.yield
    }) : () -> ()
    %barrier3A_71 = arith.constant 0 : index
    tpu.barrier barrier_id(%barrier3A_71)
    %mul3A_72 = arith.constant 10000 : i32
    %mul3A_73 = arith.muli %arg0, %mul3A_72 : i32
    %add3A_74 = arith.addi %mul3A_73, %mul3A_2 : i32
    "tpu.region"() ({
      %run_scoped3A_80 = tpu.sem_alloc : memref<!tpu.dma_semaphore, #tpu.memory_space<semaphore_mem>>
      %dma_start3A_81 = arith.constant 0 : i32
      %dma_start3A_82 = tpu.memref_slice %arg6[%add3A_74, %dma_start3A_81] : memref<20000x128xf32, #tpu.memory_space<hbm>> -> memref<624x128xf32, #tpu.memory_space<hbm>>
      %dma_start3A_83 = arith.constant 0 : i32
      %dma_start3A_84 = tpu.memref_slice %arg11[%mul3A_2, %dma_start3A_83] : memref<10016x128xf32, #tpu.memory_space<vmem_shared>> -> memref<624x128xf32, #tpu.memory_space<vmem_shared>>
      tpu.enqueue_dma source(%dma_start3A_84 : memref<624x128xf32, #tpu.memory_space<vmem_shared>>) target(%dma_start3A_82 : memref<624x128xf32, #tpu.memory_space<hbm>>) target_semaphore(%run_scoped3A_80 : memref<!tpu.dma_semaphore, #tpu.memory_space<semaphore_mem>>)
      %dma_wait3A_85 = arith.constant 0 : i32
      %dma_wait3A_86 = tpu.memref_slice %arg6[%add3A_74, %dma_wait3A_85] : memref<20000x128xf32, #tpu.memory_space<hbm>> -> memref<624x128xf32, #tpu.memory_space<hbm>>
      %dma_wait3A_87 = arith.constant 0 : i32
      %dma_wait3A_88 = tpu.memref_slice %arg11[%mul3A_2, %dma_wait3A_87] : memref<10016x128xf32, #tpu.memory_space<vmem_shared>> -> memref<624x128xf32, #tpu.memory_space<vmem_shared>>
      tpu.wait_dma2 semaphore(%run_scoped3A_80 : memref<!tpu.dma_semaphore, #tpu.memory_space<semaphore_mem>>) src(%dma_wait3A_88 : memref<624x128xf32, #tpu.memory_space<vmem_shared>>) dst(%dma_wait3A_86 : memref<624x128xf32, #tpu.memory_space<hbm>>)
      tpu.yield
    }) : () -> ()
    %eq3A_75 = arith.constant 0 : i32
    %eq3A_76 = arith.cmpi eq, %arg1, %eq3A_75 : i32
    %convert_element_type3A_77 = arith.extui %eq3A_76 : i1 to i32
    %cond3A_78 = arith.constant 0 : i32
    %cond3A_79 = arith.cmpi ne, %convert_element_type3A_77, %cond3A_78 : i32
    scf.if %cond3A_79 {
      %mul3A_80 = arith.constant 10000 : i32
      %mul3A_81 = arith.muli %arg0, %mul3A_80 : i32
      %add3A_82 = arith.constant 9984 : i32
      %add3A_83 = arith.addi %mul3A_81, %add3A_82 : i32
      "tpu.region"() ({
        %run_scoped3A_84 = tpu.sem_alloc : memref<!tpu.dma_semaphore, #tpu.memory_space<semaphore_mem>>
        %dma_start3A_85 = arith.constant 0 : i32
        %dma_start3A_86 = tpu.memref_slice %arg6[%add3A_83, %dma_start3A_85] : memref<20000x128xf32, #tpu.memory_space<hbm>> -> memref<16x128xf32, #tpu.memory_space<hbm>>
        %dma_start3A_87 = arith.constant 9984 : i32
        %dma_start3A_88 = arith.constant 0 : i32
        %dma_start3A_89 = tpu.memref_slice %arg11[%dma_start3A_87, %dma_start3A_88] : memref<10016x128xf32, #tpu.memory_space<vmem_shared>> -> memref<16x128xf32, #tpu.memory_space<vmem_shared>>
        tpu.enqueue_dma source(%dma_start3A_89 : memref<16x128xf32, #tpu.memory_space<vmem_shared>>) target(%dma_start3A_86 : memref<16x128xf32, #tpu.memory_space<hbm>>) target_semaphore(%run_scoped3A_84 : memref<!tpu.dma_semaphore, #tpu.memory_space<semaphore_mem>>)
        %dma_wait3A_90 = arith.constant 0 : i32
        %dma_wait3A_91 = tpu.memref_slice %arg6[%add3A_83, %dma_wait3A_90] : memref<20000x128xf32, #tpu.memory_space<hbm>> -> memref<16x128xf32, #tpu.memory_space<hbm>>
        %dma_wait3A_92 = arith.constant 9984 : i32
        %dma_wait3A_93 = arith.constant 0 : i32
        %dma_wait3A_94 = tpu.memref_slice %arg11[%dma_wait3A_92, %dma_wait3A_93] : memref<10016x128xf32, #tpu.memory_space<vmem_shared>> -> memref<16x128xf32, #tpu.memory_space<vmem_shared>>
        tpu.wait_dma2 semaphore(%run_scoped3A_84 : memref<!tpu.dma_semaphore, #tpu.memory_space<semaphore_mem>>) src(%dma_wait3A_94 : memref<16x128xf32, #tpu.memory_space<vmem_shared>>) dst(%dma_wait3A_91 : memref<16x128xf32, #tpu.memory_space<hbm>>)
        tpu.yield
      }) : () -> ()
    } else {
    }
    return
  }
}

module attributes {stable_mosaic.version = 14 : i64} {
  func.func @_mlp_body(%arg0: i32, %arg1: memref<1x1xf32, #tpu.memory_space<vmem>>, %arg2: memref<1000x128xf32, #tpu.memory_space<vmem>>, %arg3: memref<1000x128xf32, #tpu.memory_space<vmem>>, %arg4: memref<1000x128xf32, #tpu.memory_space<vmem>>, %arg5: memref<128x128xf32, #tpu.memory_space<vmem>>, %arg6: memref<1x128xf32, #tpu.memory_space<vmem>>, %arg7: memref<128x128xf32, #tpu.memory_space<vmem>>, %arg8: memref<1x128xf32, #tpu.memory_space<vmem>>, %arg9: memref<1000x128xf32, #tpu.memory_space<vmem>>) attributes {dimension_semantics = [#tpu.dimension_semantics<arbitrary>], iteration_bounds = array<i64: 10>, scalar_prefetch = 0 : i64, scratch_operands = 0 : i64, tpu.core_type = #tpu.core_type<tc>, window_params = [{pipeline_mode = #tpu.pipeline_mode<synchronous>, transform_indices = @transform_0, window_bounds = array<i64: 1, 1>}, {transform_indices = @transform_1, window_bounds = array<i64: 1000, 128>}, {transform_indices = @transform_2, window_bounds = array<i64: 1000, 128>}, {transform_indices = @transform_3, window_bounds = array<i64: 1000, 128>}, {pipeline_mode = #tpu.pipeline_mode<synchronous>, transform_indices = @transform_4, window_bounds = array<i64: 128, 128>}, {pipeline_mode = #tpu.pipeline_mode<synchronous>, transform_indices = @transform_5, window_bounds = array<i64: 1, 128>}, {pipeline_mode = #tpu.pipeline_mode<synchronous>, transform_indices = @transform_6, window_bounds = array<i64: 128, 128>}, {pipeline_mode = #tpu.pipeline_mode<synchronous>, transform_indices = @transform_7, window_bounds = array<i64: 1, 128>}, {transform_indices = @transform_8, window_bounds = array<i64: 1000, 128>}]} {
    %get3A = arith.constant 0 : index
    %get3A_0 = arith.constant 0 : index
    %get3A_1 = vector.load %arg1[%get3A, %get3A_0] : memref<1x1xf32, #tpu.memory_space<vmem>>, vector<1x1xf32>
    %get3A_2 = vector.extract %get3A_1[0, 0] : f32 from vector<1x1xf32>
    %add3A = arith.constant 1.000000e+00 : f32
    %add3A_3 = arith.addf %add3A, %get3A_2 : f32
    %get3A_4 = arith.constant 0 : index
    %get3A_5 = arith.constant 0 : index
    %get3A_6 = vector.load %arg2[%get3A_4, %get3A_5] : memref<1000x128xf32, #tpu.memory_space<vmem>>, vector<1000x128xf32>
    %mul3A = vector.broadcast %add3A_3 : f32 to vector<1000x128xf32>
    %mul3A_7 = arith.mulf %mul3A, %get3A_6 : vector<1000x128xf32>
    %get3A_8 = arith.constant 0 : index
    %get3A_9 = arith.constant 0 : index
    %get3A_10 = vector.load %arg3[%get3A_8, %get3A_9] : memref<1000x128xf32, #tpu.memory_space<vmem>>, vector<1000x128xf32>
    %add3A_11 = arith.addf %mul3A_7, %get3A_10 : vector<1000x128xf32>
    %get3A_12 = arith.constant 0 : index
    %get3A_13 = arith.constant 0 : index
    %get3A_14 = vector.load %arg4[%get3A_12, %get3A_13] : memref<1000x128xf32, #tpu.memory_space<vmem>>, vector<1000x128xf32>
    %add3A_15 = arith.addf %add3A_11, %get3A_14 : vector<1000x128xf32>
    %get3A_16 = arith.constant 0 : index
    %get3A_17 = arith.constant 0 : index
    %get3A_18 = vector.load %arg5[%get3A_16, %get3A_17] : memref<128x128xf32, #tpu.memory_space<vmem>>, vector<128x128xf32>
    %dot_general3A = arith.constant dense<0.000000e+00> : vector<1000x128xf32>
    %dot_general3A_19 = tpu.matmul %add3A_15, %get3A_18, %dot_general3A {dimension_numbers = #tpu.dot_dimension_numbers<[1], [0], [0], [1], [0, 0, 1, 1], [], []>, transpose_lhs_hint = false} : vector<1000x128xf32>, vector<128x128xf32>, vector<1000x128xf32> -> vector<1000x128xf32>
    %get3A_20 = arith.constant 0 : index
    %get3A_21 = arith.constant 0 : index
    %get3A_22 = vector.load %arg6[%get3A_20, %get3A_21] : memref<1x128xf32, #tpu.memory_space<vmem>>, vector<1x128xf32>
    %add3A_23 = vector.broadcast %get3A_22 : vector<1x128xf32> to vector<1000x128xf32>
    %add3A_24 = arith.addf %dot_general3A_19, %add3A_23 : vector<1000x128xf32>
    %max3A = arith.constant 0.000000e+00 : f32
    %max3A_25 = vector.broadcast %max3A : f32 to vector<1000x128xf32>
    %max3A_26 = arith.maximumf %add3A_24, %max3A_25 : vector<1000x128xf32>
    %get3A_27 = arith.constant 0 : index
    %get3A_28 = arith.constant 0 : index
    %get3A_29 = vector.load %arg7[%get3A_27, %get3A_28] : memref<128x128xf32, #tpu.memory_space<vmem>>, vector<128x128xf32>
    %dot_general3A_30 = arith.constant dense<0.000000e+00> : vector<1000x128xf32>
    %dot_general3A_31 = tpu.matmul %max3A_26, %get3A_29, %dot_general3A_30 {dimension_numbers = #tpu.dot_dimension_numbers<[1], [0], [0], [1], [0, 0, 1, 1], [], []>, transpose_lhs_hint = false} : vector<1000x128xf32>, vector<128x128xf32>, vector<1000x128xf32> -> vector<1000x128xf32>
    %get3A_32 = arith.constant 0 : index
    %get3A_33 = arith.constant 0 : index
    %get3A_34 = vector.load %arg8[%get3A_32, %get3A_33] : memref<1x128xf32, #tpu.memory_space<vmem>>, vector<1x128xf32>
    %add3A_35 = vector.broadcast %get3A_34 : vector<1x128xf32> to vector<1000x128xf32>
    %add3A_36 = arith.addf %dot_general3A_31, %add3A_35 : vector<1000x128xf32>
    %max3A_37 = arith.constant 0.000000e+00 : f32
    %max3A_38 = vector.broadcast %max3A_37 : f32 to vector<1000x128xf32>
    %max3A_39 = arith.maximumf %add3A_36, %max3A_38 : vector<1000x128xf32>
    %swap3A = arith.constant 0 : index
    %swap3A_40 = arith.constant 0 : index
    %swap3A_41 = vector.load %arg9[%swap3A, %swap3A_40] : memref<1000x128xf32, #tpu.memory_space<vmem>>, vector<1000x128xf32>
    tpu.vector_store %arg9[%swap3A, %swap3A_40], %max3A_39 {strides = array<i32>} : memref<1000x128xf32, #tpu.memory_space<vmem>>, vector<1000x128xf32>,
    return
  }
  func.func @transform_0(%arg0: i32) -> (i32, i32) {
    %c0_i32 = arith.constant 0 : i32
    %c0_i32_0 = arith.constant 0 : i32
    %c0_i32_1 = arith.constant 0 : i32
    return %c0_i32, %c0_i32_0 : i32, i32
  }
  func.func @transform_1(%arg0: i32) -> (i32, i32) {
    %c0_i32 = arith.constant 0 : i32
    %c0_i32_0 = arith.constant 0 : i32
    return %arg0, %c0_i32 : i32, i32
  }
  func.func @transform_2(%arg0: i32) -> (i32, i32) {
    %c0_i32 = arith.constant 0 : i32
    %c0_i32_0 = arith.constant 0 : i32
    return %arg0, %c0_i32 : i32, i32
  }
  func.func @transform_3(%arg0: i32) -> (i32, i32) {
    %add3A = arith.constant 10 : i32
    %add3A_0 = arith.addi %arg0, %add3A : i32
    %c0_i32 = arith.constant 0 : i32
    %c0_i32_1 = arith.constant 0 : i32
    return %add3A_0, %c0_i32 : i32, i32
  }
  func.func @transform_4(%arg0: i32) -> (i32, i32) {
    %c0_i32 = arith.constant 0 : i32
    %c0_i32_0 = arith.constant 0 : i32
    %c0_i32_1 = arith.constant 0 : i32
    return %c0_i32, %c0_i32_0 : i32, i32
  }
  func.func @transform_5(%arg0: i32) -> (i32, i32) {
    %c0_i32 = arith.constant 0 : i32
    %c0_i32_0 = arith.constant 0 : i32
    %c0_i32_1 = arith.constant 0 : i32
    return %c0_i32, %c0_i32_0 : i32, i32
  }
  func.func @transform_6(%arg0: i32) -> (i32, i32) {
    %c0_i32 = arith.constant 0 : i32
    %c0_i32_0 = arith.constant 0 : i32
    %c0_i32_1 = arith.constant 0 : i32
    return %c0_i32, %c0_i32_0 : i32, i32
  }
  func.func @transform_7(%arg0: i32) -> (i32, i32) {
    %c0_i32 = arith.constant 0 : i32
    %c0_i32_0 = arith.constant 0 : i32
    %c0_i32_1 = arith.constant 0 : i32
    return %c0_i32, %c0_i32_0 : i32, i32
  }
  func.func @transform_8(%arg0: i32) -> (i32, i32) {
    %c0_i32 = arith.constant 0 : i32
    %c0_i32_0 = arith.constant 0 : i32
    return %arg0, %c0_i32 : i32, i32
  }
}

module attributes {stable_mosaic.version = 14 : i64} {
  func.func @_mlp_pool_body(%arg0: i32, %arg1: memref<1x1xf32, #tpu.memory_space<vmem>>, %arg2: memref<1x1x1000xi32, #tpu.memory_space<vmem>>, %arg3: memref<1000x128xf32, #tpu.memory_space<vmem>>, %arg4: memref<1000x128xf32, #tpu.memory_space<vmem>>, %arg5: memref<1000x128xf32, #tpu.memory_space<vmem>>, %arg6: memref<128x128xf32, #tpu.memory_space<vmem>>, %arg7: memref<1x128xf32, #tpu.memory_space<vmem>>, %arg8: memref<128x128xf32, #tpu.memory_space<vmem>>, %arg9: memref<1x128xf32, #tpu.memory_space<vmem>>, %arg10: memref<128x128xf32, #tpu.memory_space<vmem>>, %arg11: memref<1x128xf32, #tpu.memory_space<vmem>>, %arg12: memref<1x128xf32, #tpu.memory_space<vmem>>, %arg13: memref<1x1xf32, #tpu.memory_space<vmem>>, %arg14: memref<128x1xf32, #tpu.memory_space<vmem>>, %arg15: memref<128x128xf32, #tpu.memory_space<vmem>>) attributes {dimension_semantics = [#tpu.dimension_semantics<arbitrary>], iteration_bounds = array<i64: 10>, scalar_prefetch = 0 : i64, scratch_operands = 1 : i64, tpu.core_type = #tpu.core_type<tc>, window_params = [{pipeline_mode = #tpu.pipeline_mode<synchronous>, transform_indices = @transform_0, window_bounds = array<i64: 1, 1>}, {transform_indices = @transform_1, window_bounds = array<i64: 1, 1, 1000>}, {transform_indices = @transform_2, window_bounds = array<i64: 1000, 128>}, {transform_indices = @transform_3, window_bounds = array<i64: 1000, 128>}, {transform_indices = @transform_4, window_bounds = array<i64: 1000, 128>}, {pipeline_mode = #tpu.pipeline_mode<synchronous>, transform_indices = @transform_5, window_bounds = array<i64: 128, 128>}, {pipeline_mode = #tpu.pipeline_mode<synchronous>, transform_indices = @transform_6, window_bounds = array<i64: 1, 128>}, {pipeline_mode = #tpu.pipeline_mode<synchronous>, transform_indices = @transform_7, window_bounds = array<i64: 128, 128>}, {pipeline_mode = #tpu.pipeline_mode<synchronous>, transform_indices = @transform_8, window_bounds = array<i64: 1, 128>}, {pipeline_mode = #tpu.pipeline_mode<synchronous>, transform_indices = @transform_9, window_bounds = array<i64: 128, 128>}, {pipeline_mode = #tpu.pipeline_mode<synchronous>, transform_indices = @transform_10, window_bounds = array<i64: 1, 128>}, {pipeline_mode = #tpu.pipeline_mode<synchronous>, transform_indices = @transform_11, window_bounds = array<i64: 1, 128>}, {pipeline_mode = #tpu.pipeline_mode<synchronous>, transform_indices = @transform_12, window_bounds = array<i64: 1, 1>}, {pipeline_mode = #tpu.pipeline_mode<synchronous>, transform_indices = @transform_13, window_bounds = array<i64: 128, 1>}]} {
    %eq3A = arith.constant 0 : i32
    %eq3A_0 = arith.cmpi eq, %arg0, %eq3A : i32
    %convert_element_type3A = arith.extui %eq3A_0 : i1 to i32
    %cond3A = arith.constant 0 : i32
    %cond3A_1 = arith.cmpi ne, %convert_element_type3A, %cond3A : i32
    scf.if %cond3A_1 {
      %broadcast_in_dim3A_64 = arith.constant 0.000000e+00 : f32
      %broadcast_in_dim3A_65 = vector.broadcast %broadcast_in_dim3A_64 : f32 to vector<128x128xf32>
      %swap3A_66 = arith.constant 0 : index
      %swap3A_67 = arith.constant 0 : index
      %swap3A_68 = vector.load %arg15[%swap3A_66, %swap3A_67] : memref<128x128xf32, #tpu.memory_space<vmem>>, vector<128x128xf32>
      tpu.vector_store %arg15[%swap3A_66, %swap3A_67], %broadcast_in_dim3A_65 {strides = array<i32>} : memref<128x128xf32, #tpu.memory_space<vmem>>, vector<128x128xf32>,
    } else {
    }
    %get3A = arith.constant 0 : index
    %get3A_2 = arith.constant 0 : index
    %get3A_3 = vector.load %arg1[%get3A, %get3A_2] : memref<1x1xf32, #tpu.memory_space<vmem>>, vector<1x1xf32>
    %get3A_4 = vector.extract %get3A_3[0, 0] : f32 from vector<1x1xf32>
    %add3A = arith.constant 1.000000e+00 : f32
    %add3A_5 = arith.addf %add3A, %get3A_4 : f32
    %get3A_6 = arith.constant 0 : index
    %get3A_7 = arith.constant 0 : index
    %get3A_8 = vector.load %arg3[%get3A_6, %get3A_7] : memref<1000x128xf32, #tpu.memory_space<vmem>>, vector<1000x128xf32>
    %mul3A = vector.broadcast %add3A_5 : f32 to vector<1000x128xf32>
    %mul3A_9 = arith.mulf %mul3A, %get3A_8 : vector<1000x128xf32>
    %get3A_10 = arith.constant 0 : index
    %get3A_11 = arith.constant 0 : index
    %get3A_12 = vector.load %arg4[%get3A_10, %get3A_11] : memref<1000x128xf32, #tpu.memory_space<vmem>>, vector<1000x128xf32>
    %add3A_13 = arith.addf %mul3A_9, %get3A_12 : vector<1000x128xf32>
    %get3A_14 = arith.constant 0 : index
    %get3A_15 = arith.constant 0 : index
    %get3A_16 = vector.load %arg5[%get3A_14, %get3A_15] : memref<1000x128xf32, #tpu.memory_space<vmem>>, vector<1000x128xf32>
    %add3A_17 = arith.addf %add3A_13, %get3A_16 : vector<1000x128xf32>
    %get3A_18 = arith.constant 0 : index
    %get3A_19 = arith.constant 0 : index
    %get3A_20 = vector.load %arg6[%get3A_18, %get3A_19] : memref<128x128xf32, #tpu.memory_space<vmem>>, vector<128x128xf32>
    %dot_general3A = arith.constant dense<0.000000e+00> : vector<1000x128xf32>
    %dot_general3A_21 = tpu.matmul %add3A_17, %get3A_20, %dot_general3A {dimension_numbers = #tpu.dot_dimension_numbers<[1], [0], [0], [1], [0, 0, 1, 1], [], []>, transpose_lhs_hint = false} : vector<1000x128xf32>, vector<128x128xf32>, vector<1000x128xf32> -> vector<1000x128xf32>
    %get3A_22 = arith.constant 0 : index
    %get3A_23 = arith.constant 0 : index
    %get3A_24 = vector.load %arg7[%get3A_22, %get3A_23] : memref<1x128xf32, #tpu.memory_space<vmem>>, vector<1x128xf32>
    %add3A_25 = vector.broadcast %get3A_24 : vector<1x128xf32> to vector<1000x128xf32>
    %add3A_26 = arith.addf %dot_general3A_21, %add3A_25 : vector<1000x128xf32>
    %max3A = arith.constant 0.000000e+00 : f32
    %max3A_27 = vector.broadcast %max3A : f32 to vector<1000x128xf32>
    %max3A_28 = arith.maximumf %add3A_26, %max3A_27 : vector<1000x128xf32>
    %get3A_29 = arith.constant 0 : index
    %get3A_30 = arith.constant 0 : index
    %get3A_31 = vector.load %arg8[%get3A_29, %get3A_30] : memref<128x128xf32, #tpu.memory_space<vmem>>, vector<128x128xf32>
    %dot_general3A_32 = arith.constant dense<0.000000e+00> : vector<1000x128xf32>
    %dot_general3A_33 = tpu.matmul %max3A_28, %get3A_31, %dot_general3A_32 {dimension_numbers = #tpu.dot_dimension_numbers<[1], [0], [0], [1], [0, 0, 1, 1], [], []>, transpose_lhs_hint = false} : vector<1000x128xf32>, vector<128x128xf32>, vector<1000x128xf32> -> vector<1000x128xf32>
    %get3A_34 = arith.constant 0 : index
    %get3A_35 = arith.constant 0 : index
    %get3A_36 = vector.load %arg9[%get3A_34, %get3A_35] : memref<1x128xf32, #tpu.memory_space<vmem>>, vector<1x128xf32>
    %add3A_37 = vector.broadcast %get3A_36 : vector<1x128xf32> to vector<1000x128xf32>
    %add3A_38 = arith.addf %dot_general3A_33, %add3A_37 : vector<1000x128xf32>
    %max3A_39 = arith.constant 0.000000e+00 : f32
    %max3A_40 = vector.broadcast %max3A_39 : f32 to vector<1000x128xf32>
    %max3A_41 = arith.maximumf %add3A_38, %max3A_40 : vector<1000x128xf32>
    %get3A_42 = arith.constant 0 : index
    %get3A_43 = arith.constant 0 : index
    %get3A_44 = arith.constant 0 : index
    %get3A_45 = vector.load %arg2[%get3A_42, %get3A_43, %get3A_44] : memref<1x1x1000xi32, #tpu.memory_space<vmem>>, vector<1x1x1000xi32>
    %get3A_46 = vector.shape_cast %get3A_45 : vector<1x1x1000xi32> to vector<1000xi32>
    %broadcast_in_dim3A = vector.shape_cast %get3A_46 : vector<1000xi32> to vector<1x1000xi32>
    %iota3A = tpu.iota {dimensions = array<i32: 0>} : vector<128x1000xi32>
    %eq3A_47 = vector.broadcast %broadcast_in_dim3A : vector<1x1000xi32> to vector<128x1000xi32>
    %eq3A_48 = arith.cmpi eq, %eq3A_47, %iota3A : vector<128x1000xi32>
    %convert_element_type3A_49 = arith.extui %eq3A_48 : vector<128x1000xi1> to vector<128x1000xi32>
    %convert_element_type3A_50 = arith.sitofp %convert_element_type3A_49 : vector<128x1000xi32> to vector<128x1000xf32>
    %get3A_51 = arith.constant 0 : index
    %get3A_52 = arith.constant 0 : index
    %get3A_53 = vector.load %arg15[%get3A_51, %get3A_52] : memref<128x128xf32, #tpu.memory_space<vmem>>, vector<128x128xf32>
    %dot_general3A_54 = arith.constant dense<0.000000e+00> : vector<128x128xf32>
    %dot_general3A_55 = tpu.matmul %convert_element_type3A_50, %max3A_41, %dot_general3A_54 {dimension_numbers = #tpu.dot_dimension_numbers<[1], [0], [0], [1], [0, 0, 1, 1], [], []>, transpose_lhs_hint = false} : vector<128x1000xf32>, vector<1000x128xf32>, vector<128x128xf32> -> vector<128x128xf32>
    %add3A_56 = arith.addf %get3A_53, %dot_general3A_55 : vector<128x128xf32>
    %swap3A = arith.constant 0 : index
    %swap3A_57 = arith.constant 0 : index
    %swap3A_58 = vector.load %arg15[%swap3A, %swap3A_57] : memref<128x128xf32, #tpu.memory_space<vmem>>, vector<128x128xf32>
    tpu.vector_store %arg15[%swap3A, %swap3A_57], %add3A_56 {strides = array<i32>} : memref<128x128xf32, #tpu.memory_space<vmem>>, vector<128x128xf32>,
    %eq3A_59 = arith.constant 9 : i32
    %eq3A_60 = arith.cmpi eq, %arg0, %eq3A_59 : i32
    %convert_element_type3A_61 = arith.extui %eq3A_60 : i1 to i32
    %cond3A_62 = arith.constant 0 : i32
    %cond3A_63 = arith.cmpi ne, %convert_element_type3A_61, %cond3A_62 : i32
    scf.if %cond3A_63 {
      %get3A_64 = arith.constant 0 : index
      %get3A_65 = arith.constant 0 : index
      %get3A_66 = vector.load %arg15[%get3A_64, %get3A_65] : memref<128x128xf32, #tpu.memory_space<vmem>>, vector<128x128xf32>
      %get3A_67 = arith.constant 0 : index
      %get3A_68 = arith.constant 0 : index
      %get3A_69 = vector.load %arg10[%get3A_67, %get3A_68] : memref<128x128xf32, #tpu.memory_space<vmem>>, vector<128x128xf32>
      %dot_general3A_70 = arith.constant dense<0.000000e+00> : vector<128x128xf32>
      %dot_general3A_71 = tpu.matmul %get3A_66, %get3A_69, %dot_general3A_70 {dimension_numbers = #tpu.dot_dimension_numbers<[1], [0], [0], [1], [0, 0, 1, 1], [], []>, transpose_lhs_hint = false} : vector<128x128xf32>, vector<128x128xf32>, vector<128x128xf32> -> vector<128x128xf32>
      %get3A_72 = arith.constant 0 : index
      %get3A_73 = arith.constant 0 : index
      %get3A_74 = vector.load %arg11[%get3A_72, %get3A_73] : memref<1x128xf32, #tpu.memory_space<vmem>>, vector<1x128xf32>
      %add3A_75 = vector.broadcast %get3A_74 : vector<1x128xf32> to vector<128x128xf32>
      %add3A_76 = arith.addf %dot_general3A_71, %add3A_75 : vector<128x128xf32>
      %max3A_77 = arith.constant 0.000000e+00 : f32
      %max3A_78 = vector.broadcast %max3A_77 : f32 to vector<128x128xf32>
      %max3A_79 = arith.maximumf %add3A_76, %max3A_78 : vector<128x128xf32>
      %get3A_80 = arith.constant 0 : index
      %get3A_81 = arith.constant 0 : index
      %get3A_82 = vector.load %arg12[%get3A_80, %get3A_81] : memref<1x128xf32, #tpu.memory_space<vmem>>, vector<1x128xf32>
      %mul3A_83 = vector.broadcast %get3A_82 : vector<1x128xf32> to vector<128x128xf32>
      %mul3A_84 = arith.mulf %max3A_79, %mul3A_83 : vector<128x128xf32>
      %reduce_sum3A = arith.constant dense<0.000000e+00> : vector<128xf32>
      %reduce_sum3A_85 = vector.multi_reduction <add>, %mul3A_84, %reduce_sum3A [1] : vector<128x128xf32> to vector<128xf32>
      %broadcast_in_dim3A_86 = vector.shape_cast %reduce_sum3A_85 : vector<128xf32> to vector<128x1xf32>
      %get3A_87 = arith.constant 0 : index
      %get3A_88 = arith.constant 0 : index
      %get3A_89 = vector.load %arg13[%get3A_87, %get3A_88] : memref<1x1xf32, #tpu.memory_space<vmem>>, vector<1x1xf32>
      %get3A_90 = vector.extract %get3A_89[0, 0] : f32 from vector<1x1xf32>
      %add3A_91 = vector.broadcast %get3A_90 : f32 to vector<128x1xf32>
      %add3A_92 = arith.addf %broadcast_in_dim3A_86, %add3A_91 : vector<128x1xf32>
      %swap3A_93 = arith.constant 0 : index
      %swap3A_94 = arith.constant 0 : index
      %swap3A_95 = vector.load %arg14[%swap3A_93, %swap3A_94] : memref<128x1xf32, #tpu.memory_space<vmem>>, vector<128x1xf32>
      tpu.vector_store %arg14[%swap3A_93, %swap3A_94], %add3A_92 {strides = array<i32>} : memref<128x1xf32, #tpu.memory_space<vmem>>, vector<128x1xf32>,
    } else {
    }
    return
  }
  func.func @transform_0(%arg0: i32) -> (i32, i32) {
    %c0_i32 = arith.constant 0 : i32
    %c0_i32_0 = arith.constant 0 : i32
    %c0_i32_1 = arith.constant 0 : i32
    return %c0_i32, %c0_i32_0 : i32, i32
  }
  func.func @transform_1(%arg0: i32) -> (i32, i32, i32) {
    %c0_i32 = arith.constant 0 : i32
    %c0_i32_0 = arith.constant 0 : i32
    %c0_i32_1 = arith.constant 0 : i32
    return %arg0, %c0_i32, %c0_i32_0 : i32, i32, i32
  }
  func.func @transform_2(%arg0: i32) -> (i32, i32) {
    %c0_i32 = arith.constant 0 : i32
    %c0_i32_0 = arith.constant 0 : i32
    return %arg0, %c0_i32 : i32, i32
  }
  func.func @transform_3(%arg0: i32) -> (i32, i32) {
    %c0_i32 = arith.constant 0 : i32
    %c0_i32_0 = arith.constant 0 : i32
    return %arg0, %c0_i32 : i32, i32
  }
  func.func @transform_4(%arg0: i32) -> (i32, i32) {
    %add3A = arith.constant 10 : i32
    %add3A_0 = arith.addi %arg0, %add3A : i32
    %c0_i32 = arith.constant 0 : i32
    %c0_i32_1 = arith.constant 0 : i32
    return %add3A_0, %c0_i32 : i32, i32
  }
  func.func @transform_5(%arg0: i32) -> (i32, i32) {
    %c0_i32 = arith.constant 0 : i32
    %c0_i32_0 = arith.constant 0 : i32
    %c0_i32_1 = arith.constant 0 : i32
    return %c0_i32, %c0_i32_0 : i32, i32
  }
  func.func @transform_6(%arg0: i32) -> (i32, i32) {
    %c0_i32 = arith.constant 0 : i32
    %c0_i32_0 = arith.constant 0 : i32
    %c0_i32_1 = arith.constant 0 : i32
    return %c0_i32, %c0_i32_0 : i32, i32
  }
  func.func @transform_7(%arg0: i32) -> (i32, i32) {
    %c0_i32 = arith.constant 0 : i32
    %c0_i32_0 = arith.constant 0 : i32
    %c0_i32_1 = arith.constant 0 : i32
    return %c0_i32, %c0_i32_0 : i32, i32
  }
  func.func @transform_8(%arg0: i32) -> (i32, i32) {
    %c0_i32 = arith.constant 0 : i32
    %c0_i32_0 = arith.constant 0 : i32
    %c0_i32_1 = arith.constant 0 : i32
    return %c0_i32, %c0_i32_0 : i32, i32
  }
  func.func @transform_9(%arg0: i32) -> (i32, i32) {
    %c0_i32 = arith.constant 0 : i32
    %c0_i32_0 = arith.constant 0 : i32
    %c0_i32_1 = arith.constant 0 : i32
    return %c0_i32, %c0_i32_0 : i32, i32
  }
  func.func @transform_10(%arg0: i32) -> (i32, i32) {
    %c0_i32 = arith.constant 0 : i32
    %c0_i32_0 = arith.constant 0 : i32
    %c0_i32_1 = arith.constant 0 : i32
    return %c0_i32, %c0_i32_0 : i32, i32
  }
  func.func @transform_11(%arg0: i32) -> (i32, i32) {
    %c0_i32 = arith.constant 0 : i32
    %c0_i32_0 = arith.constant 0 : i32
    %c0_i32_1 = arith.constant 0 : i32
    return %c0_i32, %c0_i32_0 : i32, i32
  }
  func.func @transform_12(%arg0: i32) -> (i32, i32) {
    %c0_i32 = arith.constant 0 : i32
    %c0_i32_0 = arith.constant 0 : i32
    %c0_i32_1 = arith.constant 0 : i32
    return %c0_i32, %c0_i32_0 : i32, i32
  }
  func.func @transform_13(%arg0: i32) -> (i32, i32) {
    %c0_i32 = arith.constant 0 : i32
    %c0_i32_0 = arith.constant 0 : i32
    %c0_i32_1 = arith.constant 0 : i32
    return %c0_i32, %c0_i32_0 : i32, i32
  }
}

</mosaic_0001>

<sc_bundles>
// kernel: kernel.11.cloned.1.call-start
scs
__scs_entry_jumppad:
0x0: {  	(pc) =	sbr.rel $0x88, $3  }
0x1: {  	(tag) =	ssettag $0x0;
	lr =	simm.s32 $0x1  }
0x2: {  	[smem:$0x3F8B] =	sst lr;
	_ =	strace $0xD0000000  }
0x3: {  	_ = 	snop  }
0x4: {  	_ = 	snop  }
0x5: {  	_ = 	snop  }
0x6: {  	_ = 	snop  }
0x7: {  	_ = 	snop  }
__scs_overlays_trampoline_lowered:
0x8: {  	[smem:$0x3F9A] =	sst s0  }
0x9: {  	[smem:$0x3F9B] =	sst s1  }
0xa: {  	[smem:$0x3F9C] =	sst s2  }
0xb: {  	[smem:$0x3F9D] =	sst s3  }
0xc: {  	[smem:$0x3F9E] =	sst s4  }
0xd: {  	[smem:$0x3F9F] =	sst s5  }
0xe: {  	[smem:$0x3FA0] =	sst s6  }
0xf: {  	[smem:$0x3FA1] =	sst s7  }
0x10: {  	[smem:$0x3FA2] =	sst s8  }
0x11: {  	[smem:$0x3FA3] =	sst s9;
	s0 =	simm.s32 @!p0 $0x0  }
0x12: {  	s1 =	sld [smem:$0x3F89];
	s0 =	simm.s32 @p0 $0x1  }
0x13: {  	[smem:$0x3FA4] =	sst s0;
	s0 =	simm.s32 @!p1 $0x0  }
0x14: {  	s2 =	sld [smem:$0x3F88];
	s0 =	simm.s32 @p1 $0x1  }
0x15: {  	[smem:$0x3FA5] =	sst s0;
	s0 =	simm.s32 @!p2 $0x0  }
0x16: {  	s3 =	sld [smem:$0x3FDB];
	s0 =	simm.s32 @p2 $0x1  }
0x17: {  	s4 =	simm.s32 $0x1BF5;
	[smem:$0x3FA7] =	sst s0  }
0x18: {  	s0 =	sld [smem:$0x3F8A];
	_ =	swait.ge [sflag:s4], $0x0  }
0x19: {  	s7 =	sld [smem:$0x3F8B]  }
0x1a: {  	s8 =	sadd.s32 $0xFFFFE003, lr  }
0x1b: {  	s9 =	sadd.s32 $0xFFFFFEF7, lr;
	s5 =	simm.s32 $0xFFFFFFFF;
	p2 =	slt.u32 s8, $0xFFFFF086  }
0x1c: {  	p1 =	slt.u32 s9, $0xF7A;
	s5 =	simm.s32 @!p2 $0x0  }
0x1d: {  	s5 =	simm.s32 @p1 $0x1;
	p0 =	seq.s32 s7, s2  }
0x1e: {  	s7 =	smul.u32 @!p0 $0xF7A, s2;
	p2 =	seq.s32 @!p0 s5, $0x0  }
0x1f: {  	s9 =	smul.u32 $0xF7A, s1;
	s8 =	simm.s32 @!p0 $0x1BF5;
	p2 =	por !p2, p0  }
0x20: {  	[sflag:s8] =	ssyncset.s32 @!p0 $0xFFFFF086;
	s6 =	sadd.s32 @!p0 s3, s7;
	s7 =	simm.s32 @!p0 $0x108  }
0x21: {  	s3 =	sadd.s32 s3, s9;
	s6 =	sadd.s32 @!p0 $0x88, s6;
	s7 =	simm.s32 @p2 $0x1082  }
0x22: {  	[simem:s7], [sflag:s8] =	dma.local @!p0 [hbm:s6], $0xF7A  }
0x23: {  	s9 =	sor.u32 $0xD0000000, s2;
	s6 =	simm.s32 $0x108;
	_ =	swait.ge @!p0 [sflag:s8], $0x0  }
0x24: {  	s3 =	sadd.s32 $0x88, s3;
	s6 =	simm.s32 @!p1 $0x1082;
	[sflag:s4] =	ssyncset.s32 $0xFFFFF086  }
0x25: {  	[simem:s6], [sflag:s4] =	dma.local [hbm:s3], $0xF7A  }
0x26: {  	[smem:$0x3F8B] =	sst s1;
	(tag) =	ssettag s2;
	_ =	strace s9  }
0x27: {  	s1 =	sld [smem:$0x3F9B]  }
0x28: {  	s2 =	sld [smem:$0x3F9C]  }
0x29: {  	s4 =	sld [smem:$0x3F9E]  }
0x2a: {  	p0 =	seq.s32 s5, $0x0;
	s5 =	sld [smem:$0x3F9F]  }
0x2b: {  	s6 =	sld [smem:$0x3FA0]  }
0x2c: {  	s7 =	sld [smem:$0x3FA1]  }
0x2d: {  	s3 =	simm.s32 $0x108;
	s8 =	sld [smem:$0x3FA2]  }
0x2e: {  	s3 =	simm.s32 @!p0 $0x1082;
	s9 =	sld [smem:$0x3FA3]  }
0x2f: {  	lr =	sadd.s32 s0, s3;
	s0 =	sld [smem:$0x3F9A]  }
0x30: {  	s3 =	sld [smem:$0x3F9D]  }
0x31: {  	[smem:$0x3FA6] =	sst s10  }
0x32: {  	s10 =	sld [smem:$0x3FA4];
	_ =	sdelay $0x3  }
0x33: {  	p0 =	seq.s32 s10, $0x1;
	s10 =	sld [smem:$0x3FA6];
	_ =	sdelay $0x3  }
0x34: {  	[smem:$0x3FA6] =	sst s10  }
0x35: {  	s10 =	sld [smem:$0x3FA5];
	_ =	sdelay $0x3  }
0x36: {  	p1 =	seq.s32 s10, $0x1;
	s10 =	sld [smem:$0x3FA6];
	_ =	sdelay $0x3  }
0x37: {  	[smem:$0x3FA6] =	sst s10  }
0x38: {  	s10 =	sld [smem:$0x3FA7]  }
0x39: {  	_ = 	snop;
	(pc) =	sbr.ind lr, $3  }
0x3a: {  	_ = 	snop  }
0x3b: {  	_ = 	snop  }
0x3c: {  	p2 =	seq.s32 s10, $0x1;
	s10 =	sld [smem:$0x3FA6]  }
0x3d: {  	_ =	shalt  }
0x3e: {  	_ =	shalt  }
0x3f: {  	_ =	shalt  }
0x40: {  	_ =	shalt  }
0x41: {  	_ =	shalt  }
0x42: {  	_ =	shalt  }
0x43: {  	_ =	shalt  }
0x44: {  	_ =	shalt  }
0x45: {  	_ =	shalt  }
0x46: {  	_ =	shalt  }
0x47: {  	_ =	shalt  }
0x48: {  	_ =	shalt  }
0x49: {  	_ =	shalt  }
0x4a: {  	_ =	shalt  }
0x4b: {  	_ =	shalt  }
0x4c: {  	_ =	shalt  }
0x4d: {  	_ =	shalt  }
0x4e: {  	_ =	shalt  }
0x4f: {  	_ =	shalt  }
0x50: {  	_ =	shalt  }
0x51: {  	_ =	shalt  }
0x52: {  	_ =	shalt  }
0x53: {  	_ =	shalt  }
0x54: {  	_ =	shalt  }
0x55: {  	_ =	shalt  }
0x56: {  	_ =	shalt  }
0x57: {  	_ =	shalt  }
0x58: {  	_ =	shalt  }
0x59: {  	_ =	shalt  }
0x5a: {  	_ =	shalt  }
0x5b: {  	_ =	shalt  }
0x5c: {  	_ =	shalt  }
0x5d: {  	_ =	shalt  }
0x5e: {  	_ =	shalt  }
0x5f: {  	_ =	shalt  }
0x60: {  	_ =	shalt  }
0x61: {  	_ =	shalt  }
0x62: {  	_ =	shalt  }
0x63: {  	_ =	shalt  }
0x64: {  	_ =	shalt  }
0x65: {  	_ =	shalt  }
0x66: {  	_ =	shalt  }
0x67: {  	_ =	shalt  }
0x68: {  	_ =	shalt  }
0x69: {  	_ =	shalt  }
0x6a: {  	_ =	shalt  }
0x6b: {  	_ =	shalt  }
0x6c: {  	_ =	shalt  }
0x6d: {  	_ =	shalt  }
0x6e: {  	_ =	shalt  }
0x6f: {  	_ =	shalt  }
0x70: {  	_ =	shalt  }
0x71: {  	_ =	shalt  }
0x72: {  	_ =	shalt  }
0x73: {  	_ =	shalt  }
0x74: {  	_ =	shalt  }
0x75: {  	_ =	shalt  }
0x76: {  	_ =	shalt  }
0x77: {  	_ =	shalt  }
0x78: {  	_ =	shalt  }
0x79: {  	_ =	shalt  }
0x7a: {  	_ =	shalt  }
0x7b: {  	_ =	shalt  }
0x7c: {  	_ =	shalt  }
0x7d: {  	_ =	shalt  }
0x7e: {  	_ =	shalt  }
0x7f: {  	_ =	shalt  }
0x80: {  	_ =	shalt  }
0x81: {  	_ =	shalt  }
0x82: {  	_ =	shalt  }
0x83: {  	_ =	shalt  }
0x84: {  	_ =	shalt  }
0x85: {  	_ =	shalt  }
0x86: {  	_ =	shalt  }
0x87: {  	_ =	shalt  }
.Lfunc_end0:
.L_simem_size_0:
called_computation.1_lowered:
.L_overlay_start_0:
0x88: {  	s2 =	sld [smem:$0x3FD9]  }
0x89: {  	s3 =	sld [smem:$0x3FFE];
	_ =	sdelay $0x1  }
0x8a: {  	s1 =	srdreg.scid  }
0x8b: {  	s0 =	sand.u32 $0x1, s1  }
0x8c: {  	s16 =	sshll.u32 s0, $0xA;
	s2 =	sadd.s32 s3, s2  }
0x8d: {  	s2 =	sadd.s32 s2, s16  }
0x8e: {  	[smem:$0x3FB2] =	sst s2  }
0x8f: {  	_ = 	snop  }
0x90: {  	(tm) =	ssettm $0x1  }
0x91: {  	s17 =	sld [smem:$0x3FFB];
	_ =	sdelay $0x3  }
0x92: {  	_ =	strace s17  }
0x93: {  	s2 =	sld [smem:$0x3FFC];
	_ =	sdelay $0x3  }
0x94: {  	_ =	strace s2  }
0x95: {  	s2 =	sld [smem:$0x3FFD];
	_ =	sdelay $0x3  }
0x96: {  	_ =	strace s2  }
0x97: {  	_ =	strace $0x8FFFFFFF  }
0x98: {  	s18 =	sld [smem:$0x3FDB];
	_ =	sdelay $0x1  }
0x99: {  	s19 =	simm.s32 $_scs_section_size  }
0x9a: {  	s4 =	simm.s32 $_size__tile_overlayer_lowered;
	s5 =	simm.s32 $_tile_overlayer_lowered  }
0x9b: {  	s22 =	simm.s32 $0x1BFF;
	s21 =	sshll.u32 s5, $0x1;
	s2 =	sadd.s32 s19, s18  }
0x9c: {  	s6 =	simm.s32 $0x0;
	s20 =	sshll.u32 s4, $0x1;
	s4 =	sadd.s32 s21, s2  }
0x9d: {  	[timem:s6], [sflag:s22] =	dma.local [hbm:s4], s20  }
0x9e: {  	_ =	swait.ge [sflag:s22], s20  }
0x9f: {  	s3 =	ssub.s32 $0x0, s20;
	[sflag:s22] =	ssyncset.done $0x0  }
0xa0: {  	[sflag:s22] =	ssyncadd.s32 s3;
	_ =	sdelay $0x1  }
0xa1: {  	s23 =	simm.s32 $0x1B8B  }
0xa2: {  	_ =	swait.ge [sflag:s23], $0x1  }
0xa3: {  	[sflag:s23] =	ssyncset.done $0x0  }
0xa4: {  	s25 =	simm.s32 $0x1B8E;
	s24 =	sld [smem:$0x3FFE];
	[sflag:s23] =	ssyncadd.s32 $0xFFFFFFFF  }
0xa5: {  	s26 =	simm.s32 $execute0_lowered;
	[smem:$0x3FD2] =	sst s25  }
0xa6: {  	s4 =	sshll.u32 s26, $0x1;
	_ =	strace $0x80000049;
	[dreg:$0x1] =	wrdreg $0xFFFFFFFF  }
0xa7: {  	s28 =	simm.s32 $_size_execute0_lowered;
	s2 =	sadd.s32 s2, s4;
	[dreg:$0x0] =	wrdreg $0x0  }
0xa8: {  	s4 =	sshll.u32 s28, $0x1;
	[dreg:$0x2] =	wrdreg s2  }
0xa9: {  	[dreg:$0x3] =	wrdreg s4  }
0xaa: {  	[dreg:$0x4] =	wrdreg $0xC0  }
0xab: {  	_ =	task [dreg:s6], $0x5FFFF  }
0xac: {  	[dreg:$0x1] =	wrdreg $0xFFFFFFFF  }
0xad: {  	[dreg:$0x0] =	wrdreg $0x60  }
0xae: {  	[dreg:$0x2] =	wrdreg s24  }
0xaf: {  	[dreg:$0x3] =	wrdreg $0xA8000  }
0xb0: {  	[dreg:$0x4] =	wrdreg $0x9  }
0xb1: {  	_ =	task.clear_ibuf [dreg:s6], $0x5FFFF;
	_ =	strace $0x90000049  }
0xb2: {  	s29 =	simm.s32 $0x9;
	_ =	strace $0x8000004B  }
0xb3: {  	_ =	swait.ge [sflag:s29], $0x1  }
0xb4: {  	[sflag:s29] =	ssyncadd.s32 $0xFFFFFFFF  }
0xb5: {  	_ =	strace $0x9000004B  }
0xb6: {  	_ =	sfence  }
0xb7: {  	s30 =	sld [smem:$0x0];
	_ =	sdelay $0x2  }
0xb8: {  	s31 =	sshll.u32 s1, $0xD;
	s1 =	sshrl.u32 s1, $0x2  }
0xb9: {  	s3 =	sand.u32 $0x4000, s31;
	s1 =	sadd.s32 s1, s30  }
0xba: {  	s0 =	sor.u32 s3, s0;
	s1 =	sshll.u32 s1, $0x11  }
0xbb: {  	s0 =	sor.u32 s1, s0  }
0xbc: {  	s0 =	sadd.s32 $0x8F2B, s0  }
0xbd: {  	[sflag:s0] =	ssyncadd.remote.s32 $0x1  }
0xbe: {  	_ =	sfence.sel $0xFFFF  }
0xbf: {  	[dreg:$0x0] =	wrdreg $0xFFFFFFFF;
	(pc) =	sbr.abs _section_cstart, $3  }
0xc0: {  	[dreg:$0x1] =	wrdreg $0xFFFFFFFF  }
0xc1: {  	_ =	task.clear_ibuf [dreg:s6], $0x2FFFF;
	_ =	strace $0x9FFFFFFF  }
0xc2: {  	(tm) =	ssettm $0x7FFFFFFF  }
0xc3: {  	_ =	shalt  }
tec
execute0_lowered:
.L_overlay_start_1:
0x0: {  	(tag) =	ssettag $0x1  }
0x1: {  	s6 =	rddreg [dreg:$0x0]  }
0x2: {  	s1 =	rddreg [dreg:$0x1]  }
0x3: {  	s0 =	rddreg [dreg:$0x2];
	s2 =	simm.s32 $0x0;
	s14 =	stileid.u32  }
0x4: {  	s4 =	srdreg.scid;
	s20 =	simm.s32 $0x6800;
	s21 =	simm.s32 $0x1  }
0x5: {  	s22 =	simm.s32 $0x2;
	s23 =	simm.s32 $0x2700;
	s24 =	simm.s32 $0x2780  }
0x6: {  	s25 =	simm.s32 $0x0;
	[smem:$0x7FF] =	sst s2;
	s3 =	sadd.s32 $0x3EC00, s6  }
0x7: {  	s9 =	sadd.s32 $0x3A00, s6;
	s10 =	smul.u32 $0x2700, s14;
	s11 =	sadd.s32 $0xDA00, s6  }
0x8: {  	s7 =	sand.u32 $0x1, s4;
	s28 =	smul.u32 $0x4E000, s14;
	s12 =	sadd.s32 $0x65E00, s6  }
0x9: {  	s31 =	sshll.u32 s14, $0x6;
	s16 =	sadd.s32 $0x138000, s1;
	p0 =	sne.s32 s14, $0x0  }
0xa: {  	_ =	strace $0x8000004A;
	s8 =	ssub.s32 $0x2, s7;
	s17 =	smul.u32 $0x27100, s7  }
0xb: {  	s15 =	sshll.u32 s7, $0x4;
	s19 =	smul.u32 $0x138800, s7;
	s16 =	sshrl.u32 @!p0 s16, $0x3  }
0xc: {  	s5 =	sadd.s32 s10, s6;
	s13 =	sshrl.u32 s8, $0x1;
	s4 =	sshrl.u32 s28, $0x2  }
0xd: {  	s29 =	sor.u32 s14, s15;
	s6 =	sadd.s32 $0x3EA00, s6;
	s15 =	simm.s32 $0x3  }
0xe: {  	s13 =	ssub.s32 s8, s13;
	s30 =	sadd.s32 s4, s1;
	s8 =	smul.u32 $0x2800, s29  }
0xf: {  	s4 =	sadd.s32 $0x17A00, s5;
	s5 =	sor.u32 $0x1C03, s31;
	s17 =	sadd.s32 s10, s17  }
0x10: {  	s19 =	sshrl.u32 s19, $0x3;
	s13 =	smax.u32 s13, $0x1;
	s18 =	sshrl.u32 s8, $0x3  }
0x11: {  	s7 =	sadd.s32 s9, s18;
	s8 =	sadd.s32 s11, s18;
	s18 =	sadd.s32 $0x280, s18  }
0x12: {  	s14 =	sshrl.u32 s30, $0x3;
	s9 =	sadd.s32 s9, s18;
	s10 =	sadd.s32 s11, s18  }
0x13: {  	s11 =	sadd.s32 s12, s17;
	s12 =	sadd.s32 s12, s19;
	s17 =	simm.s32 $0x1400  }
0x14: {  	s18 =	simm.s32 $0x80;
	s19 =	simm.s32 $0x2800;
	s12 =	sadd.s32 $0x27000, s12  }
.LBB2_1:
0x15: {  	[spmem:s14], [sflag:s5] =	dma.local [hbm:s4], $0x2700  }
0x16: {  	_ =	swait.ge [sflag:s15], $0x2700  }
0x17: {  	[sflag:s15] =	ssyncset.done $0x0  }
0x18: {  	s26 =	simm.s32 @!p0 $0x3;
	[sflag:s15] =	ssyncadd.s32 $0xFFFFD900  }
0x19: {  	[spmem:s16], [sflag:s5] =	dma.local @!p0 [hbm:s6], $0x200  }
0x1a: {  	_ =	swait.ge @!p0 [sflag:s26], $0x200  }
0x1b: {  	[sflag:s26] =	ssyncset.done @!p0 $0x0  }
0x1c: {  	[sflag:s26] =	ssyncadd.s32 @!p0 $0xFFFFFE00  }
0x1d: {  	[bflag:$0x0] =	sbarrier.arrive $0xFFFF  }
0x1e: {  	[tilespmem:s2], [sflag:$0x3] =	stream.linear.gather [hbm4b:s7+s2], $0x1400, $0x38;
	[tilespmem:$0x1E100] =	vst v63  }
0x1f: {  	_ =	swait.ge [sflag:s15], $0x1400  }
0x20: {  	[sflag:s15] =	ssyncset.done $0x0  }
0x21: {  	[sflag:s15] =	ssyncadd.s32 $0xFFFFEC00  }
0x22: {  	[tilespmem:s17], [sflag:$0x3] =	stream.linear.gather [hbm4b:s8+s2], $0x1400, $0x38;
	[tilespmem:$0x1E100] =	vst v63  }
0x23: {  	_ =	swait.ge [sflag:s15], $0x1400  }
0x24: {  	[sflag:s15] =	ssyncset.done $0x0  }
0x25: {  	[sflag:s15] =	ssyncadd.s32 $0xFFFFEC00  }
0x26: {  	[tilespmem:s19], [sflag:$0x1] =	stream.indirect.gather [hbm4b:s3+s18], $0x80, s2, s18, $0xb8;
	[tilespmem:$0x1E100] =	vst v63  }
0x27: {  	_ = 	snop  }
0x28: {  	[tilespmem:s20], [sflag:$0x2] =	stream.indirect.gather [hbm4b:s3+s18], $0x80, s18, s18, $0xb8;
	[tilespmem:$0x1E100] =	vst v63  }
0x29: {  	_ =	swait.ge [sflag:s21], $0x4000  }
0x2a: {  	[sflag:s21] =	ssyncset.done $0x0  }
0x2b: {  	s29 =	simm.s32 $0x1400;
	[sflag:s21] =	ssyncadd.s32 $0xFFFFC000  }
0x2c: {  	[spmem:s1] =	stream.indirect.scatter.add.f32 [tilespmem:s19], [sflag:$0x3], $0x80, s29, s18, $0xb8;
	[tilespmem:$0x1E100] =	vst v63  }
0x2d: {  	_ =	swait.ge [sflag:s15], $0x4000  }
0x2e: {  	[sflag:s15] =	ssyncset.done $0x0  }
0x2f: {  	s30 =	simm.s32 $0x100;
	[sflag:s15] =	ssyncadd.s32 $0xFFFFC000  }
0x30: {  	[tilespmem:s19], [sflag:$0x1] =	stream.indirect.gather [hbm4b:s3+s18], $0x80, s30, s18, $0xb8;
	[tilespmem:$0x1E100] =	vst v63  }
0x31: {  	_ =	swait.ge [sflag:s22], $0x4000  }
0x32: {  	[sflag:s22] =	ssyncset.done $0x0  }
0x33: {  	s31 =	simm.s32 $0x1480;
	[sflag:s22] =	ssyncadd.s32 $0xFFFFC000  }
0x34: {  	[spmem:s1] =	stream.indirect.scatter.add.f32 [tilespmem:s20], [sflag:$0x3], $0x80, s31, s18, $0xb8;
	[tilespmem:$0x1E100] =	vst v63  }
0x35: {  	_ =	swait.ge [sflag:s15], $0x4000  }
0x36: {  	[sflag:s15] =	ssyncset.done $0x0  }
0x37: {  	s28 =	simm.s32 $0x180;
	s26 =	simm.s32 $0x400;
	[sflag:s15] =	ssyncadd.s32 $0xFFFFC000  }
.LBB2_2:
0x38: {  	[tilespmem:s20], [sflag:$0x2] =	stream.indirect.gather [hbm4b:s3+s18], $0x80, s28, s18, $0xb8;
	[tilespmem:$0x1E100] =	vst v63  }
0x39: {  	s28 =	smov.u32 s26  }
0x3a: {  	p1 =	sne.s32 s26, $0x4800;
	s26 =	sadd.s32 $0x400, s26;
	_ =	swait.ge [sflag:s21], $0x4000  }
0x3b: {  	s28 =	sshra.s32 s28, $0x2;
	[sflag:s21] =	ssyncset.done $0x0  }
0x3c: {  	s29 =	sadd.s32 $0x1400, s28;
	[sflag:s21] =	ssyncadd.s32 $0xFFFFC000  }
0x3d: {  	[spmem:s1] =	stream.indirect.scatter.add.f32 [tilespmem:s19], [sflag:$0x3], $0x80, s29, s18, $0xb8;
	[tilespmem:$0x1E100] =	vst v63  }
0x3e: {  	_ =	swait.ge [sflag:s15], $0x4000  }
0x3f: {  	[sflag:s15] =	ssyncset.done $0x0  }
0x40: {  	s29 =	sadd.s32 $0x100, s28;
	[sflag:s15] =	ssyncadd.s32 $0xFFFFC000  }
0x41: {  	[tilespmem:s19], [sflag:$0x1] =	stream.indirect.gather [hbm4b:s3+s18], $0x80, s29, s18, $0xb8;
	[tilespmem:$0x1E100] =	vst v63  }
0x42: {  	_ =	swait.ge [sflag:s22], $0x4000  }
0x43: {  	[sflag:s22] =	ssyncset.done $0x0  }
.Ltmp0:
0x44: {  	s29 =	sadd.s32 $0x1480, s28;
	[sflag:s22] =	ssyncadd.s32 $0xFFFFC000;
	(pc) =	sbr.rel @p1 .LBB2_2-.Ltmp0, $4  }
0x45: {  	[spmem:s1] =	stream.indirect.scatter.add.f32 [tilespmem:s20], [sflag:$0x3], $0x80, s29, s18, $0xb8;
	[tilespmem:$0x1E100] =	vst v63  }
0x46: {  	_ =	swait.ge [sflag:s15], $0x4000  }
0x47: {  	[sflag:s15] =	ssyncset.done $0x0  }
0x48: {  	s28 =	sadd.s32 $0x180, s28;
	[sflag:s15] =	ssyncadd.s32 $0xFFFFC000  }
0x49: {  	[tilespmem:s20], [sflag:$0x2] =	stream.indirect.gather [hbm4b:s3+s18], $0x80, s28, s18, $0xb8;
	[tilespmem:$0x1E100] =	vst v63  }
0x4a: {  	_ =	swait.ge [sflag:s21], $0x4000  }
0x4b: {  	[sflag:s21] =	ssyncset.done $0x0  }
0x4c: {  	[sflag:s21] =	ssyncadd.s32 $0xFFFFC000  }
0x4d: {  	[spmem:s1] =	stream.indirect.scatter.add.f32 [tilespmem:s19], [sflag:$0x3], $0x80, s23, s18, $0xb8;
	[tilespmem:$0x1E100] =	vst v63  }
0x4e: {  	_ =	swait.ge [sflag:s15], $0x4000  }
0x4f: {  	[sflag:s15] =	ssyncset.done $0x0  }
0x50: {  	[sflag:s15] =	ssyncadd.s32 $0xFFFFC000  }
0x51: {  	_ =	swait.ge [sflag:s22], $0x4000  }
0x52: {  	[sflag:s22] =	ssyncset.done $0x0  }
0x53: {  	[sflag:s22] =	ssyncadd.s32 $0xFFFFC000  }
0x54: {  	[spmem:s1] =	stream.indirect.scatter.add.f32 [tilespmem:s20], [sflag:$0x3], $0x80, s24, s18, $0xb8;
	[tilespmem:$0x1E100] =	vst v63  }
0x55: {  	_ =	swait.ge [sflag:s15], $0x4000  }
0x56: {  	[sflag:s15] =	ssyncset.done $0x0  }
0x57: {  	s26 =	simm.s32 $0x0;
	[sflag:s15] =	ssyncadd.s32 $0xFFFFC000  }
0x58: {  	[tilespmem:s26], [sflag:$0x3] =	stream.linear.gather [hbm4b:s9+s26], $0x1400, $0x38;
	[tilespmem:$0x1E100] =	vst v63  }
0x59: {  	_ =	swait.ge [sflag:s15], $0x1400  }
0x5a: {  	[sflag:s15] =	ssyncset.done $0x0  }
0x5b: {  	[sflag:s15] =	ssyncadd.s32 $0xFFFFEC00  }
0x5c: {  	[tilespmem:s17], [sflag:$0x3] =	stream.linear.gather [hbm4b:s10+s26], $0x1400, $0x38;
	[tilespmem:$0x1E100] =	vst v63  }
0x5d: {  	_ =	swait.ge [sflag:s15], $0x1400  }
0x5e: {  	[sflag:s15] =	ssyncset.done $0x0  }
0x5f: {  	[sflag:s15] =	ssyncadd.s32 $0xFFFFEC00  }
0x60: {  	[tilespmem:s19], [sflag:$0x1] =	stream.indirect.gather [hbm4b:s3+s18], $0x80, s26, s18, $0xb8;
	[tilespmem:$0x1E100] =	vst v63  }
0x61: {  	_ = 	snop  }
0x62: {  	[tilespmem:s20], [sflag:$0x2] =	stream.indirect.gather [hbm4b:s3+s18], $0x80, s18, s18, $0xb8;
	[tilespmem:$0x1E100] =	vst v63  }
0x63: {  	_ =	swait.ge [sflag:s21], $0x4000  }
0x64: {  	[sflag:s21] =	ssyncset.done $0x0  }
0x65: {  	s29 =	simm.s32 $0x1400;
	[sflag:s21] =	ssyncadd.s32 $0xFFFFC000  }
0x66: {  	[spmem:s1] =	stream.indirect.scatter.add.f32 [tilespmem:s19], [sflag:$0x3], $0x80, s29, s18, $0xb8;
	[tilespmem:$0x1E100] =	vst v63  }
0x67: {  	_ =	swait.ge [sflag:s15], $0x4000  }
0x68: {  	[sflag:s15] =	ssyncset.done $0x0  }
0x69: {  	s30 =	simm.s32 $0x100;
	[sflag:s15] =	ssyncadd.s32 $0xFFFFC000  }
0x6a: {  	[tilespmem:s19], [sflag:$0x1] =	stream.indirect.gather [hbm4b:s3+s18], $0x80, s30, s18, $0xb8;
	[tilespmem:$0x1E100] =	vst v63  }
0x6b: {  	_ =	swait.ge [sflag:s22], $0x4000  }
0x6c: {  	[sflag:s22] =	ssyncset.done $0x0  }
0x6d: {  	s31 =	simm.s32 $0x1480;
	[sflag:s22] =	ssyncadd.s32 $0xFFFFC000  }
0x6e: {  	[spmem:s1] =	stream.indirect.scatter.add.f32 [tilespmem:s20], [sflag:$0x3], $0x80, s31, s18, $0xb8;
	[tilespmem:$0x1E100] =	vst v63  }
0x6f: {  	_ =	swait.ge [sflag:s15], $0x4000  }
0x70: {  	[sflag:s15] =	ssyncset.done $0x0  }
0x71: {  	s28 =	simm.s32 $0x180;
	s26 =	simm.s32 $0x400;
	[sflag:s15] =	ssyncadd.s32 $0xFFFFC000  }
.LBB2_4:
0x72: {  	[tilespmem:s20], [sflag:$0x2] =	stream.indirect.gather [hbm4b:s3+s18], $0x80, s28, s18, $0xb8;
	[tilespmem:$0x1E100] =	vst v63  }
0x73: {  	s28 =	smov.u32 s26  }
0x74: {  	p1 =	sne.s32 s26, $0x4800;
	s26 =	sadd.s32 $0x400, s26;
	_ =	swait.ge [sflag:s21], $0x4000  }
0x75: {  	s28 =	sshra.s32 s28, $0x2;
	[sflag:s21] =	ssyncset.done $0x0  }
0x76: {  	s29 =	sadd.s32 $0x1400, s28;
	[sflag:s21] =	ssyncadd.s32 $0xFFFFC000  }
0x77: {  	[spmem:s1] =	stream.indirect.scatter.add.f32 [tilespmem:s19], [sflag:$0x3], $0x80, s29, s18, $0xb8;
	[tilespmem:$0x1E100] =	vst v63  }
0x78: {  	_ =	swait.ge [sflag:s15], $0x4000  }
0x79: {  	[sflag:s15] =	ssyncset.done $0x0  }
0x7a: {  	s29 =	sadd.s32 $0x100, s28;
	[sflag:s15] =	ssyncadd.s32 $0xFFFFC000  }
0x7b: {  	[tilespmem:s19], [sflag:$0x1] =	stream.indirect.gather [hbm4b:s3+s18], $0x80, s29, s18, $0xb8;
	[tilespmem:$0x1E100] =	vst v63  }
0x7c: {  	_ =	swait.ge [sflag:s22], $0x4000  }
0x7d: {  	[sflag:s22] =	ssyncset.done $0x0  }
.Ltmp1:
0x7e: {  	s29 =	sadd.s32 $0x1480, s28;
	[sflag:s22] =	ssyncadd.s32 $0xFFFFC000;
	(pc) =	sbr.rel @p1 .LBB2_4-.Ltmp1, $4  }
0x7f: {  	[spmem:s1] =	stream.indirect.scatter.add.f32 [tilespmem:s20], [sflag:$0x3], $0x80, s29, s18, $0xb8;
	[tilespmem:$0x1E100] =	vst v63  }
0x80: {  	_ =	swait.ge [sflag:s15], $0x4000  }
0x81: {  	[sflag:s15] =	ssyncset.done $0x0  }
0x82: {  	s28 =	sadd.s32 $0x180, s28;
	[sflag:s15] =	ssyncadd.s32 $0xFFFFC000  }
0x83: {  	[tilespmem:s20], [sflag:$0x2] =	stream.indirect.gather [hbm4b:s3+s18], $0x80, s28, s18, $0xb8;
	[tilespmem:$0x1E100] =	vst v63  }
0x84: {  	_ =	swait.ge [sflag:s21], $0x4000  }
0x85: {  	[sflag:s21] =	ssyncset.done $0x0  }
0x86: {  	[sflag:s21] =	ssyncadd.s32 $0xFFFFC000  }
0x87: {  	[spmem:s1] =	stream.indirect.scatter.add.f32 [tilespmem:s19], [sflag:$0x3], $0x80, s23, s18, $0xb8;
	[tilespmem:$0x1E100] =	vst v63  }
0x88: {  	_ =	swait.ge [sflag:s15], $0x4000  }
0x89: {  	[sflag:s15] =	ssyncset.done $0x0  }
0x8a: {  	[sflag:s15] =	ssyncadd.s32 $0xFFFFC000  }
0x8b: {  	_ =	swait.ge [sflag:s22], $0x4000  }
0x8c: {  	[sflag:s22] =	ssyncset.done $0x0  }
0x8d: {  	[sflag:s22] =	ssyncadd.s32 $0xFFFFC000  }
0x8e: {  	[spmem:s1] =	stream.indirect.scatter.add.f32 [tilespmem:s20], [sflag:$0x3], $0x80, s24, s18, $0xb8;
	[tilespmem:$0x1E100] =	vst v63  }
0x8f: {  	_ =	swait.ge [sflag:s15], $0x4000  }
0x90: {  	[sflag:s15] =	ssyncset.done $0x0  }
0x91: {  	[sflag:s15] =	ssyncadd.s32 $0xFFFFC000  }
0x92: {  	[bflag:$0x0] =	sbarrier.arrive $0xFFFF  }
0x93: {  	[hbm:s11], [sflag:s5] =	dma.local [spmem:s14], $0x2700  }
0x94: {  	s25 =	sadd.s32 $0x1, s25;
	_ =	swait.ge [sflag:s15], $0x2700  }
0x95: {  	p1 =	sne.s32 s25, s13;
	[sflag:s15] =	ssyncset.done $0x0  }
.Ltmp2:
0x96: {  	s26 =	simm.s32 @!p0 $0x3;
	[sflag:s15] =	ssyncadd.s32 $0xFFFFD900;
	(pc) =	sbr.rel @p1 .LBB2_1-.Ltmp2, $4  }
0x97: {  	[hbm:s12], [sflag:s5] =	dma.local @!p0 [spmem:s16], $0x100  }
0x98: {  	_ =	swait.ge @!p0 [sflag:s26], $0x100  }
0x99: {  	[sflag:s26] =	ssyncset.done @!p0 $0x0  }
0x9a: {  	[sflag:s26] =	ssyncadd.s32 @!p0 $0xFFFFFF00  }
0x9b: {  	_ =	sfence.sel $0x180000  }
0x9c: {  	[bflag:$0x0] =	sbarrier.arrive $0xFFFF  }
0x9d: {  	_ =	strace $0x9000004A  }
0x9e: {  	s0 =	sadd.s32 @!p0 $0x100000, s0;
	[bflag:$0x2] =	sbarrier.arrive $0xFFFF  }
0x9f: {  	[sflag:s0] =	ssyncadd.tile.s32 @!p0 $0x1;
	_ =	shalt  }
.Lfunc_end2:
_tile_overlayer_lowered:
.L_overlay_start_2:
0xa0: {  	(tag) =	ssettag $0x2  }
0xa1: {  	s0 =	rddreg [dreg:$0x0];
	s2 =	stileid.u32  }
0xa2: {  	s1 =	rddreg [dreg:$0x1];
	p0 =	sne.s32 s2, $0x0  }
0xa3: {  	s3 =	rddreg [dreg:$0x2];
	[bflag:$0x3] =	sbarrier.arrive $0xFFFF;
	s2 =	simm.s32 @!p0 $0x1C03  }
0xa4: {  	[timem:s3], [sflag:s2] =	dma.local @!p0 [hbm:s0], s1  }
0xa5: {  	s0 =	simm.s32 @!p0 $0x3  }
0xa6: {  	_ =	swait.ge @!p0 [sflag:s0], s1  }
0xa7: {  	s1 =	ssub.s32 @!p0 $0x0, s1;
	[sflag:s0] =	ssyncset.done @!p0 $0x0  }
0xa8: {  	[sflag:s0] =	ssyncadd.s32 @!p0 s1  }
0xa9: {  	[bflag:$0x3] =	sbarrier.arrive $0xFFFF  }
0xaa: {  	_ =	shalt  }

// kernel: kernel.14.cloned.1.call-start
scs
__scs_entry_jumppad:
0x0: {  	(pc) =	sbr.rel $0x88, $3  }
0x1: {  	(tag) =	ssettag $0x0;
	lr =	simm.s32 $0x1  }
0x2: {  	[smem:$0x3F8B] =	sst lr;
	_ =	strace $0xD0000000  }
0x3: {  	_ = 	snop  }
0x4: {  	_ = 	snop  }
0x5: {  	_ = 	snop  }
0x6: {  	_ = 	snop  }
0x7: {  	_ = 	snop  }
__scs_overlays_trampoline_lowered:
0x8: {  	[smem:$0x3F9A] =	sst s0  }
0x9: {  	[smem:$0x3F9B] =	sst s1  }
0xa: {  	[smem:$0x3F9C] =	sst s2  }
0xb: {  	[smem:$0x3F9D] =	sst s3  }
0xc: {  	[smem:$0x3F9E] =	sst s4  }
0xd: {  	[smem:$0x3F9F] =	sst s5  }
0xe: {  	[smem:$0x3FA0] =	sst s6  }
0xf: {  	[smem:$0x3FA1] =	sst s7  }
0x10: {  	[smem:$0x3FA2] =	sst s8  }
0x11: {  	[smem:$0x3FA3] =	sst s9;
	s0 =	simm.s32 @!p0 $0x0  }
0x12: {  	s1 =	sld [smem:$0x3F89];
	s0 =	simm.s32 @p0 $0x1  }
0x13: {  	[smem:$0x3FA4] =	sst s0;
	s0 =	simm.s32 @!p1 $0x0  }
0x14: {  	s2 =	sld [smem:$0x3F88];
	s0 =	simm.s32 @p1 $0x1  }
0x15: {  	[smem:$0x3FA5] =	sst s0;
	s0 =	simm.s32 @!p2 $0x0  }
0x16: {  	s3 =	sld [smem:$0x3FDB];
	s0 =	simm.s32 @p2 $0x1  }
0x17: {  	s4 =	simm.s32 $0x1BF5;
	[smem:$0x3FA7] =	sst s0  }
0x18: {  	s0 =	sld [smem:$0x3F8A];
	_ =	swait.ge [sflag:s4], $0x0  }
0x19: {  	s7 =	sld [smem:$0x3F8B]  }
0x1a: {  	s8 =	sadd.s32 $0xFFFFE003, lr  }
0x1b: {  	s9 =	sadd.s32 $0xFFFFFEF7, lr;
	s5 =	simm.s32 $0xFFFFFFFF;
	p2 =	slt.u32 s8, $0xFFFFF086  }
0x1c: {  	p1 =	slt.u32 s9, $0xF7A;
	s5 =	simm.s32 @!p2 $0x0  }
0x1d: {  	s5 =	simm.s32 @p1 $0x1;
	p0 =	seq.s32 s7, s2  }
0x1e: {  	s7 =	smul.u32 @!p0 $0xF7A, s2;
	p2 =	seq.s32 @!p0 s5, $0x0  }
0x1f: {  	s9 =	smul.u32 $0xF7A, s1;
	s8 =	simm.s32 @!p0 $0x1BF5;
	p2 =	por !p2, p0  }
0x20: {  	[sflag:s8] =	ssyncset.s32 @!p0 $0xFFFFF086;
	s6 =	sadd.s32 @!p0 s3, s7;
	s7 =	simm.s32 @!p0 $0x108  }
0x21: {  	s3 =	sadd.s32 s3, s9;
	s6 =	sadd.s32 @!p0 $0x88, s6;
	s7 =	simm.s32 @p2 $0x1082  }
0x22: {  	[simem:s7], [sflag:s8] =	dma.local @!p0 [hbm:s6], $0xF7A  }
0x23: {  	s9 =	sor.u32 $0xD0000000, s2;
	s6 =	simm.s32 $0x108;
	_ =	swait.ge @!p0 [sflag:s8], $0x0  }
0x24: {  	s3 =	sadd.s32 $0x88, s3;
	s6 =	simm.s32 @!p1 $0x1082;
	[sflag:s4] =	ssyncset.s32 $0xFFFFF086  }
0x25: {  	[simem:s6], [sflag:s4] =	dma.local [hbm:s3], $0xF7A  }
0x26: {  	[smem:$0x3F8B] =	sst s1;
	(tag) =	ssettag s2;
	_ =	strace s9  }
0x27: {  	s1 =	sld [smem:$0x3F9B]  }
0x28: {  	s2 =	sld [smem:$0x3F9C]  }
0x29: {  	s4 =	sld [smem:$0x3F9E]  }
0x2a: {  	p0 =	seq.s32 s5, $0x0;
	s5 =	sld [smem:$0x3F9F]  }
0x2b: {  	s6 =	sld [smem:$0x3FA0]  }
0x2c: {  	s7 =	sld [smem:$0x3FA1]  }
0x2d: {  	s3 =	simm.s32 $0x108;
	s8 =	sld [smem:$0x3FA2]  }
0x2e: {  	s3 =	simm.s32 @!p0 $0x1082;
	s9 =	sld [smem:$0x3FA3]  }
0x2f: {  	lr =	sadd.s32 s0, s3;
	s0 =	sld [smem:$0x3F9A]  }
0x30: {  	s3 =	sld [smem:$0x3F9D]  }
0x31: {  	[smem:$0x3FA6] =	sst s10  }
0x32: {  	s10 =	sld [smem:$0x3FA4];
	_ =	sdelay $0x3  }
0x33: {  	p0 =	seq.s32 s10, $0x1;
	s10 =	sld [smem:$0x3FA6];
	_ =	sdelay $0x3  }
0x34: {  	[smem:$0x3FA6] =	sst s10  }
0x35: {  	s10 =	sld [smem:$0x3FA5];
	_ =	sdelay $0x3  }
0x36: {  	p1 =	seq.s32 s10, $0x1;
	s10 =	sld [smem:$0x3FA6];
	_ =	sdelay $0x3  }
0x37: {  	[smem:$0x3FA6] =	sst s10  }
0x38: {  	s10 =	sld [smem:$0x3FA7]  }
0x39: {  	_ = 	snop;
	(pc) =	sbr.ind lr, $3  }
0x3a: {  	_ = 	snop  }
0x3b: {  	_ = 	snop  }
0x3c: {  	p2 =	seq.s32 s10, $0x1;
	s10 =	sld [smem:$0x3FA6]  }
0x3d: {  	_ =	shalt  }
0x3e: {  	_ =	shalt  }
0x3f: {  	_ =	shalt  }
0x40: {  	_ =	shalt  }
0x41: {  	_ =	shalt  }
0x42: {  	_ =	shalt  }
0x43: {  	_ =	shalt  }
0x44: {  	_ =	shalt  }
0x45: {  	_ =	shalt  }
0x46: {  	_ =	shalt  }
0x47: {  	_ =	shalt  }
0x48: {  	_ =	shalt  }
0x49: {  	_ =	shalt  }
0x4a: {  	_ =	shalt  }
0x4b: {  	_ =	shalt  }
0x4c: {  	_ =	shalt  }
0x4d: {  	_ =	shalt  }
0x4e: {  	_ =	shalt  }
0x4f: {  	_ =	shalt  }
0x50: {  	_ =	shalt  }
0x51: {  	_ =	shalt  }
0x52: {  	_ =	shalt  }
0x53: {  	_ =	shalt  }
0x54: {  	_ =	shalt  }
0x55: {  	_ =	shalt  }
0x56: {  	_ =	shalt  }
0x57: {  	_ =	shalt  }
0x58: {  	_ =	shalt  }
0x59: {  	_ =	shalt  }
0x5a: {  	_ =	shalt  }
0x5b: {  	_ =	shalt  }
0x5c: {  	_ =	shalt  }
0x5d: {  	_ =	shalt  }
0x5e: {  	_ =	shalt  }
0x5f: {  	_ =	shalt  }
0x60: {  	_ =	shalt  }
0x61: {  	_ =	shalt  }
0x62: {  	_ =	shalt  }
0x63: {  	_ =	shalt  }
0x64: {  	_ =	shalt  }
0x65: {  	_ =	shalt  }
0x66: {  	_ =	shalt  }
0x67: {  	_ =	shalt  }
0x68: {  	_ =	shalt  }
0x69: {  	_ =	shalt  }
0x6a: {  	_ =	shalt  }
0x6b: {  	_ =	shalt  }
0x6c: {  	_ =	shalt  }
0x6d: {  	_ =	shalt  }
0x6e: {  	_ =	shalt  }
0x6f: {  	_ =	shalt  }
0x70: {  	_ =	shalt  }
0x71: {  	_ =	shalt  }
0x72: {  	_ =	shalt  }
0x73: {  	_ =	shalt  }
0x74: {  	_ =	shalt  }
0x75: {  	_ =	shalt  }
0x76: {  	_ =	shalt  }
0x77: {  	_ =	shalt  }
0x78: {  	_ =	shalt  }
0x79: {  	_ =	shalt  }
0x7a: {  	_ =	shalt  }
0x7b: {  	_ =	shalt  }
0x7c: {  	_ =	shalt  }
0x7d: {  	_ =	shalt  }
0x7e: {  	_ =	shalt  }
0x7f: {  	_ =	shalt  }
0x80: {  	_ =	shalt  }
0x81: {  	_ =	shalt  }
0x82: {  	_ =	shalt  }
0x83: {  	_ =	shalt  }
0x84: {  	_ =	shalt  }
0x85: {  	_ =	shalt  }
0x86: {  	_ =	shalt  }
0x87: {  	_ =	shalt  }
.Lfunc_end0:
.L_simem_size_0:
called_computation.2_lowered:
.L_overlay_start_0:
0x88: {  	s2 =	sld [smem:$0x3FD9]  }
0x89: {  	s3 =	sld [smem:$0x3FFE];
	_ =	sdelay $0x1  }
0x8a: {  	s1 =	srdreg.scid  }
0x8b: {  	s0 =	sand.u32 $0x1, s1  }
0x8c: {  	s16 =	sshll.u32 s0, $0xA;
	s2 =	sadd.s32 s3, s2  }
0x8d: {  	s2 =	sadd.s32 s2, s16  }
0x8e: {  	[smem:$0x3FB2] =	sst s2  }
0x8f: {  	_ = 	snop  }
0x90: {  	(tm) =	ssettm $0x1  }
0x91: {  	s17 =	sld [smem:$0x3FFB];
	_ =	sdelay $0x3  }
0x92: {  	_ =	strace s17  }
0x93: {  	s2 =	sld [smem:$0x3FFC];
	_ =	sdelay $0x3  }
0x94: {  	_ =	strace s2  }
0x95: {  	s2 =	sld [smem:$0x3FFD];
	_ =	sdelay $0x3  }
0x96: {  	_ =	strace s2  }
0x97: {  	_ =	strace $0x8FFFFFFF  }
0x98: {  	s18 =	sld [smem:$0x3FDB];
	_ =	sdelay $0x1  }
0x99: {  	s19 =	simm.s32 $_scs_section_size  }
0x9a: {  	s4 =	simm.s32 $_size__tile_overlayer_lowered;
	s5 =	simm.s32 $_tile_overlayer_lowered  }
0x9b: {  	s22 =	simm.s32 $0x1BFF;
	s21 =	sshll.u32 s5, $0x1;
	s2 =	sadd.s32 s19, s18  }
0x9c: {  	s6 =	simm.s32 $0x0;
	s20 =	sshll.u32 s4, $0x1;
	s4 =	sadd.s32 s21, s2  }
0x9d: {  	[timem:s6], [sflag:s22] =	dma.local [hbm:s4], s20  }
0x9e: {  	_ =	swait.ge [sflag:s22], s20  }
0x9f: {  	s3 =	ssub.s32 $0x0, s20;
	[sflag:s22] =	ssyncset.done $0x0  }
0xa0: {  	[sflag:s22] =	ssyncadd.s32 s3;
	_ =	sdelay $0x1  }
0xa1: {  	s23 =	simm.s32 $0x1B8B  }
0xa2: {  	_ =	swait.ge [sflag:s23], $0x1  }
0xa3: {  	[sflag:s23] =	ssyncset.done $0x0  }
0xa4: {  	s25 =	simm.s32 $0x1B8E;
	s24 =	sld [smem:$0x3FFE];
	[sflag:s23] =	ssyncadd.s32 $0xFFFFFFFF  }
0xa5: {  	s26 =	simm.s32 $execute0_lowered;
	[smem:$0x3FD2] =	sst s25  }
0xa6: {  	s4 =	sshll.u32 s26, $0x1;
	_ =	strace $0x8000004C;
	[dreg:$0x1] =	wrdreg $0xFFFFFFFF  }
0xa7: {  	s28 =	simm.s32 $_size_execute0_lowered;
	s2 =	sadd.s32 s2, s4;
	[dreg:$0x0] =	wrdreg $0x0  }
0xa8: {  	s4 =	sshll.u32 s28, $0x1;
	[dreg:$0x2] =	wrdreg s2  }
0xa9: {  	[dreg:$0x3] =	wrdreg s4  }
0xaa: {  	[dreg:$0x4] =	wrdreg $0xC0  }
0xab: {  	_ =	task [dreg:s6], $0x5FFFF  }
0xac: {  	[dreg:$0x1] =	wrdreg $0xFFFFFFFF  }
0xad: {  	[dreg:$0x0] =	wrdreg $0x60  }
0xae: {  	[dreg:$0x2] =	wrdreg s24  }
0xaf: {  	[dreg:$0x3] =	wrdreg $0xA8000  }
0xb0: {  	[dreg:$0x4] =	wrdreg $0x9  }
0xb1: {  	_ =	task.clear_ibuf [dreg:s6], $0x5FFFF;
	_ =	strace $0x9000004C  }
0xb2: {  	s29 =	simm.s32 $0x9;
	_ =	strace $0x8000004E  }
0xb3: {  	_ =	swait.ge [sflag:s29], $0x1  }
0xb4: {  	[sflag:s29] =	ssyncadd.s32 $0xFFFFFFFF  }
0xb5: {  	_ =	strace $0x9000004E  }
0xb6: {  	_ =	sfence  }
0xb7: {  	s30 =	sld [smem:$0x0];
	_ =	sdelay $0x2  }
0xb8: {  	s31 =	sshll.u32 s1, $0xD;
	s1 =	sshrl.u32 s1, $0x2  }
0xb9: {  	s3 =	sand.u32 $0x4000, s31;
	s1 =	sadd.s32 s1, s30  }
0xba: {  	s0 =	sor.u32 s3, s0;
	s1 =	sshll.u32 s1, $0x11  }
0xbb: {  	s0 =	sor.u32 s1, s0  }
0xbc: {  	s0 =	sadd.s32 $0x8F2B, s0  }
0xbd: {  	[sflag:s0] =	ssyncadd.remote.s32 $0x1  }
0xbe: {  	_ =	sfence.sel $0xFFFF  }
0xbf: {  	[dreg:$0x0] =	wrdreg $0xFFFFFFFF;
	(pc) =	sbr.abs _section_cstart, $3  }
0xc0: {  	[dreg:$0x1] =	wrdreg $0xFFFFFFFF  }
0xc1: {  	_ =	task.clear_ibuf [dreg:s6], $0x2FFFF;
	_ =	strace $0x9FFFFFFF  }
0xc2: {  	(tm) =	ssettm $0x7FFFFFFF  }
0xc3: {  	_ =	shalt  }
tec
execute0_lowered:
.L_overlay_start_1:
0x0: {  	(tag) =	ssettag $0x1  }
0x1: {  	s6 =	rddreg [dreg:$0x0]  }
0x2: {  	s1 =	rddreg [dreg:$0x1]  }
0x3: {  	s0 =	rddreg [dreg:$0x2];
	s2 =	simm.s32 $0x0;
	s14 =	stileid.u32  }
0x4: {  	s4 =	srdreg.scid;
	s20 =	simm.s32 $0x6800;
	s21 =	simm.s32 $0x1  }
0x5: {  	s22 =	simm.s32 $0x2;
	s23 =	simm.s32 $0x2700;
	s24 =	simm.s32 $0x2780  }
0x6: {  	s25 =	simm.s32 $0x0;
	[smem:$0x7FF] =	sst s2;
	s3 =	sadd.s32 $0x3EC00, s6  }
0x7: {  	s9 =	sadd.s32 $0x3A00, s6;
	s10 =	smul.u32 $0x2700, s14;
	s11 =	sadd.s32 $0xDA00, s6  }
0x8: {  	s7 =	sand.u32 $0x1, s4;
	s28 =	smul.u32 $0x4E000, s14;
	s12 =	sadd.s32 $0x65E00, s6  }
0x9: {  	s31 =	sshll.u32 s14, $0x6;
	s16 =	sadd.s32 $0x138000, s1;
	p0 =	sne.s32 s14, $0x0  }
0xa: {  	_ =	strace $0x8000004D;
	s8 =	ssub.s32 $0x2, s7;
	s17 =	smul.u32 $0x27100, s7  }
0xb: {  	s15 =	sshll.u32 s7, $0x4;
	s19 =	smul.u32 $0x138800, s7;
	s16 =	sshrl.u32 @!p0 s16, $0x3  }
0xc: {  	s5 =	sadd.s32 s10, s6;
	s13 =	sshrl.u32 s8, $0x1;
	s4 =	sshrl.u32 s28, $0x2  }
0xd: {  	s29 =	sor.u32 s14, s15;
	s6 =	sadd.s32 $0x3EA00, s6;
	s15 =	simm.s32 $0x3  }
0xe: {  	s13 =	ssub.s32 s8, s13;
	s30 =	sadd.s32 s4, s1;
	s8 =	smul.u32 $0x2800, s29  }
0xf: {  	s4 =	sadd.s32 $0x17A00, s5;
	s5 =	sor.u32 $0x1C03, s31;
	s17 =	sadd.s32 s10, s17  }
0x10: {  	s19 =	sshrl.u32 s19, $0x3;
	s13 =	smax.u32 s13, $0x1;
	s18 =	sshrl.u32 s8, $0x3  }
0x11: {  	s7 =	sadd.s32 s9, s18;
	s8 =	sadd.s32 s11, s18;
	s18 =	sadd.s32 $0x280, s18  }
0x12: {  	s14 =	sshrl.u32 s30, $0x3;
	s9 =	sadd.s32 s9, s18;
	s10 =	sadd.s32 s11, s18  }
0x13: {  	s11 =	sadd.s32 s12, s17;
	s12 =	sadd.s32 s12, s19;
	s17 =	simm.s32 $0x1400  }
0x14: {  	s18 =	simm.s32 $0x80;
	s19 =	simm.s32 $0x2800;
	s12 =	sadd.s32 $0x27000, s12  }
.LBB2_1:
0x15: {  	[spmem:s14], [sflag:s5] =	dma.local [hbm:s4], $0x2700  }
0x16: {  	_ =	swait.ge [sflag:s15], $0x2700  }
0x17: {  	[sflag:s15] =	ssyncset.done $0x0  }
0x18: {  	s26 =	simm.s32 @!p0 $0x3;
	[sflag:s15] =	ssyncadd.s32 $0xFFFFD900  }
0x19: {  	[spmem:s16], [sflag:s5] =	dma.local @!p0 [hbm:s6], $0x200  }
0x1a: {  	_ =	swait.ge @!p0 [sflag:s26], $0x200  }
0x1b: {  	[sflag:s26] =	ssyncset.done @!p0 $0x0  }
0x1c: {  	[sflag:s26] =	ssyncadd.s32 @!p0 $0xFFFFFE00  }
0x1d: {  	[bflag:$0x0] =	sbarrier.arrive $0xFFFF  }
0x1e: {  	[tilespmem:s2], [sflag:$0x3] =	stream.linear.gather [hbm4b:s7+s2], $0x1400, $0x38;
	[tilespmem:$0x1E100] =	vst v63  }
0x1f: {  	_ =	swait.ge [sflag:s15], $0x1400  }
0x20: {  	[sflag:s15] =	ssyncset.done $0x0  }
0x21: {  	[sflag:s15] =	ssyncadd.s32 $0xFFFFEC00  }
0x22: {  	[tilespmem:s17], [sflag:$0x3] =	stream.linear.gather [hbm4b:s8+s2], $0x1400, $0x38;
	[tilespmem:$0x1E100] =	vst v63  }
0x23: {  	_ =	swait.ge [sflag:s15], $0x1400  }
0x24: {  	[sflag:s15] =	ssyncset.done $0x0  }
0x25: {  	[sflag:s15] =	ssyncadd.s32 $0xFFFFEC00  }
0x26: {  	[tilespmem:s19], [sflag:$0x1] =	stream.indirect.gather [hbm4b:s3+s18], $0x80, s2, s18, $0xb8;
	[tilespmem:$0x1E100] =	vst v63  }
0x27: {  	_ = 	snop  }
0x28: {  	[tilespmem:s20], [sflag:$0x2] =	stream.indirect.gather [hbm4b:s3+s18], $0x80, s18, s18, $0xb8;
	[tilespmem:$0x1E100] =	vst v63  }
0x29: {  	_ =	swait.ge [sflag:s21], $0x4000  }
0x2a: {  	[sflag:s21] =	ssyncset.done $0x0  }
0x2b: {  	s29 =	simm.s32 $0x1400;
	[sflag:s21] =	ssyncadd.s32 $0xFFFFC000  }
0x2c: {  	[spmem:s1] =	stream.indirect.scatter.add.f32 [tilespmem:s19], [sflag:$0x3], $0x80, s29, s18, $0xb8;
	[tilespmem:$0x1E100] =	vst v63  }
0x2d: {  	_ =	swait.ge [sflag:s15], $0x4000  }
0x2e: {  	[sflag:s15] =	ssyncset.done $0x0  }
0x2f: {  	s30 =	simm.s32 $0x100;
	[sflag:s15] =	ssyncadd.s32 $0xFFFFC000  }
0x30: {  	[tilespmem:s19], [sflag:$0x1] =	stream.indirect.gather [hbm4b:s3+s18], $0x80, s30, s18, $0xb8;
	[tilespmem:$0x1E100] =	vst v63  }
0x31: {  	_ =	swait.ge [sflag:s22], $0x4000  }
0x32: {  	[sflag:s22] =	ssyncset.done $0x0  }
0x33: {  	s31 =	simm.s32 $0x1480;
	[sflag:s22] =	ssyncadd.s32 $0xFFFFC000  }
0x34: {  	[spmem:s1] =	stream.indirect.scatter.add.f32 [tilespmem:s20], [sflag:$0x3], $0x80, s31, s18, $0xb8;
	[tilespmem:$0x1E100] =	vst v63  }
0x35: {  	_ =	swait.ge [sflag:s15], $0x4000  }
0x36: {  	[sflag:s15] =	ssyncset.done $0x0  }
0x37: {  	s28 =	simm.s32 $0x180;
	s26 =	simm.s32 $0x400;
	[sflag:s15] =	ssyncadd.s32 $0xFFFFC000  }
.LBB2_2:
0x38: {  	[tilespmem:s20], [sflag:$0x2] =	stream.indirect.gather [hbm4b:s3+s18], $0x80, s28, s18, $0xb8;
	[tilespmem:$0x1E100] =	vst v63  }
0x39: {  	s28 =	smov.u32 s26  }
0x3a: {  	p1 =	sne.s32 s26, $0x4800;
	s26 =	sadd.s32 $0x400, s26;
	_ =	swait.ge [sflag:s21], $0x4000  }
0x3b: {  	s28 =	sshra.s32 s28, $0x2;
	[sflag:s21] =	ssyncset.done $0x0  }
0x3c: {  	s29 =	sadd.s32 $0x1400, s28;
	[sflag:s21] =	ssyncadd.s32 $0xFFFFC000  }
0x3d: {  	[spmem:s1] =	stream.indirect.scatter.add.f32 [tilespmem:s19], [sflag:$0x3], $0x80, s29, s18, $0xb8;
	[tilespmem:$0x1E100] =	vst v63  }
0x3e: {  	_ =	swait.ge [sflag:s15], $0x4000  }
0x3f: {  	[sflag:s15] =	ssyncset.done $0x0  }
0x40: {  	s29 =	sadd.s32 $0x100, s28;
	[sflag:s15] =	ssyncadd.s32 $0xFFFFC000  }
0x41: {  	[tilespmem:s19], [sflag:$0x1] =	stream.indirect.gather [hbm4b:s3+s18], $0x80, s29, s18, $0xb8;
	[tilespmem:$0x1E100] =	vst v63  }
0x42: {  	_ =	swait.ge [sflag:s22], $0x4000  }
0x43: {  	[sflag:s22] =	ssyncset.done $0x0  }
.Ltmp0:
0x44: {  	s29 =	sadd.s32 $0x1480, s28;
	[sflag:s22] =	ssyncadd.s32 $0xFFFFC000;
	(pc) =	sbr.rel @p1 .LBB2_2-.Ltmp0, $4  }
0x45: {  	[spmem:s1] =	stream.indirect.scatter.add.f32 [tilespmem:s20], [sflag:$0x3], $0x80, s29, s18, $0xb8;
	[tilespmem:$0x1E100] =	vst v63  }
0x46: {  	_ =	swait.ge [sflag:s15], $0x4000  }
0x47: {  	[sflag:s15] =	ssyncset.done $0x0  }
0x48: {  	s28 =	sadd.s32 $0x180, s28;
	[sflag:s15] =	ssyncadd.s32 $0xFFFFC000  }
0x49: {  	[tilespmem:s20], [sflag:$0x2] =	stream.indirect.gather [hbm4b:s3+s18], $0x80, s28, s18, $0xb8;
	[tilespmem:$0x1E100] =	vst v63  }
0x4a: {  	_ =	swait.ge [sflag:s21], $0x4000  }
0x4b: {  	[sflag:s21] =	ssyncset.done $0x0  }
0x4c: {  	[sflag:s21] =	ssyncadd.s32 $0xFFFFC000  }
0x4d: {  	[spmem:s1] =	stream.indirect.scatter.add.f32 [tilespmem:s19], [sflag:$0x3], $0x80, s23, s18, $0xb8;
	[tilespmem:$0x1E100] =	vst v63  }
0x4e: {  	_ =	swait.ge [sflag:s15], $0x4000  }
0x4f: {  	[sflag:s15] =	ssyncset.done $0x0  }
0x50: {  	[sflag:s15] =	ssyncadd.s32 $0xFFFFC000  }
0x51: {  	_ =	swait.ge [sflag:s22], $0x4000  }
0x52: {  	[sflag:s22] =	ssyncset.done $0x0  }
0x53: {  	[sflag:s22] =	ssyncadd.s32 $0xFFFFC000  }
0x54: {  	[spmem:s1] =	stream.indirect.scatter.add.f32 [tilespmem:s20], [sflag:$0x3], $0x80, s24, s18, $0xb8;
	[tilespmem:$0x1E100] =	vst v63  }
0x55: {  	_ =	swait.ge [sflag:s15], $0x4000  }
0x56: {  	[sflag:s15] =	ssyncset.done $0x0  }
0x57: {  	s26 =	simm.s32 $0x0;
	[sflag:s15] =	ssyncadd.s32 $0xFFFFC000  }
0x58: {  	[tilespmem:s26], [sflag:$0x3] =	stream.linear.gather [hbm4b:s9+s26], $0x1400, $0x38;
	[tilespmem:$0x1E100] =	vst v63  }
0x59: {  	_ =	swait.ge [sflag:s15], $0x1400  }
0x5a: {  	[sflag:s15] =	ssyncset.done $0x0  }
0x5b: {  	[sflag:s15] =	ssyncadd.s32 $0xFFFFEC00  }
0x5c: {  	[tilespmem:s17], [sflag:$0x3] =	stream.linear.gather [hbm4b:s10+s26], $0x1400, $0x38;
	[tilespmem:$0x1E100] =	vst v63  }
0x5d: {  	_ =	swait.ge [sflag:s15], $0x1400  }
0x5e: {  	[sflag:s15] =	ssyncset.done $0x0  }
0x5f: {  	[sflag:s15] =	ssyncadd.s32 $0xFFFFEC00  }
0x60: {  	[tilespmem:s19], [sflag:$0x1] =	stream.indirect.gather [hbm4b:s3+s18], $0x80, s26, s18, $0xb8;
	[tilespmem:$0x1E100] =	vst v63  }
0x61: {  	_ = 	snop  }
0x62: {  	[tilespmem:s20], [sflag:$0x2] =	stream.indirect.gather [hbm4b:s3+s18], $0x80, s18, s18, $0xb8;
	[tilespmem:$0x1E100] =	vst v63  }
0x63: {  	_ =	swait.ge [sflag:s21], $0x4000  }
0x64: {  	[sflag:s21] =	ssyncset.done $0x0  }
0x65: {  	s29 =	simm.s32 $0x1400;
	[sflag:s21] =	ssyncadd.s32 $0xFFFFC000  }
0x66: {  	[spmem:s1] =	stream.indirect.scatter.add.f32 [tilespmem:s19], [sflag:$0x3], $0x80, s29, s18, $0xb8;
	[tilespmem:$0x1E100] =	vst v63  }
0x67: {  	_ =	swait.ge [sflag:s15], $0x4000  }
0x68: {  	[sflag:s15] =	ssyncset.done $0x0  }
0x69: {  	s30 =	simm.s32 $0x100;
	[sflag:s15] =	ssyncadd.s32 $0xFFFFC000  }
0x6a: {  	[tilespmem:s19], [sflag:$0x1] =	stream.indirect.gather [hbm4b:s3+s18], $0x80, s30, s18, $0xb8;
	[tilespmem:$0x1E100] =	vst v63  }
0x6b: {  	_ =	swait.ge [sflag:s22], $0x4000  }
0x6c: {  	[sflag:s22] =	ssyncset.done $0x0  }
0x6d: {  	s31 =	simm.s32 $0x1480;
	[sflag:s22] =	ssyncadd.s32 $0xFFFFC000  }
0x6e: {  	[spmem:s1] =	stream.indirect.scatter.add.f32 [tilespmem:s20], [sflag:$0x3], $0x80, s31, s18, $0xb8;
	[tilespmem:$0x1E100] =	vst v63  }
0x6f: {  	_ =	swait.ge [sflag:s15], $0x4000  }
0x70: {  	[sflag:s15] =	ssyncset.done $0x0  }
0x71: {  	s28 =	simm.s32 $0x180;
	s26 =	simm.s32 $0x400;
	[sflag:s15] =	ssyncadd.s32 $0xFFFFC000  }
.LBB2_4:
0x72: {  	[tilespmem:s20], [sflag:$0x2] =	stream.indirect.gather [hbm4b:s3+s18], $0x80, s28, s18, $0xb8;
	[tilespmem:$0x1E100] =	vst v63  }
0x73: {  	s28 =	smov.u32 s26  }
0x74: {  	p1 =	sne.s32 s26, $0x4800;
	s26 =	sadd.s32 $0x400, s26;
	_ =	swait.ge [sflag:s21], $0x4000  }
0x75: {  	s28 =	sshra.s32 s28, $0x2;
	[sflag:s21] =	ssyncset.done $0x0  }
0x76: {  	s29 =	sadd.s32 $0x1400, s28;
	[sflag:s21] =	ssyncadd.s32 $0xFFFFC000  }
0x77: {  	[spmem:s1] =	stream.indirect.scatter.add.f32 [tilespmem:s19], [sflag:$0x3], $0x80, s29, s18, $0xb8;
	[tilespmem:$0x1E100] =	vst v63  }
0x78: {  	_ =	swait.ge [sflag:s15], $0x4000  }
0x79: {  	[sflag:s15] =	ssyncset.done $0x0  }
0x7a: {  	s29 =	sadd.s32 $0x100, s28;
	[sflag:s15] =	ssyncadd.s32 $0xFFFFC000  }
0x7b: {  	[tilespmem:s19], [sflag:$0x1] =	stream.indirect.gather [hbm4b:s3+s18], $0x80, s29, s18, $0xb8;
	[tilespmem:$0x1E100] =	vst v63  }
0x7c: {  	_ =	swait.ge [sflag:s22], $0x4000  }
0x7d: {  	[sflag:s22] =	ssyncset.done $0x0  }
.Ltmp1:
0x7e: {  	s29 =	sadd.s32 $0x1480, s28;
	[sflag:s22] =	ssyncadd.s32 $0xFFFFC000;
	(pc) =	sbr.rel @p1 .LBB2_4-.Ltmp1, $4  }
0x7f: {  	[spmem:s1] =	stream.indirect.scatter.add.f32 [tilespmem:s20], [sflag:$0x3], $0x80, s29, s18, $0xb8;
	[tilespmem:$0x1E100] =	vst v63  }
0x80: {  	_ =	swait.ge [sflag:s15], $0x4000  }
0x81: {  	[sflag:s15] =	ssyncset.done $0x0  }
0x82: {  	s28 =	sadd.s32 $0x180, s28;
	[sflag:s15] =	ssyncadd.s32 $0xFFFFC000  }
0x83: {  	[tilespmem:s20], [sflag:$0x2] =	stream.indirect.gather [hbm4b:s3+s18], $0x80, s28, s18, $0xb8;
	[tilespmem:$0x1E100] =	vst v63  }
0x84: {  	_ =	swait.ge [sflag:s21], $0x4000  }
0x85: {  	[sflag:s21] =	ssyncset.done $0x0  }
0x86: {  	[sflag:s21] =	ssyncadd.s32 $0xFFFFC000  }
0x87: {  	[spmem:s1] =	stream.indirect.scatter.add.f32 [tilespmem:s19], [sflag:$0x3], $0x80, s23, s18, $0xb8;
	[tilespmem:$0x1E100] =	vst v63  }
0x88: {  	_ =	swait.ge [sflag:s15], $0x4000  }
0x89: {  	[sflag:s15] =	ssyncset.done $0x0  }
0x8a: {  	[sflag:s15] =	ssyncadd.s32 $0xFFFFC000  }
0x8b: {  	_ =	swait.ge [sflag:s22], $0x4000  }
0x8c: {  	[sflag:s22] =	ssyncset.done $0x0  }
0x8d: {  	[sflag:s22] =	ssyncadd.s32 $0xFFFFC000  }
0x8e: {  	[spmem:s1] =	stream.indirect.scatter.add.f32 [tilespmem:s20], [sflag:$0x3], $0x80, s24, s18, $0xb8;
	[tilespmem:$0x1E100] =	vst v63  }
0x8f: {  	_ =	swait.ge [sflag:s15], $0x4000  }
0x90: {  	[sflag:s15] =	ssyncset.done $0x0  }
0x91: {  	[sflag:s15] =	ssyncadd.s32 $0xFFFFC000  }
0x92: {  	[bflag:$0x0] =	sbarrier.arrive $0xFFFF  }
0x93: {  	[hbm:s11], [sflag:s5] =	dma.local [spmem:s14], $0x2700  }
0x94: {  	s25 =	sadd.s32 $0x1, s25;
	_ =	swait.ge [sflag:s15], $0x2700  }
0x95: {  	p1 =	sne.s32 s25, s13;
	[sflag:s15] =	ssyncset.done $0x0  }
.Ltmp2:
0x96: {  	s26 =	simm.s32 @!p0 $0x3;
	[sflag:s15] =	ssyncadd.s32 $0xFFFFD900;
	(pc) =	sbr.rel @p1 .LBB2_1-.Ltmp2, $4  }
0x97: {  	[hbm:s12], [sflag:s5] =	dma.local @!p0 [spmem:s16], $0x100  }
0x98: {  	_ =	swait.ge @!p0 [sflag:s26], $0x100  }
0x99: {  	[sflag:s26] =	ssyncset.done @!p0 $0x0  }
0x9a: {  	[sflag:s26] =	ssyncadd.s32 @!p0 $0xFFFFFF00  }
0x9b: {  	_ =	sfence.sel $0x180000  }
0x9c: {  	[bflag:$0x0] =	sbarrier.arrive $0xFFFF  }
0x9d: {  	_ =	strace $0x9000004D  }
0x9e: {  	s0 =	sadd.s32 @!p0 $0x100000, s0;
	[bflag:$0x2] =	sbarrier.arrive $0xFFFF  }
0x9f: {  	[sflag:s0] =	ssyncadd.tile.s32 @!p0 $0x1;
	_ =	shalt  }
.Lfunc_end2:
_tile_overlayer_lowered:
.L_overlay_start_2:
0xa0: {  	(tag) =	ssettag $0x2  }
0xa1: {  	s0 =	rddreg [dreg:$0x0];
	s2 =	stileid.u32  }
0xa2: {  	s1 =	rddreg [dreg:$0x1];
	p0 =	sne.s32 s2, $0x0  }
0xa3: {  	s3 =	rddreg [dreg:$0x2];
	[bflag:$0x3] =	sbarrier.arrive $0xFFFF;
	s2 =	simm.s32 @!p0 $0x1C03  }
0xa4: {  	[timem:s3], [sflag:s2] =	dma.local @!p0 [hbm:s0], s1  }
0xa5: {  	s0 =	simm.s32 @!p0 $0x3  }
0xa6: {  	_ =	swait.ge @!p0 [sflag:s0], s1  }
0xa7: {  	s1 =	ssub.s32 @!p0 $0x0, s1;
	[sflag:s0] =	ssyncset.done @!p0 $0x0  }
0xa8: {  	[sflag:s0] =	ssyncadd.s32 @!p0 s1  }
0xa9: {  	[bflag:$0x3] =	sbarrier.arrive $0xFFFF  }
0xaa: {  	_ =	shalt  }

// kernel: kernel.8.cloned.1.call-start
scs
__scs_entry_jumppad:
0x0: {  	(pc) =	sbr.rel $0x88, $3  }
0x1: {  	(tag) =	ssettag $0x0;
	lr =	simm.s32 $0x1  }
0x2: {  	[smem:$0x3F8B] =	sst lr;
	_ =	strace $0xD0000000  }
0x3: {  	_ = 	snop  }
0x4: {  	_ = 	snop  }
0x5: {  	_ = 	snop  }
0x6: {  	_ = 	snop  }
0x7: {  	_ = 	snop  }
__scs_overlays_trampoline_lowered:
0x8: {  	[smem:$0x3F9A] =	sst s0  }
0x9: {  	[smem:$0x3F9B] =	sst s1  }
0xa: {  	[smem:$0x3F9C] =	sst s2  }
0xb: {  	[smem:$0x3F9D] =	sst s3  }
0xc: {  	[smem:$0x3F9E] =	sst s4  }
0xd: {  	[smem:$0x3F9F] =	sst s5  }
0xe: {  	[smem:$0x3FA0] =	sst s6  }
0xf: {  	[smem:$0x3FA1] =	sst s7  }
0x10: {  	[smem:$0x3FA2] =	sst s8  }
0x11: {  	[smem:$0x3FA3] =	sst s9;
	s0 =	simm.s32 @!p0 $0x0  }
0x12: {  	s1 =	sld [smem:$0x3F89];
	s0 =	simm.s32 @p0 $0x1  }
0x13: {  	[smem:$0x3FA4] =	sst s0;
	s0 =	simm.s32 @!p1 $0x0  }
0x14: {  	s2 =	sld [smem:$0x3F88];
	s0 =	simm.s32 @p1 $0x1  }
0x15: {  	[smem:$0x3FA5] =	sst s0;
	s0 =	simm.s32 @!p2 $0x0  }
0x16: {  	s3 =	sld [smem:$0x3FDB];
	s0 =	simm.s32 @p2 $0x1  }
0x17: {  	s4 =	simm.s32 $0x1BF5;
	[smem:$0x3FA7] =	sst s0  }
0x18: {  	s0 =	sld [smem:$0x3F8A];
	_ =	swait.ge [sflag:s4], $0x0  }
0x19: {  	s7 =	sld [smem:$0x3F8B]  }
0x1a: {  	s8 =	sadd.s32 $0xFFFFE003, lr  }
0x1b: {  	s9 =	sadd.s32 $0xFFFFFEF7, lr;
	s5 =	simm.s32 $0xFFFFFFFF;
	p2 =	slt.u32 s8, $0xFFFFF086  }
0x1c: {  	p1 =	slt.u32 s9, $0xF7A;
	s5 =	simm.s32 @!p2 $0x0  }
0x1d: {  	s5 =	simm.s32 @p1 $0x1;
	p0 =	seq.s32 s7, s2  }
0x1e: {  	s7 =	smul.u32 @!p0 $0xF7A, s2;
	p2 =	seq.s32 @!p0 s5, $0x0  }
0x1f: {  	s9 =	smul.u32 $0xF7A, s1;
	s8 =	simm.s32 @!p0 $0x1BF5;
	p2 =	por !p2, p0  }
0x20: {  	[sflag:s8] =	ssyncset.s32 @!p0 $0xFFFFF086;
	s6 =	sadd.s32 @!p0 s3, s7;
	s7 =	simm.s32 @!p0 $0x108  }
0x21: {  	s3 =	sadd.s32 s3, s9;
	s6 =	sadd.s32 @!p0 $0x88, s6;
	s7 =	simm.s32 @p2 $0x1082  }
0x22: {  	[simem:s7], [sflag:s8] =	dma.local @!p0 [hbm:s6], $0xF7A  }
0x23: {  	s9 =	sor.u32 $0xD0000000, s2;
	s6 =	simm.s32 $0x108;
	_ =	swait.ge @!p0 [sflag:s8], $0x0  }
0x24: {  	s3 =	sadd.s32 $0x88, s3;
	s6 =	simm.s32 @!p1 $0x1082;
	[sflag:s4] =	ssyncset.s32 $0xFFFFF086  }
0x25: {  	[simem:s6], [sflag:s4] =	dma.local [hbm:s3], $0xF7A  }
0x26: {  	[smem:$0x3F8B] =	sst s1;
	(tag) =	ssettag s2;
	_ =	strace s9  }
0x27: {  	s1 =	sld [smem:$0x3F9B]  }
0x28: {  	s2 =	sld [smem:$0x3F9C]  }
0x29: {  	s4 =	sld [smem:$0x3F9E]  }
0x2a: {  	p0 =	seq.s32 s5, $0x0;
	s5 =	sld [smem:$0x3F9F]  }
0x2b: {  	s6 =	sld [smem:$0x3FA0]  }
0x2c: {  	s7 =	sld [smem:$0x3FA1]  }
0x2d: {  	s3 =	simm.s32 $0x108;
	s8 =	sld [smem:$0x3FA2]  }
0x2e: {  	s3 =	simm.s32 @!p0 $0x1082;
	s9 =	sld [smem:$0x3FA3]  }
0x2f: {  	lr =	sadd.s32 s0, s3;
	s0 =	sld [smem:$0x3F9A]  }
0x30: {  	s3 =	sld [smem:$0x3F9D]  }
0x31: {  	[smem:$0x3FA6] =	sst s10  }
0x32: {  	s10 =	sld [smem:$0x3FA4];
	_ =	sdelay $0x3  }
0x33: {  	p0 =	seq.s32 s10, $0x1;
	s10 =	sld [smem:$0x3FA6];
	_ =	sdelay $0x3  }
0x34: {  	[smem:$0x3FA6] =	sst s10  }
0x35: {  	s10 =	sld [smem:$0x3FA5];
	_ =	sdelay $0x3  }
0x36: {  	p1 =	seq.s32 s10, $0x1;
	s10 =	sld [smem:$0x3FA6];
	_ =	sdelay $0x3  }
0x37: {  	[smem:$0x3FA6] =	sst s10  }
0x38: {  	s10 =	sld [smem:$0x3FA7]  }
0x39: {  	_ = 	snop;
	(pc) =	sbr.ind lr, $3  }
0x3a: {  	_ = 	snop  }
0x3b: {  	_ = 	snop  }
0x3c: {  	p2 =	seq.s32 s10, $0x1;
	s10 =	sld [smem:$0x3FA6]  }
0x3d: {  	_ =	shalt  }
0x3e: {  	_ =	shalt  }
0x3f: {  	_ =	shalt  }
0x40: {  	_ =	shalt  }
0x41: {  	_ =	shalt  }
0x42: {  	_ =	shalt  }
0x43: {  	_ =	shalt  }
0x44: {  	_ =	shalt  }
0x45: {  	_ =	shalt  }
0x46: {  	_ =	shalt  }
0x47: {  	_ =	shalt  }
0x48: {  	_ =	shalt  }
0x49: {  	_ =	shalt  }
0x4a: {  	_ =	shalt  }
0x4b: {  	_ =	shalt  }
0x4c: {  	_ =	shalt  }
0x4d: {  	_ =	shalt  }
0x4e: {  	_ =	shalt  }
0x4f: {  	_ =	shalt  }
0x50: {  	_ =	shalt  }
0x51: {  	_ =	shalt  }
0x52: {  	_ =	shalt  }
0x53: {  	_ =	shalt  }
0x54: {  	_ =	shalt  }
0x55: {  	_ =	shalt  }
0x56: {  	_ =	shalt  }
0x57: {  	_ =	shalt  }
0x58: {  	_ =	shalt  }
0x59: {  	_ =	shalt  }
0x5a: {  	_ =	shalt  }
0x5b: {  	_ =	shalt  }
0x5c: {  	_ =	shalt  }
0x5d: {  	_ =	shalt  }
0x5e: {  	_ =	shalt  }
0x5f: {  	_ =	shalt  }
0x60: {  	_ =	shalt  }
0x61: {  	_ =	shalt  }
0x62: {  	_ =	shalt  }
0x63: {  	_ =	shalt  }
0x64: {  	_ =	shalt  }
0x65: {  	_ =	shalt  }
0x66: {  	_ =	shalt  }
0x67: {  	_ =	shalt  }
0x68: {  	_ =	shalt  }
0x69: {  	_ =	shalt  }
0x6a: {  	_ =	shalt  }
0x6b: {  	_ =	shalt  }
0x6c: {  	_ =	shalt  }
0x6d: {  	_ =	shalt  }
0x6e: {  	_ =	shalt  }
0x6f: {  	_ =	shalt  }
0x70: {  	_ =	shalt  }
0x71: {  	_ =	shalt  }
0x72: {  	_ =	shalt  }
0x73: {  	_ =	shalt  }
0x74: {  	_ =	shalt  }
0x75: {  	_ =	shalt  }
0x76: {  	_ =	shalt  }
0x77: {  	_ =	shalt  }
0x78: {  	_ =	shalt  }
0x79: {  	_ =	shalt  }
0x7a: {  	_ =	shalt  }
0x7b: {  	_ =	shalt  }
0x7c: {  	_ =	shalt  }
0x7d: {  	_ =	shalt  }
0x7e: {  	_ =	shalt  }
0x7f: {  	_ =	shalt  }
0x80: {  	_ =	shalt  }
0x81: {  	_ =	shalt  }
0x82: {  	_ =	shalt  }
0x83: {  	_ =	shalt  }
0x84: {  	_ =	shalt  }
0x85: {  	_ =	shalt  }
0x86: {  	_ =	shalt  }
0x87: {  	_ =	shalt  }
.Lfunc_end0:
.L_simem_size_0:
called_computation_lowered:
.L_overlay_start_0:
0x88: {  	s2 =	sld [smem:$0x3FD9]  }
0x89: {  	s3 =	sld [smem:$0x3FFE];
	_ =	sdelay $0x1  }
0x8a: {  	s1 =	srdreg.scid  }
0x8b: {  	s0 =	sand.u32 $0x1, s1  }
0x8c: {  	s17 =	sshll.u32 s0, $0xA;
	s2 =	sadd.s32 s3, s2  }
0x8d: {  	s2 =	sadd.s32 s2, s17  }
0x8e: {  	[smem:$0x3FB2] =	sst s2  }
0x8f: {  	_ = 	snop  }
0x90: {  	s2 =	sld [smem:$0x3FC9];
	(tm) =	ssettm $0x1  }
0x91: {  	s18 =	sld [smem:$0x3FFB];
	_ =	sdelay $0x3  }
0x92: {  	_ =	strace s18  }
0x93: {  	s3 =	sld [smem:$0x3FFC];
	_ =	sdelay $0x3  }
0x94: {  	_ =	strace s3  }
0x95: {  	s3 =	sld [smem:$0x3FFD];
	_ =	sdelay $0x3  }
0x96: {  	_ =	strace s3  }
0x97: {  	_ =	strace $0x8FFFFFFF  }
0x98: {  	s19 =	sld [smem:$0x3FDB];
	_ =	sdelay $0x1  }
0x99: {  	s4 =	simm.s32 $_scs_section_size  }
0x9a: {  	s5 =	simm.s32 $_size__tile_overlayer_lowered;
	s6 =	simm.s32 $_tile_overlayer_lowered  }
0x9b: {  	s22 =	simm.s32 $0x1BFF;
	s21 =	sshll.u32 s6, $0x1;
	s3 =	sadd.s32 s4, s19  }
0x9c: {  	s7 =	simm.s32 $0x0;
	s20 =	sshll.u32 s5, $0x1;
	s5 =	sadd.s32 s21, s3  }
0x9d: {  	[timem:s7], [sflag:s22] =	dma.local [hbm:s5], s20  }
0x9e: {  	_ =	swait.ge [sflag:s22], s20  }
0x9f: {  	s4 =	ssub.s32 $0x0, s20;
	[sflag:s22] =	ssyncset.done $0x0  }
0xa0: {  	[sflag:s22] =	ssyncadd.s32 s4;
	_ =	sdelay $0x1  }
0xa1: {  	s23 =	simm.s32 $0x1B8B  }
0xa2: {  	_ =	swait.ge [sflag:s23], $0x1  }
0xa3: {  	[sflag:s23] =	ssyncset.done $0x0  }
0xa4: {  	s25 =	simm.s32 $0x1B8E;
	s24 =	sld [smem:$0x3FFE];
	[sflag:s23] =	ssyncadd.s32 $0xFFFFFFFF  }
0xa5: {  	s26 =	simm.s32 $execute0_lowered;
	[smem:$0x3FD2] =	sst s25  }
0xa6: {  	s5 =	sshll.u32 s26, $0x1;
	_ =	strace $0x80000046;
	[dreg:$0x1] =	wrdreg $0xFFFFFFFF  }
0xa7: {  	s28 =	simm.s32 $_size_execute0_lowered;
	s3 =	sadd.s32 s3, s5;
	[dreg:$0x0] =	wrdreg $0x0  }
0xa8: {  	s5 =	sshll.u32 s28, $0x1;
	[dreg:$0x2] =	wrdreg s3  }
0xa9: {  	[dreg:$0x3] =	wrdreg s5  }
0xaa: {  	[dreg:$0x4] =	wrdreg $0xC0  }
0xab: {  	_ =	task [dreg:s7], $0x5FFFF  }
0xac: {  	[dreg:$0x1] =	wrdreg $0xFFFFFFFF  }
0xad: {  	[dreg:$0x0] =	wrdreg $0x60  }
0xae: {  	[dreg:$0x2] =	wrdreg s2  }
0xaf: {  	[dreg:$0x3] =	wrdreg s24  }
0xb0: {  	[dreg:$0x4] =	wrdreg $0xA8000  }
0xb1: {  	[dreg:$0x5] =	wrdreg $0x9  }
0xb2: {  	_ =	task.clear_ibuf [dreg:s7], $0x6FFFF;
	_ =	strace $0x90000046  }
0xb3: {  	s29 =	simm.s32 $0x9;
	_ =	strace $0x80000048  }
0xb4: {  	_ =	swait.ge [sflag:s29], $0x1  }
0xb5: {  	[sflag:s29] =	ssyncadd.s32 $0xFFFFFFFF  }
0xb6: {  	_ =	strace $0x90000048  }
0xb7: {  	_ =	sfence  }
0xb8: {  	s30 =	sld [smem:$0x0];
	_ =	sdelay $0x2  }
0xb9: {  	s31 =	sshll.u32 s1, $0xD;
	s1 =	sshrl.u32 s1, $0x2  }
0xba: {  	s3 =	sand.u32 $0x4000, s31;
	s1 =	sadd.s32 s1, s30  }
0xbb: {  	s0 =	sor.u32 s3, s0;
	s1 =	sshll.u32 s1, $0x11  }
0xbc: {  	s0 =	sor.u32 s1, s0  }
0xbd: {  	s0 =	sadd.s32 $0x8F2B, s0  }
0xbe: {  	[sflag:s0] =	ssyncadd.remote.s32 $0x1  }
0xbf: {  	_ =	sfence.sel $0xFFFF  }
0xc0: {  	[dreg:$0x0] =	wrdreg $0xFFFFFFFF;
	(pc) =	sbr.abs _section_cstart, $3  }
0xc1: {  	[dreg:$0x1] =	wrdreg $0xFFFFFFFF  }
0xc2: {  	_ =	task.clear_ibuf [dreg:s7], $0x2FFFF;
	_ =	strace $0x9FFFFFFF  }
0xc3: {  	(tm) =	ssettm $0x7FFFFFFF  }
tec
execute0_lowered:
.L_overlay_start_1:
0x0: {  	(tag) =	ssettag $0x1  }
0x1: {  	s1 =	rddreg [dreg:$0x0]  }
0x2: {  	s6 =	rddreg [dreg:$0x1]  }
0x3: {  	s2 =	rddreg [dreg:$0x2]  }
0x4: {  	s0 =	rddreg [dreg:$0x3];
	s3 =	simm.s32 $0x0  }
0x5: {  	s14 =	stileid.u32;
	s4 =	srdreg.scid;
	s20 =	simm.s32 $0x6800  }
0x6: {  	s21 =	simm.s32 $0x1;
	s22 =	simm.s32 $0x2;
	s23 =	simm.s32 $0x2700  }
0x7: {  	s24 =	simm.s32 $0x2780;
	s25 =	simm.s32 $0x0;
	[smem:$0x7FF] =	sst s3  }
0x8: {  	s9 =	sadd.s32 $0x3A00, s6;
	s10 =	smul.u32 $0x2700, s14;
	s11 =	sadd.s32 $0xDA00, s6  }
0x9: {  	s7 =	sand.u32 $0x1, s4;
	s28 =	smul.u32 $0x4E000, s14;
	s12 =	sadd.s32 $0x3EC00, s6  }
0xa: {  	s31 =	sshll.u32 s14, $0x6;
	s16 =	sadd.s32 $0x138000, s2;
	p0 =	sne.s32 s14, $0x0  }
0xb: {  	_ =	strace $0x80000047;
	s8 =	ssub.s32 $0x2, s7;
	s17 =	smul.u32 $0x27100, s7  }
0xc: {  	s15 =	sshll.u32 s7, $0x4;
	s19 =	smul.u32 $0x138800, s7;
	s16 =	sshrl.u32 @!p0 s16, $0x3  }
0xd: {  	s5 =	sadd.s32 s10, s6;
	s13 =	sshrl.u32 s8, $0x1;
	s4 =	sshrl.u32 s28, $0x2  }
0xe: {  	s29 =	sor.u32 s14, s15;
	s6 =	sadd.s32 $0x3EA00, s6;
	s15 =	simm.s32 $0x3  }
0xf: {  	s13 =	ssub.s32 s8, s13;
	s30 =	sadd.s32 s4, s2;
	s8 =	smul.u32 $0x2800, s29  }
0x10: {  	s4 =	sadd.s32 $0x17A00, s5;
	s5 =	sor.u32 $0x1C03, s31;
	s17 =	sadd.s32 s10, s17  }
0x11: {  	s19 =	sshrl.u32 s19, $0x3;
	s13 =	smax.u32 s13, $0x1;
	s18 =	sshrl.u32 s8, $0x3  }
0x12: {  	s7 =	sadd.s32 s9, s18;
	s8 =	sadd.s32 s11, s18;
	s18 =	sadd.s32 $0x280, s18  }
0x13: {  	s14 =	sshrl.u32 s30, $0x3;
	s9 =	sadd.s32 s9, s18;
	s10 =	sadd.s32 s11, s18  }
0x14: {  	s11 =	sadd.s32 s12, s17;
	s12 =	sadd.s32 s12, s19;
	s17 =	simm.s32 $0x1400  }
0x15: {  	s18 =	simm.s32 $0x80;
	s19 =	simm.s32 $0x2800;
	s12 =	sadd.s32 $0x27000, s12  }
.LBB2_1:
0x16: {  	[spmem:s14], [sflag:s5] =	dma.local [hbm:s4], $0x2700  }
0x17: {  	_ =	swait.ge [sflag:s15], $0x2700  }
0x18: {  	[sflag:s15] =	ssyncset.done $0x0  }
0x19: {  	s26 =	simm.s32 @!p0 $0x3;
	[sflag:s15] =	ssyncadd.s32 $0xFFFFD900  }
0x1a: {  	[spmem:s16], [sflag:s5] =	dma.local @!p0 [hbm:s6], $0x200  }
0x1b: {  	_ =	swait.ge @!p0 [sflag:s26], $0x200  }
0x1c: {  	[sflag:s26] =	ssyncset.done @!p0 $0x0  }
0x1d: {  	[sflag:s26] =	ssyncadd.s32 @!p0 $0xFFFFFE00  }
0x1e: {  	[bflag:$0x0] =	sbarrier.arrive $0xFFFF  }
0x1f: {  	[tilespmem:s3], [sflag:$0x3] =	stream.linear.gather [hbm4b:s7+s3], $0x1400, $0x38;
	[tilespmem:$0x1E100] =	vst v63  }
0x20: {  	_ =	swait.ge [sflag:s15], $0x1400  }
0x21: {  	[sflag:s15] =	ssyncset.done $0x0  }
0x22: {  	[sflag:s15] =	ssyncadd.s32 $0xFFFFEC00  }
0x23: {  	[tilespmem:s17], [sflag:$0x3] =	stream.linear.gather [hbm4b:s8+s3], $0x1400, $0x38;
	[tilespmem:$0x1E100] =	vst v63  }
0x24: {  	_ =	swait.ge [sflag:s15], $0x1400  }
0x25: {  	[sflag:s15] =	ssyncset.done $0x0  }
0x26: {  	[sflag:s15] =	ssyncadd.s32 $0xFFFFEC00  }
0x27: {  	[tilespmem:s19], [sflag:$0x1] =	stream.indirect.gather [hbm4b:s1+s18], $0x80, s3, s18, $0xb8;
	[tilespmem:$0x1E100] =	vst v63  }
0x28: {  	_ = 	snop  }
0x29: {  	[tilespmem:s20], [sflag:$0x2] =	stream.indirect.gather [hbm4b:s1+s18], $0x80, s18, s18, $0xb8;
	[tilespmem:$0x1E100] =	vst v63  }
0x2a: {  	_ =	swait.ge [sflag:s21], $0x4000  }
0x2b: {  	[sflag:s21] =	ssyncset.done $0x0  }
0x2c: {  	s29 =	simm.s32 $0x1400;
	[sflag:s21] =	ssyncadd.s32 $0xFFFFC000  }
0x2d: {  	[spmem:s2] =	stream.indirect.scatter.add.f32 [tilespmem:s19], [sflag:$0x3], $0x80, s29, s18, $0xb8;
	[tilespmem:$0x1E100] =	vst v63  }
0x2e: {  	_ =	swait.ge [sflag:s15], $0x4000  }
0x2f: {  	[sflag:s15] =	ssyncset.done $0x0  }
0x30: {  	s30 =	simm.s32 $0x100;
	[sflag:s15] =	ssyncadd.s32 $0xFFFFC000  }
0x31: {  	[tilespmem:s19], [sflag:$0x1] =	stream.indirect.gather [hbm4b:s1+s18], $0x80, s30, s18, $0xb8;
	[tilespmem:$0x1E100] =	vst v63  }
0x32: {  	_ =	swait.ge [sflag:s22], $0x4000  }
0x33: {  	[sflag:s22] =	ssyncset.done $0x0  }
0x34: {  	s31 =	simm.s32 $0x1480;
	[sflag:s22] =	ssyncadd.s32 $0xFFFFC000  }
0x35: {  	[spmem:s2] =	stream.indirect.scatter.add.f32 [tilespmem:s20], [sflag:$0x3], $0x80, s31, s18, $0xb8;
	[tilespmem:$0x1E100] =	vst v63  }
0x36: {  	_ =	swait.ge [sflag:s15], $0x4000  }
0x37: {  	[sflag:s15] =	ssyncset.done $0x0  }
0x38: {  	s28 =	simm.s32 $0x180;
	s26 =	simm.s32 $0x400;
	[sflag:s15] =	ssyncadd.s32 $0xFFFFC000  }
.LBB2_2:
0x39: {  	[tilespmem:s20], [sflag:$0x2] =	stream.indirect.gather [hbm4b:s1+s18], $0x80, s28, s18, $0xb8;
	[tilespmem:$0x1E100] =	vst v63  }
0x3a: {  	s28 =	smov.u32 s26  }
0x3b: {  	p1 =	sne.s32 s26, $0x4800;
	s26 =	sadd.s32 $0x400, s26;
	_ =	swait.ge [sflag:s21], $0x4000  }
0x3c: {  	s28 =	sshra.s32 s28, $0x2;
	[sflag:s21] =	ssyncset.done $0x0  }
0x3d: {  	s29 =	sadd.s32 $0x1400, s28;
	[sflag:s21] =	ssyncadd.s32 $0xFFFFC000  }
0x3e: {  	[spmem:s2] =	stream.indirect.scatter.add.f32 [tilespmem:s19], [sflag:$0x3], $0x80, s29, s18, $0xb8;
	[tilespmem:$0x1E100] =	vst v63  }
0x3f: {  	_ =	swait.ge [sflag:s15], $0x4000  }
0x40: {  	[sflag:s15] =	ssyncset.done $0x0  }
0x41: {  	s29 =	sadd.s32 $0x100, s28;
	[sflag:s15] =	ssyncadd.s32 $0xFFFFC000  }
0x42: {  	[tilespmem:s19], [sflag:$0x1] =	stream.indirect.gather [hbm4b:s1+s18], $0x80, s29, s18, $0xb8;
	[tilespmem:$0x1E100] =	vst v63  }
0x43: {  	_ =	swait.ge [sflag:s22], $0x4000  }
0x44: {  	[sflag:s22] =	ssyncset.done $0x0  }
.Ltmp0:
0x45: {  	s29 =	sadd.s32 $0x1480, s28;
	[sflag:s22] =	ssyncadd.s32 $0xFFFFC000;
	(pc) =	sbr.rel @p1 .LBB2_2-.Ltmp0, $4  }
0x46: {  	[spmem:s2] =	stream.indirect.scatter.add.f32 [tilespmem:s20], [sflag:$0x3], $0x80, s29, s18, $0xb8;
	[tilespmem:$0x1E100] =	vst v63  }
0x47: {  	_ =	swait.ge [sflag:s15], $0x4000  }
0x48: {  	[sflag:s15] =	ssyncset.done $0x0  }
0x49: {  	s28 =	sadd.s32 $0x180, s28;
	[sflag:s15] =	ssyncadd.s32 $0xFFFFC000  }
0x4a: {  	[tilespmem:s20], [sflag:$0x2] =	stream.indirect.gather [hbm4b:s1+s18], $0x80, s28, s18, $0xb8;
	[tilespmem:$0x1E100] =	vst v63  }
0x4b: {  	_ =	swait.ge [sflag:s21], $0x4000  }
0x4c: {  	[sflag:s21] =	ssyncset.done $0x0  }
0x4d: {  	[sflag:s21] =	ssyncadd.s32 $0xFFFFC000  }
0x4e: {  	[spmem:s2] =	stream.indirect.scatter.add.f32 [tilespmem:s19], [sflag:$0x3], $0x80, s23, s18, $0xb8;
	[tilespmem:$0x1E100] =	vst v63  }
0x4f: {  	_ =	swait.ge [sflag:s15], $0x4000  }
0x50: {  	[sflag:s15] =	ssyncset.done $0x0  }
0x51: {  	[sflag:s15] =	ssyncadd.s32 $0xFFFFC000  }
0x52: {  	_ =	swait.ge [sflag:s22], $0x4000  }
0x53: {  	[sflag:s22] =	ssyncset.done $0x0  }
0x54: {  	[sflag:s22] =	ssyncadd.s32 $0xFFFFC000  }
0x55: {  	[spmem:s2] =	stream.indirect.scatter.add.f32 [tilespmem:s20], [sflag:$0x3], $0x80, s24, s18, $0xb8;
	[tilespmem:$0x1E100] =	vst v63  }
0x56: {  	_ =	swait.ge [sflag:s15], $0x4000  }
0x57: {  	[sflag:s15] =	ssyncset.done $0x0  }
0x58: {  	s26 =	simm.s32 $0x0;
	[sflag:s15] =	ssyncadd.s32 $0xFFFFC000  }
0x59: {  	[tilespmem:s26], [sflag:$0x3] =	stream.linear.gather [hbm4b:s9+s26], $0x1400, $0x38;
	[tilespmem:$0x1E100] =	vst v63  }
0x5a: {  	_ =	swait.ge [sflag:s15], $0x1400  }
0x5b: {  	[sflag:s15] =	ssyncset.done $0x0  }
0x5c: {  	[sflag:s15] =	ssyncadd.s32 $0xFFFFEC00  }
0x5d: {  	[tilespmem:s17], [sflag:$0x3] =	stream.linear.gather [hbm4b:s10+s26], $0x1400, $0x38;
	[tilespmem:$0x1E100] =	vst v63  }
0x5e: {  	_ =	swait.ge [sflag:s15], $0x1400  }
0x5f: {  	[sflag:s15] =	ssyncset.done $0x0  }
0x60: {  	[sflag:s15] =	ssyncadd.s32 $0xFFFFEC00  }
0x61: {  	[tilespmem:s19], [sflag:$0x1] =	stream.indirect.gather [hbm4b:s1+s18], $0x80, s26, s18, $0xb8;
	[tilespmem:$0x1E100] =	vst v63  }
0x62: {  	_ = 	snop  }
0x63: {  	[tilespmem:s20], [sflag:$0x2] =	stream.indirect.gather [hbm4b:s1+s18], $0x80, s18, s18, $0xb8;
	[tilespmem:$0x1E100] =	vst v63  }
0x64: {  	_ =	swait.ge [sflag:s21], $0x4000  }
0x65: {  	[sflag:s21] =	ssyncset.done $0x0  }
0x66: {  	s29 =	simm.s32 $0x1400;
	[sflag:s21] =	ssyncadd.s32 $0xFFFFC000  }
0x67: {  	[spmem:s2] =	stream.indirect.scatter.add.f32 [tilespmem:s19], [sflag:$0x3], $0x80, s29, s18, $0xb8;
	[tilespmem:$0x1E100] =	vst v63  }
0x68: {  	_ =	swait.ge [sflag:s15], $0x4000  }
0x69: {  	[sflag:s15] =	ssyncset.done $0x0  }
0x6a: {  	s30 =	simm.s32 $0x100;
	[sflag:s15] =	ssyncadd.s32 $0xFFFFC000  }
0x6b: {  	[tilespmem:s19], [sflag:$0x1] =	stream.indirect.gather [hbm4b:s1+s18], $0x80, s30, s18, $0xb8;
	[tilespmem:$0x1E100] =	vst v63  }
0x6c: {  	_ =	swait.ge [sflag:s22], $0x4000  }
0x6d: {  	[sflag:s22] =	ssyncset.done $0x0  }
0x6e: {  	s31 =	simm.s32 $0x1480;
	[sflag:s22] =	ssyncadd.s32 $0xFFFFC000  }
0x6f: {  	[spmem:s2] =	stream.indirect.scatter.add.f32 [tilespmem:s20], [sflag:$0x3], $0x80, s31, s18, $0xb8;
	[tilespmem:$0x1E100] =	vst v63  }
0x70: {  	_ =	swait.ge [sflag:s15], $0x4000  }
0x71: {  	[sflag:s15] =	ssyncset.done $0x0  }
0x72: {  	s28 =	simm.s32 $0x180;
	s26 =	simm.s32 $0x400;
	[sflag:s15] =	ssyncadd.s32 $0xFFFFC000  }
.LBB2_4:
0x73: {  	[tilespmem:s20], [sflag:$0x2] =	stream.indirect.gather [hbm4b:s1+s18], $0x80, s28, s18, $0xb8;
	[tilespmem:$0x1E100] =	vst v63  }
0x74: {  	s28 =	smov.u32 s26  }
0x75: {  	p1 =	sne.s32 s26, $0x4800;
	s26 =	sadd.s32 $0x400, s26;
	_ =	swait.ge [sflag:s21], $0x4000  }
0x76: {  	s28 =	sshra.s32 s28, $0x2;
	[sflag:s21] =	ssyncset.done $0x0  }
0x77: {  	s29 =	sadd.s32 $0x1400, s28;
	[sflag:s21] =	ssyncadd.s32 $0xFFFFC000  }
0x78: {  	[spmem:s2] =	stream.indirect.scatter.add.f32 [tilespmem:s19], [sflag:$0x3], $0x80, s29, s18, $0xb8;
	[tilespmem:$0x1E100] =	vst v63  }
0x79: {  	_ =	swait.ge [sflag:s15], $0x4000  }
0x7a: {  	[sflag:s15] =	ssyncset.done $0x0  }
0x7b: {  	s29 =	sadd.s32 $0x100, s28;
	[sflag:s15] =	ssyncadd.s32 $0xFFFFC000  }
0x7c: {  	[tilespmem:s19], [sflag:$0x1] =	stream.indirect.gather [hbm4b:s1+s18], $0x80, s29, s18, $0xb8;
	[tilespmem:$0x1E100] =	vst v63  }
0x7d: {  	_ =	swait.ge [sflag:s22], $0x4000  }
0x7e: {  	[sflag:s22] =	ssyncset.done $0x0  }
.Ltmp1:
0x7f: {  	s29 =	sadd.s32 $0x1480, s28;
	[sflag:s22] =	ssyncadd.s32 $0xFFFFC000;
	(pc) =	sbr.rel @p1 .LBB2_4-.Ltmp1, $4  }
0x80: {  	[spmem:s2] =	stream.indirect.scatter.add.f32 [tilespmem:s20], [sflag:$0x3], $0x80, s29, s18, $0xb8;
	[tilespmem:$0x1E100] =	vst v63  }
0x81: {  	_ =	swait.ge [sflag:s15], $0x4000  }
0x82: {  	[sflag:s15] =	ssyncset.done $0x0  }
0x83: {  	s28 =	sadd.s32 $0x180, s28;
	[sflag:s15] =	ssyncadd.s32 $0xFFFFC000  }
0x84: {  	[tilespmem:s20], [sflag:$0x2] =	stream.indirect.gather [hbm4b:s1+s18], $0x80, s28, s18, $0xb8;
	[tilespmem:$0x1E100] =	vst v63  }
0x85: {  	_ =	swait.ge [sflag:s21], $0x4000  }
0x86: {  	[sflag:s21] =	ssyncset.done $0x0  }
0x87: {  	[sflag:s21] =	ssyncadd.s32 $0xFFFFC000  }
0x88: {  	[spmem:s2] =	stream.indirect.scatter.add.f32 [tilespmem:s19], [sflag:$0x3], $0x80, s23, s18, $0xb8;
	[tilespmem:$0x1E100] =	vst v63  }
0x89: {  	_ =	swait.ge [sflag:s15], $0x4000  }
0x8a: {  	[sflag:s15] =	ssyncset.done $0x0  }
0x8b: {  	[sflag:s15] =	ssyncadd.s32 $0xFFFFC000  }
0x8c: {  	_ =	swait.ge [sflag:s22], $0x4000  }
0x8d: {  	[sflag:s22] =	ssyncset.done $0x0  }
0x8e: {  	[sflag:s22] =	ssyncadd.s32 $0xFFFFC000  }
0x8f: {  	[spmem:s2] =	stream.indirect.scatter.add.f32 [tilespmem:s20], [sflag:$0x3], $0x80, s24, s18, $0xb8;
	[tilespmem:$0x1E100] =	vst v63  }
0x90: {  	_ =	swait.ge [sflag:s15], $0x4000  }
0x91: {  	[sflag:s15] =	ssyncset.done $0x0  }
0x92: {  	[sflag:s15] =	ssyncadd.s32 $0xFFFFC000  }
0x93: {  	[bflag:$0x0] =	sbarrier.arrive $0xFFFF  }
0x94: {  	[hbm:s11], [sflag:s5] =	dma.local [spmem:s14], $0x2700  }
0x95: {  	s25 =	sadd.s32 $0x1, s25;
	_ =	swait.ge [sflag:s15], $0x2700  }
0x96: {  	p1 =	sne.s32 s25, s13;
	[sflag:s15] =	ssyncset.done $0x0  }
.Ltmp2:
0x97: {  	s26 =	simm.s32 @!p0 $0x3;
	[sflag:s15] =	ssyncadd.s32 $0xFFFFD900;
	(pc) =	sbr.rel @p1 .LBB2_1-.Ltmp2, $4  }
0x98: {  	[hbm:s12], [sflag:s5] =	dma.local @!p0 [spmem:s16], $0x100  }
0x99: {  	_ =	swait.ge @!p0 [sflag:s26], $0x100  }
0x9a: {  	[sflag:s26] =	ssyncset.done @!p0 $0x0  }
0x9b: {  	[sflag:s26] =	ssyncadd.s32 @!p0 $0xFFFFFF00  }
0x9c: {  	_ =	sfence.sel $0x180000  }
0x9d: {  	[bflag:$0x0] =	sbarrier.arrive $0xFFFF  }
0x9e: {  	_ =	strace $0x90000047  }
0x9f: {  	s0 =	sadd.s32 @!p0 $0x100000, s0;
	[bflag:$0x2] =	sbarrier.arrive $0xFFFF  }
0xa0: {  	[sflag:s0] =	ssyncadd.tile.s32 @!p0 $0x1;
	_ =	shalt  }
.Lfunc_end2:
_tile_overlayer_lowered:
.L_overlay_start_2:
0xa1: {  	(tag) =	ssettag $0x2  }
0xa2: {  	s0 =	rddreg [dreg:$0x0];
	s2 =	stileid.u32  }
0xa3: {  	s1 =	rddreg [dreg:$0x1];
	p0 =	sne.s32 s2, $0x0  }
0xa4: {  	s3 =	rddreg [dreg:$0x2];
	[bflag:$0x3] =	sbarrier.arrive $0xFFFF;
	s2 =	simm.s32 @!p0 $0x1C03  }
0xa5: {  	[timem:s3], [sflag:s2] =	dma.local @!p0 [hbm:s0], s1  }
0xa6: {  	s0 =	simm.s32 @!p0 $0x3  }
0xa7: {  	_ =	swait.ge @!p0 [sflag:s0], s1  }
0xa8: {  	s1 =	ssub.s32 @!p0 $0x0, s1;
	[sflag:s0] =	ssyncset.done @!p0 $0x0  }
0xa9: {  	[sflag:s0] =	ssyncadd.s32 @!p0 s1  }
0xaa: {  	[bflag:$0x3] =	sbarrier.arrive $0xFFFF  }
0xab: {  	_ =	shalt  }

</sc_bundles>
